<compile_context>
chip_gen: v7x
topology: tpu7x:2x2x1
jax: 0.10.2.dev20260603
libtpu: 0.0.44.dev20260713+nightly
codegen_flags: <defaults>
</compile_context>

<pallas_src>
import jax
import jax.numpy as jnp
from jax import lax
from jax.experimental import pallas as pl
from jax.experimental.pallas import tpu as pltpu
from jax.experimental.pallas import tpu_sc as plsc

N_PROP = 20000
N_PAD = 20480
N_GT = 64
NW = 32
CHUNK = N_PAD // NW
NUM_CLASSES = 80
IOU_THRESH = 0.5
K_FG = 128
K_BG = 384
K_PAD = 400
OUT_PAD = 448
NEG_INF = float("-inf")


def _iota16():
    return lax.iota(jnp.int32, 16)


def _phase_a_body(px1, py1, px2, py2, sc, gx1, gy1, gx2, gy2, gcl,
                  iou_out, fg_out, bg_out, cls_out,
                  px1_v, py1_v, px2_v, py2_v, sc_v,
                  g1_v, g2_v, g3_v, g4_v, gc_v,
                  iou_s, fg_s, bg_s, cls_s, ag_v):
    wid = lax.axis_index("s") * 2 + lax.axis_index("c")
    base = wid * CHUNK

    pltpu.sync_copy(px1.at[pl.ds(base, CHUNK)], px1_v)
    pltpu.sync_copy(py1.at[pl.ds(base, CHUNK)], py1_v)
    pltpu.sync_copy(px2.at[pl.ds(base, CHUNK)], px2_v)
    pltpu.sync_copy(py2.at[pl.ds(base, CHUNK)], py2_v)
    pltpu.sync_copy(sc.at[pl.ds(base, CHUNK)], sc_v)
    pltpu.sync_copy(gx1, g1_v)
    pltpu.sync_copy(gy1, g2_v)
    pltpu.sync_copy(gx2, g3_v)
    pltpu.sync_copy(gy2, g4_v)
    pltpu.sync_copy(gcl, gc_v)

    def area_body(g, _):
        go = g * 16
        ag_v[pl.ds(go, 16)] = ((g3_v[pl.ds(go, 16)] - g1_v[pl.ds(go, 16)])
                               * (g4_v[pl.ds(go, 16)] - g2_v[pl.ds(go, 16)]))
        return ()

    lax.fori_loop(0, N_GT, area_body, ())

    UNR = 4

    def chunk_body(v, _):
        o0 = v * (16 * UNR)
        px1s = [px1_v[pl.ds(o0 + u * 16, 16)] for u in range(UNR)]
        py1s = [py1_v[pl.ds(o0 + u * 16, 16)] for u in range(UNR)]
        px2s = [px2_v[pl.ds(o0 + u * 16, 16)] for u in range(UNR)]
        py2s = [py2_v[pl.ds(o0 + u * 16, 16)] for u in range(UNR)]
        aps = [(px2s[u] - px1s[u]) * (py2s[u] - py1s[u]) for u in range(UNR)]

        def g_body(g, c):
            bis = list(c[:UNR])
            bcs = list(c[UNR:])
            go = g * 16
            g_x1 = g1_v[pl.ds(go, 16)]
            g_y1 = g2_v[pl.ds(go, 16)]
            g_x2 = g3_v[pl.ds(go, 16)]
            g_y2 = g4_v[pl.ds(go, 16)]
            g_c = gc_v[pl.ds(go, 16)]
            ag = ag_v[pl.ds(go, 16)]
            for u in range(UNR):
                w = jnp.maximum(
                    jnp.minimum(g_x2, px2s[u]) - jnp.maximum(g_x1, px1s[u]),
                    0.0)
                h = jnp.maximum(
                    jnp.minimum(g_y2, py2s[u]) - jnp.maximum(g_y1, py1s[u]),
                    0.0)
                inter = w * h
                iou = inter / jnp.maximum(ag + aps[u] - inter, 1e-9)
                upd = iou > bis[u]
                bis[u] = jnp.where(upd, iou, bis[u])
                bcs[u] = jnp.where(upd, g_c, bcs[u])
            return tuple(bis) + tuple(bcs)

        bi0 = jnp.full((16,), -1.0, jnp.float32)
        bc0 = jnp.zeros((16,), jnp.int32)
        res = lax.fori_loop(0, N_GT, g_body, (bi0,) * UNR + (bc0,) * UNR)

        neg = jnp.full((16,), NEG_INF, jnp.float32)
        for u in range(UNR):
            o, bi, bc = o0 + u * 16, res[u], res[UNR + u]
            s = sc_v[pl.ds(o, 16)]
            gidx = base + o + _iota16()
            valid = gidx < N_PROP
            matched = bi >= IOU_THRESH
            fg = jnp.where(
                valid,
                jnp.where(matched, bi, jnp.full((16,), -1.0, jnp.float32)),
                neg)
            bg = jnp.where(
                valid,
                jnp.where(matched, jnp.full((16,), -1e9, jnp.float32), s),
                neg)
            cl = jnp.where(matched, bc, jnp.full((16,), NUM_CLASSES,
                                                 jnp.int32))
            iou_s[pl.ds(o, 16)] = bi
            fg_s[pl.ds(o, 16)] = fg
            bg_s[pl.ds(o, 16)] = bg
            cls_s[pl.ds(o, 16)] = cl
        return ()

    lax.fori_loop(0, CHUNK // (16 * UNR), chunk_body, ())

    pltpu.sync_copy(iou_s, iou_out.at[pl.ds(base, CHUNK)])
    pltpu.sync_copy(fg_s, fg_out.at[pl.ds(base, CHUNK)])
    pltpu.sync_copy(bg_s, bg_out.at[pl.ds(base, CHUNK)])
    pltpu.sync_copy(cls_s, cls_out.at[pl.ds(base, CHUNK)])


SLICE = N_PAD // 16
NVB = SLICE // 16
INT_MIN = -2147483648
INT_MAX = 2147483647


def _phase_b_body(fg_hbm, bg_hbm, cls_hbm, sv_out, si_out, scl_out,
                  key_v, u_v, cls_v, hist, hidx,
                  candU, candI, candC, candD,
                  tieV, tieI, tieC, tieD,
                  dU, dI, dC, st16a, st16b, st16c, st16d,
                  st16e, st16f, st16g, st16h, cnt32, cntb,
                  sh_hist, sh_cnt, sh_candU, sh_candI, sh_candC,
                  sh_outV, sh_outI, sh_outC, sem):
    cid = lax.axis_index("c")
    tid = lax.axis_index("s")
    k = jnp.where(cid == 0, K_FG, K_BG)
    kvec = jnp.broadcast_to(k, (16,))
    one = jnp.ones((16,), jnp.int32)
    zero = jnp.zeros((16,), jnp.int32)
    iot = _iota16()
    sgn = jnp.int32(INT_MIN)
    base = tid * SLICE

    @pl.when(cid == 0)
    def _():
        h1 = pltpu.async_copy(fg_hbm.at[pl.ds(base, SLICE)], key_v, sem)
        h2 = pltpu.async_copy(cls_hbm.at[pl.ds(base, SLICE)], cls_v, sem)
        h1.wait()
        h2.wait()

    @pl.when(cid == 1)
    def _():
        h1 = pltpu.async_copy(bg_hbm.at[pl.ds(base, SLICE)], key_v, sem)
        h2 = pltpu.async_copy(cls_hbm.at[pl.ds(base, SLICE)], cls_v, sem)
        h1.wait()
        h2.wait()

    def z0_body(v, _):
        hist[pl.ds(v * 16, 16)] = zero
        return ()

    lax.fori_loop(0, 128, z0_body, ())
    hbase = cid * 6144
    hz = pltpu.async_copy(hist.at[pl.ds(0, 384)],
                          sh_hist.at[pl.ds(hbase + tid * 384, 384)], sem)

    def u_body(v, _):
        o = v * 16
        b = plsc.bitcast(key_v[pl.ds(o, 16)], jnp.int32)
        u = jnp.where(b < 0, ~b, b ^ sgn)
        u_v[pl.ds(o, 16)] = plsc.bitcast(u, jnp.uint32)
        return ()

    lax.fori_loop(0, NVB, u_body, ())
    hz.wait()
    plsc.subcore_barrier()

    pre = jnp.uint32(0)
    rem = k
    for pnum, (shift, width) in enumerate(((21, 11), (10, 11), (0, 10))):
        nbins = 1 << width
        nb = nbins // 16
        pbase = hbase + pnum * 2048

        def z_body(v, _, pbase=pbase):
            hidx[pl.ds(v * 16, 16)] = pbase + v * 16 + iot
            if pnum:
                hist[pl.ds(v * 16, 16)] = zero
            return ()

        lax.fori_loop(0, 128, z_body, ())

        dmask = jnp.uint32(nbins - 1)
        hi = shift + width
        pre_hi = lax.shift_right_logical(pre, jnp.uint32(hi)) if hi < 32 else None

        def acc_body(v, _, shift=shift, hi=hi, dmask=dmask, pre_hi=pre_hi):
            u = u_v[pl.ds(v * 16, 16)]
            dig = lax.shift_right_logical(u, jnp.uint32(shift)) & dmask
            if pre_hi is None:
                inc = one
            else:
                uh = lax.shift_right_logical(u, jnp.uint32(hi))
                inc = jnp.where(uh == jnp.broadcast_to(pre_hi, (16,)), one, zero)
            plsc.addupdate_scatter(hist, [plsc.bitcast(dig, jnp.int32)], inc)
            return ()

        lax.fori_loop(0, NVB, acc_body, ())

        pltpu.sync_copy(hist, sh_hist.at[hidx], add=True)
        plsc.subcore_barrier()
        pltpu.sync_copy(sh_hist.at[pl.ds(pbase, 2048)], hist.at[pl.ds(0, 2048)])

        def s_cond(c, nb=nb):
            j, above, found, d, g = c
            return (found == 0) & (j < nb)

        def s_step(c, nb=nb):
            j, above, found, d, g = c
            v = nb - 1 - j
            h = hist[pl.ds(v * 16, 16)]
            s_ge = lax.rev(plsc.cumsum(lax.rev(h, (0,))), (0,))
            tot = above + s_ge
            npos = jnp.max(
                jnp.where(tot >= jnp.broadcast_to(rem, (16,)), one, zero)
                * (iot + 1))
            lv = jnp.broadcast_to(npos - 1, (16,))
            gv = above + jnp.sum(jnp.where(iot > lv, h, zero))
            dv = v * 16 + npos - 1
            d = jnp.where(npos > 0, dv, d)
            g = jnp.where(npos > 0, gv, g)
            found = jnp.where(npos > 0, 1, 0)
            above = above + jnp.sum(h)
            return (j + 1, above, found, d, g)

        _, _, _, d, g = lax.while_loop(
            s_cond, s_step,
            (jnp.int32(0), jnp.int32(0), jnp.int32(0), jnp.int32(0),
             jnp.int32(0)))
        pre = pre | lax.shift_left(
            lax.bitcast_convert_type(d, jnp.uint32), jnp.uint32(shift))
        rem = rem - g

    t_u = pre
    tv = jnp.broadcast_to(t_u, (16,))

    def c_body(v, c):
        ng, ne = c
        u = u_v[pl.ds(v * 16, 16)]
        ng = ng + jnp.sum(jnp.where(u > tv, one, zero))
        ne = ne + jnp.sum(jnp.where(u == tv, one, zero))
        return (ng, ne)

    ng_me, ne_me = lax.fori_loop(0, NVB, c_body,
                                 (jnp.int32(0), jnp.int32(0)))
    cbase = cid * 512
    cnt32[pl.ds(0, 16)] = jnp.broadcast_to(ng_me, (16,))
    cnt32[pl.ds(16, 16)] = jnp.broadcast_to(ne_me, (16,))
    hc = pltpu.async_copy(cnt32, sh_cnt.at[pl.ds(cbase + tid * 32, 32)], sem)

    @pl.when(tid == 0)
    def _():
        def pad_body(v, _):
            o = v * 16
            dU[pl.ds(o, 16)] = jnp.full((16,), INT_MIN, jnp.int32)
            dI[pl.ds(o, 16)] = jnp.full((16,), INT_MAX, jnp.int32)
            return ()

        lax.fori_loop(0, K_PAD // 16, pad_body, ())
        p1 = pltpu.async_copy(dU, sh_candU.at[pl.ds(cid * K_PAD, K_PAD)], sem)
        p2 = pltpu.async_copy(dI, sh_candI.at[pl.ds(cid * K_PAD, K_PAD)], sem)
        p1.wait()
        p2.wait()

    hc.wait()
    plsc.subcore_barrier()

    pltpu.sync_copy(sh_cnt.at[pl.ds(cbase, 512)], cntb)
    g_cnt = plsc.load_gather(cntb, [iot * 33])
    e_cnt = plsc.load_gather(cntb, [iot * 33 + 16])
    m_tot = jnp.sum(g_cnt)
    ex_g = plsc.cumsum(g_cnt) - g_cnt
    ex_e = plsc.cumsum(e_cnt) - e_cnt
    tsel = jnp.where(iot == jnp.broadcast_to(tid, (16,)), one, zero)
    base_gt = jnp.sum(tsel * ex_g)
    base_eq = jnp.sum(tsel * ex_e)
    mvec = jnp.broadcast_to(m_tot, (16,))

    junk_c = jnp.broadcast_to(cid * K_PAD + K_BG + tid, (16,))
    junk_o = jnp.broadcast_to(cid * OUT_PAD + K_BG + tid, (16,))

    def pf_body(v, _):
        o = v * 16
        candD[pl.ds(o, 16)] = junk_c
        tieD[pl.ds(o, 16)] = junk_o
        return ()

    lax.fori_loop(0, K_PAD // 16, pf_body, ())

    def comp_body(v, carry):
        off, toff, eqc = carry
        o = v * 16
        u = u_v[pl.ds(o, 16)]
        any_rel = jnp.sum(jnp.where(u >= tv, one, zero))

        def do(carry):
            off, toff, eqc = carry
            kv = key_v[pl.ds(o, 16)]
            cv = cls_v[pl.ds(o, 16)]
            gidx = base + o + iot
            m_gt = u > tv
            s = plsc.bitcast(u, jnp.int32) ^ sgn
            dcand = cid * K_PAD + base_gt + off + plsc.cumsum(
                jnp.where(m_gt, one, zero)) - 1
            plsc.store_compressed(candU.at[pl.ds(off, 16)], s, mask=m_gt)
            plsc.store_compressed(candI.at[pl.ds(off, 16)], gidx, mask=m_gt)
            plsc.store_compressed(candC.at[pl.ds(off, 16)], cv, mask=m_gt)
            plsc.store_compressed(candD.at[pl.ds(off, 16)], dcand, mask=m_gt)
            n_gt = jnp.sum(jnp.where(m_gt, one, zero))
            m_eq = u == tv
            eq1 = jnp.where(m_eq, one, zero)
            pos = eqc + plsc.cumsum(eq1) - 1
            dest = mvec + jnp.broadcast_to(base_eq, (16,)) + pos
            keep = jnp.where(m_eq, dest, kvec) < kvec
            plsc.store_compressed(tieV.at[pl.ds(toff, 16)], kv, mask=keep)
            plsc.store_compressed(tieI.at[pl.ds(toff, 16)], gidx, mask=keep)
            plsc.store_compressed(tieC.at[pl.ds(toff, 16)], cv, mask=keep)
            plsc.store_compressed(tieD.at[pl.ds(toff, 16)],
                                  cid * OUT_PAD + dest, mask=keep)
            return (off + n_gt, toff + jnp.sum(jnp.where(keep, one, zero)),
                    eqc + jnp.sum(eq1))

        return lax.cond(any_rel > 0, do, lambda c: c, (off, toff, eqc))

    lax.fori_loop(0, NVB, comp_body,
                  (jnp.int32(0), jnp.int32(0), jnp.int32(0)))

    hs = [pltpu.async_copy(candU, sh_candU.at[candD], sem),
          pltpu.async_copy(candI, sh_candI.at[candD], sem),
          pltpu.async_copy(candC, sh_candC.at[candD], sem),
          pltpu.async_copy(tieV, sh_outV.at[tieD], sem),
          pltpu.async_copy(tieI, sh_outI.at[tieD], sem),
          pltpu.async_copy(tieC, sh_outC.at[tieD], sem)]
    for h in hs:
        h.wait()
    plsc.subcore_barrier()

    hs = [pltpu.async_copy(sh_candU.at[pl.ds(cid * K_PAD, K_PAD)], dU, sem),
          pltpu.async_copy(sh_candI.at[pl.ds(cid * K_PAD, K_PAD)], dI, sem),
          pltpu.async_copy(sh_candC.at[pl.ds(cid * K_PAD, K_PAD)], dC, sem)]
    for h in hs:
        h.wait()
    dU[pl.ds(K_BG, 16)] = jnp.full((16,), INT_MIN, jnp.int32)
    dI[pl.ds(K_BG, 16)] = jnp.full((16,), INT_MAX, jnp.int32)

    def rank_block(bb, sta, stb, stc, std):
        ao = bb * 16
        aU = dU[pl.ds(ao, 16)]
        aI = dI[pl.ds(ao, 16)]
        aC = dC[pl.ds(ao, 16)]

        def b_body(j, acc):
            def r_body(r, acc):
                idx = j * 16 + ((iot + r) & 15)
                bU = plsc.load_gather(dU, [idx])
                bI = plsc.load_gather(dI, [idx])
                tie = jnp.where(bI < aI, one, zero)
                better = jnp.where(bU > aU, one,
                                   jnp.where(bU == aU, tie, zero))
                return acc + better

            return lax.fori_loop(0, 16, r_body, acc)

        rank = lax.fori_loop(0, K_PAD // 16, b_body, zero)
        lanepos = ao + iot
        wmask = jnp.where(lanepos < mvec, rank, kvec) < kvec
        rc = jnp.maximum(jnp.minimum(rank, kvec - 1), 0)
        ui = aU ^ sgn
        vbits = jnp.where(aU >= 0, aU, ~ui)
        sta[...] = plsc.bitcast(vbits, jnp.float32)
        stb[...] = aI
        stc[...] = aC
        std[...] = jnp.where(wmask, cid * OUT_PAD + rc, junk_o)
        hs = [pltpu.async_copy(sta, sh_outV.at[std], sem),
              pltpu.async_copy(stb, sh_outI.at[std], sem),
              pltpu.async_copy(stc, sh_outC.at[std], sem)]
        for h in hs:
            h.wait()

    rank_block(tid, st16a, st16b, st16c, st16d)

    @pl.when(tid < (K_PAD // 16) - 16)
    def _():
        rank_block(tid + 16, st16e, st16f, st16g, st16h)

    plsc.subcore_barrier()

    @pl.when((cid == 0) & (tid == 0))
    def _():
        hs = [pltpu.async_copy(sh_outV.at[pl.ds(0, K_FG)],
                               tieV.at[pl.ds(0, K_FG)], sem),
              pltpu.async_copy(sh_outI.at[pl.ds(0, K_FG)],
                               tieI.at[pl.ds(0, K_FG)], sem),
              pltpu.async_copy(sh_outC.at[pl.ds(0, K_FG)],
                               tieC.at[pl.ds(0, K_FG)], sem)]
        for h in hs:
            h.wait()
        hs = [pltpu.async_copy(tieV.at[pl.ds(0, K_FG)],
                               sv_out.at[pl.ds(0, K_FG)], sem),
              pltpu.async_copy(tieI.at[pl.ds(0, K_FG)],
                               si_out.at[pl.ds(0, K_FG)], sem),
              pltpu.async_copy(tieC.at[pl.ds(0, K_FG)],
                               scl_out.at[pl.ds(0, K_FG)], sem)]
        for h in hs:
            h.wait()

    @pl.when((cid == 1) & (tid == 0))
    def _():
        hs = [pltpu.async_copy(sh_outV.at[pl.ds(OUT_PAD, K_BG)],
                               tieV.at[pl.ds(0, K_BG)], sem),
              pltpu.async_copy(sh_outI.at[pl.ds(OUT_PAD, K_BG)],
                               tieI.at[pl.ds(0, K_BG)], sem),
              pltpu.async_copy(sh_outC.at[pl.ds(OUT_PAD, K_BG)],
                               tieC.at[pl.ds(0, K_BG)], sem)]
        for h in hs:
            h.wait()
        hs = [pltpu.async_copy(tieV.at[pl.ds(0, K_BG)],
                               sv_out.at[pl.ds(K_FG, K_BG)], sem),
              pltpu.async_copy(tieI.at[pl.ds(0, K_BG)],
                               si_out.at[pl.ds(K_FG, K_BG)], sem),
              pltpu.async_copy(tieC.at[pl.ds(0, K_BG)],
                               scl_out.at[pl.ds(K_FG, K_BG)], sem)]
        for h in hs:
            h.wait()


@jax.jit
def kernel(proposal_boxes, gt_boxes, scores, gt_classes):
    mesh = plsc.VectorSubcoreMesh(core_axis_name="c", subcore_axis_name="s",
                                  num_cores=2, num_subcores=16)
    f32 = jnp.float32
    i32 = jnp.int32

    pb = jnp.pad(proposal_boxes, ((0, N_PAD - N_PROP), (0, 0)))
    px1, py1, px2, py2 = (pb[:, i] for i in range(4))
    sc = jnp.pad(scores, (0, N_PAD - N_PROP))
    g_rep = [jnp.repeat(gt_boxes[:, i], 16) for i in range(4)]
    gcl_rep = jnp.repeat(gt_classes, 16)

    phase_a = pl.kernel(
        _phase_a_body,
        out_type=(
            jax.ShapeDtypeStruct((N_PAD,), f32),
            jax.ShapeDtypeStruct((N_PAD,), f32),
            jax.ShapeDtypeStruct((N_PAD,), f32),
            jax.ShapeDtypeStruct((N_PAD,), i32),
        ),
        mesh=mesh,
        compiler_params=pltpu.CompilerParams(needs_layout_passes=False),
        scratch_types=[
            pltpu.VMEM((CHUNK,), f32), pltpu.VMEM((CHUNK,), f32),
            pltpu.VMEM((CHUNK,), f32), pltpu.VMEM((CHUNK,), f32),
            pltpu.VMEM((CHUNK,), f32),
            pltpu.VMEM((N_GT * 16,), f32), pltpu.VMEM((N_GT * 16,), f32),
            pltpu.VMEM((N_GT * 16,), f32), pltpu.VMEM((N_GT * 16,), f32),
            pltpu.VMEM((N_GT * 16,), i32),
            pltpu.VMEM((CHUNK,), f32), pltpu.VMEM((CHUNK,), f32),
            pltpu.VMEM((CHUNK,), f32), pltpu.VMEM((CHUNK,), i32),
            pltpu.VMEM((N_GT * 16,), f32),
        ],
    )
    iou_p, fg_key, bg_key, cls = phase_a(
        px1, py1, px2, py2, sc, g_rep[0], g_rep[1], g_rep[2], g_rep[3], gcl_rep)

    phase_b = pl.kernel(
        _phase_b_body,
        out_type=(
            jax.ShapeDtypeStruct((512,), f32),
            jax.ShapeDtypeStruct((512,), i32),
            jax.ShapeDtypeStruct((512,), i32),
        ),
        mesh=mesh,
        compiler_params=pltpu.CompilerParams(needs_layout_passes=False),
        scratch_types=[
            pltpu.VMEM((SLICE,), f32),
            pltpu.VMEM((SLICE,), jnp.uint32),
            pltpu.VMEM((SLICE,), i32),
            pltpu.VMEM((2048,), i32),
            pltpu.VMEM((2048,), i32),
            pltpu.VMEM((K_PAD,), i32),
            pltpu.VMEM((K_PAD,), i32),
            pltpu.VMEM((K_PAD,), i32),
            pltpu.VMEM((K_PAD,), i32),
            pltpu.VMEM((K_PAD,), f32),
            pltpu.VMEM((K_PAD,), i32),
            pltpu.VMEM((K_PAD,), i32),
            pltpu.VMEM((K_PAD,), i32),
            pltpu.VMEM((K_PAD,), i32),
            pltpu.VMEM((K_PAD,), i32),
            pltpu.VMEM((K_PAD,), i32),
            pltpu.VMEM((16,), f32),
            pltpu.VMEM((16,), i32),
            pltpu.VMEM((16,), i32),
            pltpu.VMEM((16,), i32),
            pltpu.VMEM((16,), f32),
            pltpu.VMEM((16,), i32),
            pltpu.VMEM((16,), i32),
            pltpu.VMEM((16,), i32),
            pltpu.VMEM((32,), i32),
            pltpu.VMEM((512,), i32),
            pltpu.VMEM_SHARED((2 * 6144,), i32),
            pltpu.VMEM_SHARED((2 * 512,), i32),
            pltpu.VMEM_SHARED((2 * K_PAD,), i32),
            pltpu.VMEM_SHARED((2 * K_PAD,), i32),
            pltpu.VMEM_SHARED((2 * K_PAD,), i32),
            pltpu.VMEM_SHARED((2 * OUT_PAD,), f32),
            pltpu.VMEM_SHARED((2 * OUT_PAD,), i32),
            pltpu.VMEM_SHARED((2 * OUT_PAD,), i32),
            pltpu.SemaphoreType.DMA,
        ],
    )
    sv, si, scl = phase_b(fg_key, bg_key, cls)

    return iou_p[:N_PROP], si, scl, sv

# --- scband reference (transcript-rebuilt; emitter-appended) ---
"""Pipeline reference for scband-standard-roiheads-oln-4432406250001 (READ-ONLY COPY).

The authoritative reference and input builder live on the scoring server;
editing this copy changes nothing except your own understanding.
"""

import jax, jax.numpy as jnp
import numpy as np

NUM_CLASSES = 80
BATCH_PER_IMAGE = 512
POS_FRAC = 0.25
IOU_THRESH = 0.5
N_PROP = 20000
N_GT = 64
IMG = 1024.0


def _make_boxes(key, n):
    k1, k2 = jax.random.split(key)
    xy = jax.random.uniform(k1, (n, 2), dtype=jnp.float32) * (IMG * 0.8)
    wh = jax.random.uniform(k2, (n, 2), dtype=jnp.float32) * (IMG * 0.2) + 4.0
    return jnp.concatenate([xy, xy + wh], axis=1)


def setup_inputs(seed: int = 0) -> dict:
    key = jax.random.key(seed)
    k1, k2, k3, k4 = jax.random.split(key, 4)
    proposal_boxes = _make_boxes(k1, N_PROP)
    gt_boxes = _make_boxes(k2, N_GT)
    scores = jax.random.uniform(k3, (N_PROP,), dtype=jnp.float32)
    gt_classes = jax.random.randint(k4, (N_GT,), 0, NUM_CLASSES, dtype=jnp.int32)
    return {
        "proposal_boxes": proposal_boxes,
        "gt_boxes": gt_boxes,
        "scores": scores,
        "gt_classes": gt_classes,
    }


def pairwise_iou(boxes1, boxes2):
    # boxes1: [M, 4] (gt), boxes2: [N, 4] (proposals); returns [M, N]
    area1 = (boxes1[:, 2] - boxes1[:, 0]) * (boxes1[:, 3] - boxes1[:, 1])
    area2 = (boxes2[:, 2] - boxes2[:, 0]) * (boxes2[:, 3] - boxes2[:, 1])
    lt = jnp.maximum(boxes1[:, None, :2], boxes2[None, :, :2])
    rb = jnp.minimum(boxes1[:, None, 2:], boxes2[None, :, 2:])
    wh = jnp.clip(rb - lt, 0.0)
    inter = wh[..., 0] * wh[..., 1]
    union = area1[:, None] + area2[None, :] - inter
    return inter / jnp.maximum(union, 1e-9)


def reference(proposal_boxes, gt_boxes, scores, gt_classes):
    # 1) match quality matrix between gt and proposals (detectron2 pairwise_iou)
    iou = pairwise_iou(gt_boxes, proposal_boxes)  # [M, N]
    # 2) Matcher: best-matched gt per proposal + threshold labels
    iou_with_gt = jnp.max(iou, axis=0)            # [N]
    matched_idxs = jnp.argmax(iou, axis=0)        # [N]
    matched_labels = (iou_with_gt >= IOU_THRESH).astype(jnp.int32)
    # 3) assign classification labels (background = NUM_CLASSES)
    gtc = jnp.take(gt_classes, matched_idxs, axis=0)
    gtc = jnp.where(matched_labels == 0, NUM_CLASSES, gtc)
    # 4) subsample: fg by IoU, bg by objectness score (deterministic top-k stand-in
    #    for random subsample_labels, same fg/bg budget)
    num_fg = int(BATCH_PER_IMAGE * POS_FRAC)
    num_bg = BATCH_PER_IMAGE - num_fg
    fg_key = jnp.where(matched_labels == 1, iou_with_gt, -1.0)
    fg_vals, fg_idx = jax.lax.top_k(fg_key, num_fg)
    bg_key = jnp.where(matched_labels == 0, scores, -1e9)
    bg_vals, bg_idx = jax.lax.top_k(bg_key, num_bg)
    sampled_idxs = jnp.concatenate([fg_idx, bg_idx], axis=0)
    sampled_classes = jnp.take(gtc, sampled_idxs, axis=0)
    sampled_vals = jnp.concatenate([fg_vals, bg_vals], axis=0)
    return iou_with_gt, sampled_idxs, sampled_classes, sampled_vals

if __name__ == "__main__":
    import jax
    _d = setup_inputs()
    print(jax.jit(kernel)(*tuple(_d.values())))

</pallas_src>

<mosaic_0001>
#map = affine_map<(d0, d1) -> (0)>
module attributes {stable_mosaic.version = 14 : i64} {
  func.func @_phase_a_body(%arg0: i32, %arg1: i32, %arg2: memref<20480xf32, #tpu.memory_space<hbm>>, %arg3: memref<20480xf32, #tpu.memory_space<hbm>>, %arg4: memref<20480xf32, #tpu.memory_space<hbm>>, %arg5: memref<20480xf32, #tpu.memory_space<hbm>>, %arg6: memref<20480xf32, #tpu.memory_space<hbm>>, %arg7: memref<1024xf32, #tpu.memory_space<hbm>>, %arg8: memref<1024xf32, #tpu.memory_space<hbm>>, %arg9: memref<1024xf32, #tpu.memory_space<hbm>>, %arg10: memref<1024xf32, #tpu.memory_space<hbm>>, %arg11: memref<1024xi32, #tpu.memory_space<hbm>>, %arg12: memref<20480xf32, #tpu.memory_space<hbm>>, %arg13: memref<20480xf32, #tpu.memory_space<hbm>>, %arg14: memref<20480xf32, #tpu.memory_space<hbm>>, %arg15: memref<20480xi32, #tpu.memory_space<hbm>>, %arg16: memref<640xf32, #tpu.memory_space<vmem>>, %arg17: memref<640xf32, #tpu.memory_space<vmem>>, %arg18: memref<640xf32, #tpu.memory_space<vmem>>, %arg19: memref<640xf32, #tpu.memory_space<vmem>>, %arg20: memref<640xf32, #tpu.memory_space<vmem>>, %arg21: memref<1024xf32, #tpu.memory_space<vmem>>, %arg22: memref<1024xf32, #tpu.memory_space<vmem>>, %arg23: memref<1024xf32, #tpu.memory_space<vmem>>, %arg24: memref<1024xf32, #tpu.memory_space<vmem>>, %arg25: memref<1024xi32, #tpu.memory_space<vmem>>, %arg26: memref<640xf32, #tpu.memory_space<vmem>>, %arg27: memref<640xf32, #tpu.memory_space<vmem>>, %arg28: memref<640xf32, #tpu.memory_space<vmem>>, %arg29: memref<640xi32, #tpu.memory_space<vmem>>, %arg30: memref<1024xf32, #tpu.memory_space<vmem>>) attributes {dimension_semantics = [#tpu.dimension_semantics<core_parallel>, #tpu.dimension_semantics<subcore_parallel>], iteration_bounds = array<i64: 2, 16>, scalar_prefetch = 0 : i64, scratch_operands = 15 : i64, tpu.core_type = #tpu.core_type<sc_vector_subcore>, window_params = [{transform_indices = #map}, {transform_indices = #map}, {transform_indices = #map}, {transform_indices = #map}, {transform_indices = #map}, {transform_indices = #map}, {transform_indices = #map}, {transform_indices = #map}, {transform_indices = #map}, {transform_indices = #map}, {transform_indices = #map}, {transform_indices = #map}, {transform_indices = #map}, {transform_indices = #map}]} {
    %mul3A = arith.constant 2 : i32
    %mul3A_0 = arith.muli %arg1, %mul3A : i32
    %add3A = arith.addi %mul3A_0, %arg0 : i32
    %mul3A_1 = arith.constant 640 : i32
    %mul3A_2 = arith.muli %add3A, %mul3A_1 : i32
    "tpu.region"() ({
      %run_scoped3A = tpu.sem_alloc : memref<!tpu.dma_semaphore, #tpu.memory_space<semaphore_mem>>
      %dma_start3A = tpu.memref_slice %arg2[%mul3A_2] : memref<20480xf32, #tpu.memory_space<hbm>> -> memref<640xf32, #tpu.memory_space<hbm>>
      %dma_start3A_12 = tpu.memref_slice %arg2[%mul3A_2] : memref<20480xf32, #tpu.memory_space<hbm>> -> memref<640xf32, #tpu.memory_space<hbm>>
      tpu.enqueue_dma source(%dma_start3A_12 : memref<640xf32, #tpu.memory_space<hbm>>) target(%arg16 : memref<640xf32, #tpu.memory_space<vmem>>) target_semaphore(%run_scoped3A : memref<!tpu.dma_semaphore, #tpu.memory_space<semaphore_mem>>)
      %dma_wait3A = tpu.memref_slice %arg2[%mul3A_2] : memref<20480xf32, #tpu.memory_space<hbm>> -> memref<640xf32, #tpu.memory_space<hbm>>
      %dma_wait3A_13 = tpu.memref_slice %arg2[%mul3A_2] : memref<20480xf32, #tpu.memory_space<hbm>> -> memref<640xf32, #tpu.memory_space<hbm>>
      tpu.wait_dma2 semaphore(%run_scoped3A : memref<!tpu.dma_semaphore, #tpu.memory_space<semaphore_mem>>) src(%dma_wait3A_13 : memref<640xf32, #tpu.memory_space<hbm>>) dst(%arg16 : memref<640xf32, #tpu.memory_space<vmem>>)
      tpu.yield
    }) : () -> ()
    "tpu.region"() ({
      %run_scoped3A = tpu.sem_alloc : memref<!tpu.dma_semaphore, #tpu.memory_space<semaphore_mem>>
      %dma_start3A = tpu.memref_slice %arg3[%mul3A_2] : memref<20480xf32, #tpu.memory_space<hbm>> -> memref<640xf32, #tpu.memory_space<hbm>>
      %dma_start3A_12 = tpu.memref_slice %arg3[%mul3A_2] : memref<20480xf32, #tpu.memory_space<hbm>> -> memref<640xf32, #tpu.memory_space<hbm>>
      tpu.enqueue_dma source(%dma_start3A_12 : memref<640xf32, #tpu.memory_space<hbm>>) target(%arg17 : memref<640xf32, #tpu.memory_space<vmem>>) target_semaphore(%run_scoped3A : memref<!tpu.dma_semaphore, #tpu.memory_space<semaphore_mem>>)
      %dma_wait3A = tpu.memref_slice %arg3[%mul3A_2] : memref<20480xf32, #tpu.memory_space<hbm>> -> memref<640xf32, #tpu.memory_space<hbm>>
      %dma_wait3A_13 = tpu.memref_slice %arg3[%mul3A_2] : memref<20480xf32, #tpu.memory_space<hbm>> -> memref<640xf32, #tpu.memory_space<hbm>>
      tpu.wait_dma2 semaphore(%run_scoped3A : memref<!tpu.dma_semaphore, #tpu.memory_space<semaphore_mem>>) src(%dma_wait3A_13 : memref<640xf32, #tpu.memory_space<hbm>>) dst(%arg17 : memref<640xf32, #tpu.memory_space<vmem>>)
      tpu.yield
    }) : () -> ()
    "tpu.region"() ({
      %run_scoped3A = tpu.sem_alloc : memref<!tpu.dma_semaphore, #tpu.memory_space<semaphore_mem>>
      %dma_start3A = tpu.memref_slice %arg4[%mul3A_2] : memref<20480xf32, #tpu.memory_space<hbm>> -> memref<640xf32, #tpu.memory_space<hbm>>
      %dma_start3A_12 = tpu.memref_slice %arg4[%mul3A_2] : memref<20480xf32, #tpu.memory_space<hbm>> -> memref<640xf32, #tpu.memory_space<hbm>>
      tpu.enqueue_dma source(%dma_start3A_12 : memref<640xf32, #tpu.memory_space<hbm>>) target(%arg18 : memref<640xf32, #tpu.memory_space<vmem>>) target_semaphore(%run_scoped3A : memref<!tpu.dma_semaphore, #tpu.memory_space<semaphore_mem>>)
      %dma_wait3A = tpu.memref_slice %arg4[%mul3A_2] : memref<20480xf32, #tpu.memory_space<hbm>> -> memref<640xf32, #tpu.memory_space<hbm>>
      %dma_wait3A_13 = tpu.memref_slice %arg4[%mul3A_2] : memref<20480xf32, #tpu.memory_space<hbm>> -> memref<640xf32, #tpu.memory_space<hbm>>
      tpu.wait_dma2 semaphore(%run_scoped3A : memref<!tpu.dma_semaphore, #tpu.memory_space<semaphore_mem>>) src(%dma_wait3A_13 : memref<640xf32, #tpu.memory_space<hbm>>) dst(%arg18 : memref<640xf32, #tpu.memory_space<vmem>>)
      tpu.yield
    }) : () -> ()
    "tpu.region"() ({
      %run_scoped3A = tpu.sem_alloc : memref<!tpu.dma_semaphore, #tpu.memory_space<semaphore_mem>>
      %dma_start3A = tpu.memref_slice %arg5[%mul3A_2] : memref<20480xf32, #tpu.memory_space<hbm>> -> memref<640xf32, #tpu.memory_space<hbm>>
      %dma_start3A_12 = tpu.memref_slice %arg5[%mul3A_2] : memref<20480xf32, #tpu.memory_space<hbm>> -> memref<640xf32, #tpu.memory_space<hbm>>
      tpu.enqueue_dma source(%dma_start3A_12 : memref<640xf32, #tpu.memory_space<hbm>>) target(%arg19 : memref<640xf32, #tpu.memory_space<vmem>>) target_semaphore(%run_scoped3A : memref<!tpu.dma_semaphore, #tpu.memory_space<semaphore_mem>>)
      %dma_wait3A = tpu.memref_slice %arg5[%mul3A_2] : memref<20480xf32, #tpu.memory_space<hbm>> -> memref<640xf32, #tpu.memory_space<hbm>>
      %dma_wait3A_13 = tpu.memref_slice %arg5[%mul3A_2] : memref<20480xf32, #tpu.memory_space<hbm>> -> memref<640xf32, #tpu.memory_space<hbm>>
      tpu.wait_dma2 semaphore(%run_scoped3A : memref<!tpu.dma_semaphore, #tpu.memory_space<semaphore_mem>>) src(%dma_wait3A_13 : memref<640xf32, #tpu.memory_space<hbm>>) dst(%arg19 : memref<640xf32, #tpu.memory_space<vmem>>)
      tpu.yield
    }) : () -> ()
    "tpu.region"() ({
      %run_scoped3A = tpu.sem_alloc : memref<!tpu.dma_semaphore, #tpu.memory_space<semaphore_mem>>
      %dma_start3A = tpu.memref_slice %arg6[%mul3A_2] : memref<20480xf32, #tpu.memory_space<hbm>> -> memref<640xf32, #tpu.memory_space<hbm>>
      %dma_start3A_12 = tpu.memref_slice %arg6[%mul3A_2] : memref<20480xf32, #tpu.memory_space<hbm>> -> memref<640xf32, #tpu.memory_space<hbm>>
      tpu.enqueue_dma source(%dma_start3A_12 : memref<640xf32, #tpu.memory_space<hbm>>) target(%arg20 : memref<640xf32, #tpu.memory_space<vmem>>) target_semaphore(%run_scoped3A : memref<!tpu.dma_semaphore, #tpu.memory_space<semaphore_mem>>)
      %dma_wait3A = tpu.memref_slice %arg6[%mul3A_2] : memref<20480xf32, #tpu.memory_space<hbm>> -> memref<640xf32, #tpu.memory_space<hbm>>
      %dma_wait3A_13 = tpu.memref_slice %arg6[%mul3A_2] : memref<20480xf32, #tpu.memory_space<hbm>> -> memref<640xf32, #tpu.memory_space<hbm>>
      tpu.wait_dma2 semaphore(%run_scoped3A : memref<!tpu.dma_semaphore, #tpu.memory_space<semaphore_mem>>) src(%dma_wait3A_13 : memref<640xf32, #tpu.memory_space<hbm>>) dst(%arg20 : memref<640xf32, #tpu.memory_space<vmem>>)
      tpu.yield
    }) : () -> ()
    "tpu.region"() ({
      %run_scoped3A = tpu.sem_alloc : memref<!tpu.dma_semaphore, #tpu.memory_space<semaphore_mem>>
      tpu.enqueue_dma source(%arg7 : memref<1024xf32, #tpu.memory_space<hbm>>) target(%arg21 : memref<1024xf32, #tpu.memory_space<vmem>>) target_semaphore(%run_scoped3A : memref<!tpu.dma_semaphore, #tpu.memory_space<semaphore_mem>>)
      tpu.wait_dma2 semaphore(%run_scoped3A : memref<!tpu.dma_semaphore, #tpu.memory_space<semaphore_mem>>) src(%arg7 : memref<1024xf32, #tpu.memory_space<hbm>>) dst(%arg21 : memref<1024xf32, #tpu.memory_space<vmem>>)
      tpu.yield
    }) : () -> ()
    "tpu.region"() ({
      %run_scoped3A = tpu.sem_alloc : memref<!tpu.dma_semaphore, #tpu.memory_space<semaphore_mem>>
      tpu.enqueue_dma source(%arg8 : memref<1024xf32, #tpu.memory_space<hbm>>) target(%arg22 : memref<1024xf32, #tpu.memory_space<vmem>>) target_semaphore(%run_scoped3A : memref<!tpu.dma_semaphore, #tpu.memory_space<semaphore_mem>>)
      tpu.wait_dma2 semaphore(%run_scoped3A : memref<!tpu.dma_semaphore, #tpu.memory_space<semaphore_mem>>) src(%arg8 : memref<1024xf32, #tpu.memory_space<hbm>>) dst(%arg22 : memref<1024xf32, #tpu.memory_space<vmem>>)
      tpu.yield
    }) : () -> ()
    "tpu.region"() ({
      %run_scoped3A = tpu.sem_alloc : memref<!tpu.dma_semaphore, #tpu.memory_space<semaphore_mem>>
      tpu.enqueue_dma source(%arg9 : memref<1024xf32, #tpu.memory_space<hbm>>) target(%arg23 : memref<1024xf32, #tpu.memory_space<vmem>>) target_semaphore(%run_scoped3A : memref<!tpu.dma_semaphore, #tpu.memory_space<semaphore_mem>>)
      tpu.wait_dma2 semaphore(%run_scoped3A : memref<!tpu.dma_semaphore, #tpu.memory_space<semaphore_mem>>) src(%arg9 : memref<1024xf32, #tpu.memory_space<hbm>>) dst(%arg23 : memref<1024xf32, #tpu.memory_space<vmem>>)
      tpu.yield
    }) : () -> ()
    "tpu.region"() ({
      %run_scoped3A = tpu.sem_alloc : memref<!tpu.dma_semaphore, #tpu.memory_space<semaphore_mem>>
      tpu.enqueue_dma source(%arg10 : memref<1024xf32, #tpu.memory_space<hbm>>) target(%arg24 : memref<1024xf32, #tpu.memory_space<vmem>>) target_semaphore(%run_scoped3A : memref<!tpu.dma_semaphore, #tpu.memory_space<semaphore_mem>>)
      tpu.wait_dma2 semaphore(%run_scoped3A : memref<!tpu.dma_semaphore, #tpu.memory_space<semaphore_mem>>) src(%arg10 : memref<1024xf32, #tpu.memory_space<hbm>>) dst(%arg24 : memref<1024xf32, #tpu.memory_space<vmem>>)
      tpu.yield
    }) : () -> ()
    "tpu.region"() ({
      %run_scoped3A = tpu.sem_alloc : memref<!tpu.dma_semaphore, #tpu.memory_space<semaphore_mem>>
      tpu.enqueue_dma source(%arg11 : memref<1024xi32, #tpu.memory_space<hbm>>) target(%arg25 : memref<1024xi32, #tpu.memory_space<vmem>>) target_semaphore(%run_scoped3A : memref<!tpu.dma_semaphore, #tpu.memory_space<semaphore_mem>>)
      tpu.wait_dma2 semaphore(%run_scoped3A : memref<!tpu.dma_semaphore, #tpu.memory_space<semaphore_mem>>) src(%arg11 : memref<1024xi32, #tpu.memory_space<hbm>>) dst(%arg25 : memref<1024xi32, #tpu.memory_space<vmem>>)
      tpu.yield
    }) : () -> ()
    %scan3A = arith.constant 0 : i32
    %scan3A_3 = arith.constant 64 : i32
    %scan3A_4 = arith.addi %scan3A, %scan3A_3 : i32
    %scan3A_5 = arith.constant 1 : i32
    scf.for %scan3A_12 = %scan3A to %scan3A_4 step %scan3A_5  : i32 {
      %mul3A_13 = arith.constant 16 : i32
      %mul3A_14 = arith.muli %scan3A_12, %mul3A_13 : i32
      %get3A = arith.index_cast %mul3A_14 : i32 to index
      %get3A_15 = tpu.vector_load %arg23[%get3A] {strides = array<i32>} : memref<1024xf32, #tpu.memory_space<vmem>>, vector<16xf32>,
      %get3A_16 = arith.index_cast %mul3A_14 : i32 to index
      %get3A_17 = tpu.vector_load %arg21[%get3A_16] {strides = array<i32>} : memref<1024xf32, #tpu.memory_space<vmem>>, vector<16xf32>,
      %sub3A = arith.subf %get3A_15, %get3A_17 : vector<16xf32>
      %get3A_18 = arith.index_cast %mul3A_14 : i32 to index
      %get3A_19 = tpu.vector_load %arg24[%get3A_18] {strides = array<i32>} : memref<1024xf32, #tpu.memory_space<vmem>>, vector<16xf32>,
      %get3A_20 = arith.index_cast %mul3A_14 : i32 to index
      %get3A_21 = tpu.vector_load %arg22[%get3A_20] {strides = array<i32>} : memref<1024xf32, #tpu.memory_space<vmem>>, vector<16xf32>,
      %sub3A_22 = arith.subf %get3A_19, %get3A_21 : vector<16xf32>
      %mul3A_23 = arith.mulf %sub3A, %sub3A_22 : vector<16xf32>
      %swap3A = arith.index_cast %mul3A_14 : i32 to index
      %swap3A_24 = tpu.vector_load %arg30[%swap3A] {strides = array<i32>} : memref<1024xf32, #tpu.memory_space<vmem>>, vector<16xf32>,
      tpu.vector_store %arg30[%swap3A], %mul3A_23 {strides = array<i32>} : memref<1024xf32, #tpu.memory_space<vmem>>, vector<16xf32>,
    }
    %scan3A_6 = arith.constant 64 : i32
    %scan3A_7 = arith.constant 0 : i32
    %scan3A_8 = arith.constant 10 : i32
    %scan3A_9 = arith.addi %scan3A_7, %scan3A_8 : i32
    %scan3A_10 = arith.constant 1 : i32
    scf.for %scan3A_12 = %scan3A_7 to %scan3A_9 step %scan3A_10  : i32 {
      %mul3A_13 = arith.constant 64 : i32
      %mul3A_14 = arith.muli %scan3A_12, %mul3A_13 : i32
      %add3A_15 = arith.constant 0 : i32
      %add3A_16 = arith.addi %mul3A_14, %add3A_15 : i32
      %get3A = arith.index_cast %add3A_16 : i32 to index
      %get3A_17 = tpu.vector_load %arg16[%get3A] {strides = array<i32>} : memref<640xf32, #tpu.memory_space<vmem>>, vector<16xf32>,
      %add3A_18 = arith.constant 16 : i32
      %add3A_19 = arith.addi %mul3A_14, %add3A_18 : i32
      %get3A_20 = arith.index_cast %add3A_19 : i32 to index
      %get3A_21 = tpu.vector_load %arg16[%get3A_20] {strides = array<i32>} : memref<640xf32, #tpu.memory_space<vmem>>, vector<16xf32>,
      %add3A_22 = arith.constant 32 : i32
      %add3A_23 = arith.addi %mul3A_14, %add3A_22 : i32
      %get3A_24 = arith.index_cast %add3A_23 : i32 to index
      %get3A_25 = tpu.vector_load %arg16[%get3A_24] {strides = array<i32>} : memref<640xf32, #tpu.memory_space<vmem>>, vector<16xf32>,
      %add3A_26 = arith.constant 48 : i32
      %add3A_27 = arith.addi %mul3A_14, %add3A_26 : i32
      %get3A_28 = arith.index_cast %add3A_27 : i32 to index
      %get3A_29 = tpu.vector_load %arg16[%get3A_28] {strides = array<i32>} : memref<640xf32, #tpu.memory_space<vmem>>, vector<16xf32>,
      %add3A_30 = arith.constant 0 : i32
      %add3A_31 = arith.addi %mul3A_14, %add3A_30 : i32
      %get3A_32 = arith.index_cast %add3A_31 : i32 to index
      %get3A_33 = tpu.vector_load %arg17[%get3A_32] {strides = array<i32>} : memref<640xf32, #tpu.memory_space<vmem>>, vector<16xf32>,
      %add3A_34 = arith.constant 16 : i32
      %add3A_35 = arith.addi %mul3A_14, %add3A_34 : i32
      %get3A_36 = arith.index_cast %add3A_35 : i32 to index
      %get3A_37 = tpu.vector_load %arg17[%get3A_36] {strides = array<i32>} : memref<640xf32, #tpu.memory_space<vmem>>, vector<16xf32>,
      %add3A_38 = arith.constant 32 : i32
      %add3A_39 = arith.addi %mul3A_14, %add3A_38 : i32
      %get3A_40 = arith.index_cast %add3A_39 : i32 to index
      %get3A_41 = tpu.vector_load %arg17[%get3A_40] {strides = array<i32>} : memref<640xf32, #tpu.memory_space<vmem>>, vector<16xf32>,
      %add3A_42 = arith.constant 48 : i32
      %add3A_43 = arith.addi %mul3A_14, %add3A_42 : i32
      %get3A_44 = arith.index_cast %add3A_43 : i32 to index
      %get3A_45 = tpu.vector_load %arg17[%get3A_44] {strides = array<i32>} : memref<640xf32, #tpu.memory_space<vmem>>, vector<16xf32>,
      %add3A_46 = arith.constant 0 : i32
      %add3A_47 = arith.addi %mul3A_14, %add3A_46 : i32
      %get3A_48 = arith.index_cast %add3A_47 : i32 to index
      %get3A_49 = tpu.vector_load %arg18[%get3A_48] {strides = array<i32>} : memref<640xf32, #tpu.memory_space<vmem>>, vector<16xf32>,
      %add3A_50 = arith.constant 16 : i32
      %add3A_51 = arith.addi %mul3A_14, %add3A_50 : i32
      %get3A_52 = arith.index_cast %add3A_51 : i32 to index
      %get3A_53 = tpu.vector_load %arg18[%get3A_52] {strides = array<i32>} : memref<640xf32, #tpu.memory_space<vmem>>, vector<16xf32>,
      %add3A_54 = arith.constant 32 : i32
      %add3A_55 = arith.addi %mul3A_14, %add3A_54 : i32
      %get3A_56 = arith.index_cast %add3A_55 : i32 to index
      %get3A_57 = tpu.vector_load %arg18[%get3A_56] {strides = array<i32>} : memref<640xf32, #tpu.memory_space<vmem>>, vector<16xf32>,
      %add3A_58 = arith.constant 48 : i32
      %add3A_59 = arith.addi %mul3A_14, %add3A_58 : i32
      %get3A_60 = arith.index_cast %add3A_59 : i32 to index
      %get3A_61 = tpu.vector_load %arg18[%get3A_60] {strides = array<i32>} : memref<640xf32, #tpu.memory_space<vmem>>, vector<16xf32>,
      %add3A_62 = arith.constant 0 : i32
      %add3A_63 = arith.addi %mul3A_14, %add3A_62 : i32
      %get3A_64 = arith.index_cast %add3A_63 : i32 to index
      %get3A_65 = tpu.vector_load %arg19[%get3A_64] {strides = array<i32>} : memref<640xf32, #tpu.memory_space<vmem>>, vector<16xf32>,
      %add3A_66 = arith.constant 16 : i32
      %add3A_67 = arith.addi %mul3A_14, %add3A_66 : i32
      %get3A_68 = arith.index_cast %add3A_67 : i32 to index
      %get3A_69 = tpu.vector_load %arg19[%get3A_68] {strides = array<i32>} : memref<640xf32, #tpu.memory_space<vmem>>, vector<16xf32>,
      %add3A_70 = arith.constant 32 : i32
      %add3A_71 = arith.addi %mul3A_14, %add3A_70 : i32
      %get3A_72 = arith.index_cast %add3A_71 : i32 to index
      %get3A_73 = tpu.vector_load %arg19[%get3A_72] {strides = array<i32>} : memref<640xf32, #tpu.memory_space<vmem>>, vector<16xf32>,
      %add3A_74 = arith.constant 48 : i32
      %add3A_75 = arith.addi %mul3A_14, %add3A_74 : i32
      %get3A_76 = arith.index_cast %add3A_75 : i32 to index
      %get3A_77 = tpu.vector_load %arg19[%get3A_76] {strides = array<i32>} : memref<640xf32, #tpu.memory_space<vmem>>, vector<16xf32>,
      %sub3A = arith.subf %get3A_49, %get3A_17 : vector<16xf32>
      %sub3A_78 = arith.subf %get3A_65, %get3A_33 : vector<16xf32>
      %mul3A_79 = arith.mulf %sub3A, %sub3A_78 : vector<16xf32>
      %sub3A_80 = arith.subf %get3A_53, %get3A_21 : vector<16xf32>
      %sub3A_81 = arith.subf %get3A_69, %get3A_37 : vector<16xf32>
      %mul3A_82 = arith.mulf %sub3A_80, %sub3A_81 : vector<16xf32>
      %sub3A_83 = arith.subf %get3A_57, %get3A_25 : vector<16xf32>
      %sub3A_84 = arith.subf %get3A_73, %get3A_41 : vector<16xf32>
      %mul3A_85 = arith.mulf %sub3A_83, %sub3A_84 : vector<16xf32>
      %sub3A_86 = arith.subf %get3A_61, %get3A_29 : vector<16xf32>
      %sub3A_87 = arith.subf %get3A_77, %get3A_45 : vector<16xf32>
      %mul3A_88 = arith.mulf %sub3A_86, %sub3A_87 : vector<16xf32>
      %broadcast_in_dim3A = arith.constant -1.000000e+00 : f32
      %broadcast_in_dim3A_89 = vector.broadcast %broadcast_in_dim3A : f32 to vector<16xf32>
      %broadcast_in_dim3A_90 = arith.constant 0 : i32
      %broadcast_in_dim3A_91 = vector.broadcast %broadcast_in_dim3A_90 : i32 to vector<16xi32>
      %scan3A_92 = arith.constant 0 : i32
      %scan3A_93 = arith.constant 64 : i32
      %scan3A_94 = arith.addi %scan3A_92, %scan3A_93 : i32
      %scan3A_95 = arith.constant 1 : i32
      %scan3A_96:8 = scf.for %scan3A_227 = %scan3A_92 to %scan3A_94 step %scan3A_95 iter_args(%scan3A_228 = %broadcast_in_dim3A_89, %scan3A_229 = %broadcast_in_dim3A_89, %scan3A_230 = %broadcast_in_dim3A_89, %scan3A_231 = %broadcast_in_dim3A_89, %scan3A_232 = %broadcast_in_dim3A_91, %scan3A_233 = %broadcast_in_dim3A_91, %scan3A_234 = %broadcast_in_dim3A_91, %scan3A_235 = %broadcast_in_dim3A_91) -> (vector<16xf32>, vector<16xf32>, vector<16xf32>, vector<16xf32>, vector<16xi32>, vector<16xi32>, vector<16xi32>, vector<16xi32>)  : i32 {
        %mul3A_236 = arith.constant 16 : i32
        %mul3A_237 = arith.muli %scan3A_227, %mul3A_236 : i32
        %get3A_238 = arith.index_cast %mul3A_237 : i32 to index
        %get3A_239 = tpu.vector_load %arg21[%get3A_238] {strides = array<i32>} : memref<1024xf32, #tpu.memory_space<vmem>>, vector<16xf32>,
        %get3A_240 = arith.index_cast %mul3A_237 : i32 to index
        %get3A_241 = tpu.vector_load %arg22[%get3A_240] {strides = array<i32>} : memref<1024xf32, #tpu.memory_space<vmem>>, vector<16xf32>,
        %get3A_242 = arith.index_cast %mul3A_237 : i32 to index
        %get3A_243 = tpu.vector_load %arg23[%get3A_242] {strides = array<i32>} : memref<1024xf32, #tpu.memory_space<vmem>>, vector<16xf32>,
        %get3A_244 = arith.index_cast %mul3A_237 : i32 to index
        %get3A_245 = tpu.vector_load %arg24[%get3A_244] {strides = array<i32>} : memref<1024xf32, #tpu.memory_space<vmem>>, vector<16xf32>,
        %get3A_246 = arith.index_cast %mul3A_237 : i32 to index
        %get3A_247 = tpu.vector_load %arg25[%get3A_246] {strides = array<i32>} : memref<1024xi32, #tpu.memory_space<vmem>>, vector<16xi32>,
        %get3A_248 = arith.index_cast %mul3A_237 : i32 to index
        %get3A_249 = tpu.vector_load %arg30[%get3A_248] {strides = array<i32>} : memref<1024xf32, #tpu.memory_space<vmem>>, vector<16xf32>,
        %min3A = arith.minimumf %get3A_243, %get3A_49 : vector<16xf32>
        %max3A = arith.maximumf %get3A_239, %get3A_17 : vector<16xf32>
        %sub3A_250 = arith.subf %min3A, %max3A : vector<16xf32>
        %max3A_251 = arith.constant 0.000000e+00 : f32
        %max3A_252 = vector.broadcast %max3A_251 : f32 to vector<16xf32>
        %max3A_253 = arith.maximumf %sub3A_250, %max3A_252 : vector<16xf32>
        %min3A_254 = arith.minimumf %get3A_245, %get3A_65 : vector<16xf32>
        %max3A_255 = arith.maximumf %get3A_241, %get3A_33 : vector<16xf32>
        %sub3A_256 = arith.subf %min3A_254, %max3A_255 : vector<16xf32>
        %max3A_257 = arith.constant 0.000000e+00 : f32
        %max3A_258 = vector.broadcast %max3A_257 : f32 to vector<16xf32>
        %max3A_259 = arith.maximumf %sub3A_256, %max3A_258 : vector<16xf32>
        %mul3A_260 = arith.mulf %max3A_253, %max3A_259 : vector<16xf32>
        %add3A_261 = arith.addf %get3A_249, %mul3A_79 : vector<16xf32>
        %sub3A_262 = arith.subf %add3A_261, %mul3A_260 : vector<16xf32>
        %max3A_263 = arith.constant 9.99999971E-10 : f32
        %max3A_264 = vector.broadcast %max3A_263 : f32 to vector<16xf32>
        %max3A_265 = arith.maximumf %sub3A_262, %max3A_264 : vector<16xf32>
        %div3A = arith.divf %mul3A_260, %max3A_265 : vector<16xf32>
        %gt3A = arith.cmpf ogt, %div3A, %scan3A_228 : vector<16xf32>
        %select_n3A_266 = arith.select %gt3A, %div3A, %scan3A_228 : vector<16xi1>, vector<16xf32>
        %select_n3A_267 = arith.select %gt3A, %get3A_247, %scan3A_232 : vector<16xi1>, vector<16xi32>
        %min3A_268 = arith.minimumf %get3A_243, %get3A_53 : vector<16xf32>
        %max3A_269 = arith.maximumf %get3A_239, %get3A_21 : vector<16xf32>
        %sub3A_270 = arith.subf %min3A_268, %max3A_269 : vector<16xf32>
        %max3A_271 = arith.constant 0.000000e+00 : f32
        %max3A_272 = vector.broadcast %max3A_271 : f32 to vector<16xf32>
        %max3A_273 = arith.maximumf %sub3A_270, %max3A_272 : vector<16xf32>
        %min3A_274 = arith.minimumf %get3A_245, %get3A_69 : vector<16xf32>
        %max3A_275 = arith.maximumf %get3A_241, %get3A_37 : vector<16xf32>
        %sub3A_276 = arith.subf %min3A_274, %max3A_275 : vector<16xf32>
        %max3A_277 = arith.constant 0.000000e+00 : f32
        %max3A_278 = vector.broadcast %max3A_277 : f32 to vector<16xf32>
        %max3A_279 = arith.maximumf %sub3A_276, %max3A_278 : vector<16xf32>
        %mul3A_280 = arith.mulf %max3A_273, %max3A_279 : vector<16xf32>
        %add3A_281 = arith.addf %get3A_249, %mul3A_82 : vector<16xf32>
        %sub3A_282 = arith.subf %add3A_281, %mul3A_280 : vector<16xf32>
        %max3A_283 = arith.constant 9.99999971E-10 : f32
        %max3A_284 = vector.broadcast %max3A_283 : f32 to vector<16xf32>
        %max3A_285 = arith.maximumf %sub3A_282, %max3A_284 : vector<16xf32>
        %div3A_286 = arith.divf %mul3A_280, %max3A_285 : vector<16xf32>
        %gt3A_287 = arith.cmpf ogt, %div3A_286, %scan3A_229 : vector<16xf32>
        %select_n3A_288 = arith.select %gt3A_287, %div3A_286, %scan3A_229 : vector<16xi1>, vector<16xf32>
        %select_n3A_289 = arith.select %gt3A_287, %get3A_247, %scan3A_233 : vector<16xi1>, vector<16xi32>
        %min3A_290 = arith.minimumf %get3A_243, %get3A_57 : vector<16xf32>
        %max3A_291 = arith.maximumf %get3A_239, %get3A_25 : vector<16xf32>
        %sub3A_292 = arith.subf %min3A_290, %max3A_291 : vector<16xf32>
        %max3A_293 = arith.constant 0.000000e+00 : f32
        %max3A_294 = vector.broadcast %max3A_293 : f32 to vector<16xf32>
        %max3A_295 = arith.maximumf %sub3A_292, %max3A_294 : vector<16xf32>
        %min3A_296 = arith.minimumf %get3A_245, %get3A_73 : vector<16xf32>
        %max3A_297 = arith.maximumf %get3A_241, %get3A_41 : vector<16xf32>
        %sub3A_298 = arith.subf %min3A_296, %max3A_297 : vector<16xf32>
        %max3A_299 = arith.constant 0.000000e+00 : f32
        %max3A_300 = vector.broadcast %max3A_299 : f32 to vector<16xf32>
        %max3A_301 = arith.maximumf %sub3A_298, %max3A_300 : vector<16xf32>
        %mul3A_302 = arith.mulf %max3A_295, %max3A_301 : vector<16xf32>
        %add3A_303 = arith.addf %get3A_249, %mul3A_85 : vector<16xf32>
        %sub3A_304 = arith.subf %add3A_303, %mul3A_302 : vector<16xf32>
        %max3A_305 = arith.constant 9.99999971E-10 : f32
        %max3A_306 = vector.broadcast %max3A_305 : f32 to vector<16xf32>
        %max3A_307 = arith.maximumf %sub3A_304, %max3A_306 : vector<16xf32>
        %div3A_308 = arith.divf %mul3A_302, %max3A_307 : vector<16xf32>
        %gt3A_309 = arith.cmpf ogt, %div3A_308, %scan3A_230 : vector<16xf32>
        %select_n3A_310 = arith.select %gt3A_309, %div3A_308, %scan3A_230 : vector<16xi1>, vector<16xf32>
        %select_n3A_311 = arith.select %gt3A_309, %get3A_247, %scan3A_234 : vector<16xi1>, vector<16xi32>
        %min3A_312 = arith.minimumf %get3A_243, %get3A_61 : vector<16xf32>
        %max3A_313 = arith.maximumf %get3A_239, %get3A_29 : vector<16xf32>
        %sub3A_314 = arith.subf %min3A_312, %max3A_313 : vector<16xf32>
        %max3A_315 = arith.constant 0.000000e+00 : f32
        %max3A_316 = vector.broadcast %max3A_315 : f32 to vector<16xf32>
        %max3A_317 = arith.maximumf %sub3A_314, %max3A_316 : vector<16xf32>
        %min3A_318 = arith.minimumf %get3A_245, %get3A_77 : vector<16xf32>
        %max3A_319 = arith.maximumf %get3A_241, %get3A_45 : vector<16xf32>
        %sub3A_320 = arith.subf %min3A_318, %max3A_319 : vector<16xf32>
        %max3A_321 = arith.constant 0.000000e+00 : f32
        %max3A_322 = vector.broadcast %max3A_321 : f32 to vector<16xf32>
        %max3A_323 = arith.maximumf %sub3A_320, %max3A_322 : vector<16xf32>
        %mul3A_324 = arith.mulf %max3A_317, %max3A_323 : vector<16xf32>
        %add3A_325 = arith.addf %get3A_249, %mul3A_88 : vector<16xf32>
        %sub3A_326 = arith.subf %add3A_325, %mul3A_324 : vector<16xf32>
        %max3A_327 = arith.constant 9.99999971E-10 : f32
        %max3A_328 = vector.broadcast %max3A_327 : f32 to vector<16xf32>
        %max3A_329 = arith.maximumf %sub3A_326, %max3A_328 : vector<16xf32>
        %div3A_330 = arith.divf %mul3A_324, %max3A_329 : vector<16xf32>
        %gt3A_331 = arith.cmpf ogt, %div3A_330, %scan3A_231 : vector<16xf32>
        %select_n3A_332 = arith.select %gt3A_331, %div3A_330, %scan3A_231 : vector<16xi1>, vector<16xf32>
        %select_n3A_333 = arith.select %gt3A_331, %get3A_247, %scan3A_235 : vector<16xi1>, vector<16xi32>
        scf.yield %select_n3A_266, %select_n3A_288, %select_n3A_310, %select_n3A_332, %select_n3A_267, %select_n3A_289, %select_n3A_311, %select_n3A_333 : vector<16xf32>, vector<16xf32>, vector<16xf32>, vector<16xf32>, vector<16xi32>, vector<16xi32>, vector<16xi32>, vector<16xi32>
      }
      %scan3A_97 = arith.constant 64 : i32
      %broadcast_in_dim3A_98 = arith.constant 0xFF800000 : f32
      %broadcast_in_dim3A_99 = vector.broadcast %broadcast_in_dim3A_98 : f32 to vector<16xf32>
      %add3A_100 = arith.constant 0 : i32
      %add3A_101 = arith.addi %mul3A_14, %add3A_100 : i32
      %get3A_102 = arith.index_cast %add3A_101 : i32 to index
      %get3A_103 = tpu.vector_load %arg20[%get3A_102] {strides = array<i32>} : memref<640xf32, #tpu.memory_space<vmem>>, vector<16xf32>,
      %add3A_104 = arith.addi %mul3A_2, %add3A_101 : i32
      %iota3A = tpu.iota {dimensions = array<i32: 0>} : vector<16xi32>
      %add3A_105 = vector.broadcast %add3A_104 : i32 to vector<16xi32>
      %add3A_106 = arith.addi %add3A_105, %iota3A : vector<16xi32>
      %lt3A = arith.constant 20000 : i32
      %lt3A_107 = vector.broadcast %lt3A : i32 to vector<16xi32>
      %lt3A_108 = arith.cmpi slt, %add3A_106, %lt3A_107 : vector<16xi32>
      %ge3A = arith.constant 5.000000e-01 : f32
      %ge3A_109 = vector.broadcast %ge3A : f32 to vector<16xf32>
      %ge3A_110 = arith.cmpf oge, %scan3A_96#0, %ge3A_109 : vector<16xf32>
      %broadcast_in_dim3A_111 = arith.constant -1.000000e+00 : f32
      %broadcast_in_dim3A_112 = vector.broadcast %broadcast_in_dim3A_111 : f32 to vector<16xf32>
      %select_n3A = arith.select %ge3A_110, %scan3A_96#0, %broadcast_in_dim3A_112 : vector<16xi1>, vector<16xf32>
      %select_n3A_113 = arith.select %lt3A_108, %select_n3A, %broadcast_in_dim3A_99 : vector<16xi1>, vector<16xf32>
      %broadcast_in_dim3A_114 = arith.constant -1.000000e+09 : f32
      %broadcast_in_dim3A_115 = vector.broadcast %broadcast_in_dim3A_114 : f32 to vector<16xf32>
      %select_n3A_116 = arith.select %ge3A_110, %broadcast_in_dim3A_115, %get3A_103 : vector<16xi1>, vector<16xf32>
      %select_n3A_117 = arith.select %lt3A_108, %select_n3A_116, %broadcast_in_dim3A_99 : vector<16xi1>, vector<16xf32>
      %broadcast_in_dim3A_118 = arith.constant 80 : i32
      %broadcast_in_dim3A_119 = vector.broadcast %broadcast_in_dim3A_118 : i32 to vector<16xi32>
      %select_n3A_120 = arith.select %ge3A_110, %scan3A_96#4, %broadcast_in_dim3A_119 : vector<16xi1>, vector<16xi32>
      %swap3A = arith.index_cast %add3A_101 : i32 to index
      %swap3A_121 = tpu.vector_load %arg26[%swap3A] {strides = array<i32>} : memref<640xf32, #tpu.memory_space<vmem>>, vector<16xf32>,
      tpu.vector_store %arg26[%swap3A], %scan3A_96#0 {strides = array<i32>} : memref<640xf32, #tpu.memory_space<vmem>>, vector<16xf32>,
      %swap3A_122 = arith.index_cast %add3A_101 : i32 to index
      %swap3A_123 = tpu.vector_load %arg27[%swap3A_122] {strides = array<i32>} : memref<640xf32, #tpu.memory_space<vmem>>, vector<16xf32>,
      tpu.vector_store %arg27[%swap3A_122], %select_n3A_113 {strides = array<i32>} : memref<640xf32, #tpu.memory_space<vmem>>, vector<16xf32>,
      %swap3A_124 = arith.index_cast %add3A_101 : i32 to index
      %swap3A_125 = tpu.vector_load %arg28[%swap3A_124] {strides = array<i32>} : memref<640xf32, #tpu.memory_space<vmem>>, vector<16xf32>,
      tpu.vector_store %arg28[%swap3A_124], %select_n3A_117 {strides = array<i32>} : memref<640xf32, #tpu.memory_space<vmem>>, vector<16xf32>,
      %swap3A_126 = arith.index_cast %add3A_101 : i32 to index
      %swap3A_127 = tpu.vector_load %arg29[%swap3A_126] {strides = array<i32>} : memref<640xi32, #tpu.memory_space<vmem>>, vector<16xi32>,
      tpu.vector_store %arg29[%swap3A_126], %select_n3A_120 {strides = array<i32>} : memref<640xi32, #tpu.memory_space<vmem>>, vector<16xi32>,
      %add3A_128 = arith.constant 16 : i32
      %add3A_129 = arith.addi %mul3A_14, %add3A_128 : i32
      %get3A_130 = arith.index_cast %add3A_129 : i32 to index
      %get3A_131 = tpu.vector_load %arg20[%get3A_130] {strides = array<i32>} : memref<640xf32, #tpu.memory_space<vmem>>, vector<16xf32>,
      %add3A_132 = arith.addi %mul3A_2, %add3A_129 : i32
      %iota3A_133 = tpu.iota {dimensions = array<i32: 0>} : vector<16xi32>
      %add3A_134 = vector.broadcast %add3A_132 : i32 to vector<16xi32>
      %add3A_135 = arith.addi %add3A_134, %iota3A_133 : vector<16xi32>
      %lt3A_136 = arith.constant 20000 : i32
      %lt3A_137 = vector.broadcast %lt3A_136 : i32 to vector<16xi32>
      %lt3A_138 = arith.cmpi slt, %add3A_135, %lt3A_137 : vector<16xi32>
      %ge3A_139 = arith.constant 5.000000e-01 : f32
      %ge3A_140 = vector.broadcast %ge3A_139 : f32 to vector<16xf32>
      %ge3A_141 = arith.cmpf oge, %scan3A_96#1, %ge3A_140 : vector<16xf32>
      %broadcast_in_dim3A_142 = arith.constant -1.000000e+00 : f32
      %broadcast_in_dim3A_143 = vector.broadcast %broadcast_in_dim3A_142 : f32 to vector<16xf32>
      %select_n3A_144 = arith.select %ge3A_141, %scan3A_96#1, %broadcast_in_dim3A_143 : vector<16xi1>, vector<16xf32>
      %select_n3A_145 = arith.select %lt3A_138, %select_n3A_144, %broadcast_in_dim3A_99 : vector<16xi1>, vector<16xf32>
      %broadcast_in_dim3A_146 = arith.constant -1.000000e+09 : f32
      %broadcast_in_dim3A_147 = vector.broadcast %broadcast_in_dim3A_146 : f32 to vector<16xf32>
      %select_n3A_148 = arith.select %ge3A_141, %broadcast_in_dim3A_147, %get3A_131 : vector<16xi1>, vector<16xf32>
      %select_n3A_149 = arith.select %lt3A_138, %select_n3A_148, %broadcast_in_dim3A_99 : vector<16xi1>, vector<16xf32>
      %broadcast_in_dim3A_150 = arith.constant 80 : i32
      %broadcast_in_dim3A_151 = vector.broadcast %broadcast_in_dim3A_150 : i32 to vector<16xi32>
      %select_n3A_152 = arith.select %ge3A_141, %scan3A_96#5, %broadcast_in_dim3A_151 : vector<16xi1>, vector<16xi32>
      %swap3A_153 = arith.index_cast %add3A_129 : i32 to index
      %swap3A_154 = tpu.vector_load %arg26[%swap3A_153] {strides = array<i32>} : memref<640xf32, #tpu.memory_space<vmem>>, vector<16xf32>,
      tpu.vector_store %arg26[%swap3A_153], %scan3A_96#1 {strides = array<i32>} : memref<640xf32, #tpu.memory_space<vmem>>, vector<16xf32>,
      %swap3A_155 = arith.index_cast %add3A_129 : i32 to index
      %swap3A_156 = tpu.vector_load %arg27[%swap3A_155] {strides = array<i32>} : memref<640xf32, #tpu.memory_space<vmem>>, vector<16xf32>,
      tpu.vector_store %arg27[%swap3A_155], %select_n3A_145 {strides = array<i32>} : memref<640xf32, #tpu.memory_space<vmem>>, vector<16xf32>,
      %swap3A_157 = arith.index_cast %add3A_129 : i32 to index
      %swap3A_158 = tpu.vector_load %arg28[%swap3A_157] {strides = array<i32>} : memref<640xf32, #tpu.memory_space<vmem>>, vector<16xf32>,
      tpu.vector_store %arg28[%swap3A_157], %select_n3A_149 {strides = array<i32>} : memref<640xf32, #tpu.memory_space<vmem>>, vector<16xf32>,
      %swap3A_159 = arith.index_cast %add3A_129 : i32 to index
      %swap3A_160 = tpu.vector_load %arg29[%swap3A_159] {strides = array<i32>} : memref<640xi32, #tpu.memory_space<vmem>>, vector<16xi32>,
      tpu.vector_store %arg29[%swap3A_159], %select_n3A_152 {strides = array<i32>} : memref<640xi32, #tpu.memory_space<vmem>>, vector<16xi32>,
      %add3A_161 = arith.constant 32 : i32
      %add3A_162 = arith.addi %mul3A_14, %add3A_161 : i32
      %get3A_163 = arith.index_cast %add3A_162 : i32 to index
      %get3A_164 = tpu.vector_load %arg20[%get3A_163] {strides = array<i32>} : memref<640xf32, #tpu.memory_space<vmem>>, vector<16xf32>,
      %add3A_165 = arith.addi %mul3A_2, %add3A_162 : i32
      %iota3A_166 = tpu.iota {dimensions = array<i32: 0>} : vector<16xi32>
      %add3A_167 = vector.broadcast %add3A_165 : i32 to vector<16xi32>
      %add3A_168 = arith.addi %add3A_167, %iota3A_166 : vector<16xi32>
      %lt3A_169 = arith.constant 20000 : i32
      %lt3A_170 = vector.broadcast %lt3A_169 : i32 to vector<16xi32>
      %lt3A_171 = arith.cmpi slt, %add3A_168, %lt3A_170 : vector<16xi32>
      %ge3A_172 = arith.constant 5.000000e-01 : f32
      %ge3A_173 = vector.broadcast %ge3A_172 : f32 to vector<16xf32>
      %ge3A_174 = arith.cmpf oge, %scan3A_96#2, %ge3A_173 : vector<16xf32>
      %broadcast_in_dim3A_175 = arith.constant -1.000000e+00 : f32
      %broadcast_in_dim3A_176 = vector.broadcast %broadcast_in_dim3A_175 : f32 to vector<16xf32>
      %select_n3A_177 = arith.select %ge3A_174, %scan3A_96#2, %broadcast_in_dim3A_176 : vector<16xi1>, vector<16xf32>
      %select_n3A_178 = arith.select %lt3A_171, %select_n3A_177, %broadcast_in_dim3A_99 : vector<16xi1>, vector<16xf32>
      %broadcast_in_dim3A_179 = arith.constant -1.000000e+09 : f32
      %broadcast_in_dim3A_180 = vector.broadcast %broadcast_in_dim3A_179 : f32 to vector<16xf32>
      %select_n3A_181 = arith.select %ge3A_174, %broadcast_in_dim3A_180, %get3A_164 : vector<16xi1>, vector<16xf32>
      %select_n3A_182 = arith.select %lt3A_171, %select_n3A_181, %broadcast_in_dim3A_99 : vector<16xi1>, vector<16xf32>
      %broadcast_in_dim3A_183 = arith.constant 80 : i32
      %broadcast_in_dim3A_184 = vector.broadcast %broadcast_in_dim3A_183 : i32 to vector<16xi32>
      %select_n3A_185 = arith.select %ge3A_174, %scan3A_96#6, %broadcast_in_dim3A_184 : vector<16xi1>, vector<16xi32>
      %swap3A_186 = arith.index_cast %add3A_162 : i32 to index
      %swap3A_187 = tpu.vector_load %arg26[%swap3A_186] {strides = array<i32>} : memref<640xf32, #tpu.memory_space<vmem>>, vector<16xf32>,
      tpu.vector_store %arg26[%swap3A_186], %scan3A_96#2 {strides = array<i32>} : memref<640xf32, #tpu.memory_space<vmem>>, vector<16xf32>,
      %swap3A_188 = arith.index_cast %add3A_162 : i32 to index
      %swap3A_189 = tpu.vector_load %arg27[%swap3A_188] {strides = array<i32>} : memref<640xf32, #tpu.memory_space<vmem>>, vector<16xf32>,
      tpu.vector_store %arg27[%swap3A_188], %select_n3A_178 {strides = array<i32>} : memref<640xf32, #tpu.memory_space<vmem>>, vector<16xf32>,
      %swap3A_190 = arith.index_cast %add3A_162 : i32 to index
      %swap3A_191 = tpu.vector_load %arg28[%swap3A_190] {strides = array<i32>} : memref<640xf32, #tpu.memory_space<vmem>>, vector<16xf32>,
      tpu.vector_store %arg28[%swap3A_190], %select_n3A_182 {strides = array<i32>} : memref<640xf32, #tpu.memory_space<vmem>>, vector<16xf32>,
      %swap3A_192 = arith.index_cast %add3A_162 : i32 to index
      %swap3A_193 = tpu.vector_load %arg29[%swap3A_192] {strides = array<i32>} : memref<640xi32, #tpu.memory_space<vmem>>, vector<16xi32>,
      tpu.vector_store %arg29[%swap3A_192], %select_n3A_185 {strides = array<i32>} : memref<640xi32, #tpu.memory_space<vmem>>, vector<16xi32>,
      %add3A_194 = arith.constant 48 : i32
      %add3A_195 = arith.addi %mul3A_14, %add3A_194 : i32
      %get3A_196 = arith.index_cast %add3A_195 : i32 to index
      %get3A_197 = tpu.vector_load %arg20[%get3A_196] {strides = array<i32>} : memref<640xf32, #tpu.memory_space<vmem>>, vector<16xf32>,
      %add3A_198 = arith.addi %mul3A_2, %add3A_195 : i32
      %iota3A_199 = tpu.iota {dimensions = array<i32: 0>} : vector<16xi32>
      %add3A_200 = vector.broadcast %add3A_198 : i32 to vector<16xi32>
      %add3A_201 = arith.addi %add3A_200, %iota3A_199 : vector<16xi32>
      %lt3A_202 = arith.constant 20000 : i32
      %lt3A_203 = vector.broadcast %lt3A_202 : i32 to vector<16xi32>
      %lt3A_204 = arith.cmpi slt, %add3A_201, %lt3A_203 : vector<16xi32>
      %ge3A_205 = arith.constant 5.000000e-01 : f32
      %ge3A_206 = vector.broadcast %ge3A_205 : f32 to vector<16xf32>
      %ge3A_207 = arith.cmpf oge, %scan3A_96#3, %ge3A_206 : vector<16xf32>
      %broadcast_in_dim3A_208 = arith.constant -1.000000e+00 : f32
      %broadcast_in_dim3A_209 = vector.broadcast %broadcast_in_dim3A_208 : f32 to vector<16xf32>
      %select_n3A_210 = arith.select %ge3A_207, %scan3A_96#3, %broadcast_in_dim3A_209 : vector<16xi1>, vector<16xf32>
      %select_n3A_211 = arith.select %lt3A_204, %select_n3A_210, %broadcast_in_dim3A_99 : vector<16xi1>, vector<16xf32>
      %broadcast_in_dim3A_212 = arith.constant -1.000000e+09 : f32
      %broadcast_in_dim3A_213 = vector.broadcast %broadcast_in_dim3A_212 : f32 to vector<16xf32>
      %select_n3A_214 = arith.select %ge3A_207, %broadcast_in_dim3A_213, %get3A_197 : vector<16xi1>, vector<16xf32>
      %select_n3A_215 = arith.select %lt3A_204, %select_n3A_214, %broadcast_in_dim3A_99 : vector<16xi1>, vector<16xf32>
      %broadcast_in_dim3A_216 = arith.constant 80 : i32
      %broadcast_in_dim3A_217 = vector.broadcast %broadcast_in_dim3A_216 : i32 to vector<16xi32>
      %select_n3A_218 = arith.select %ge3A_207, %scan3A_96#7, %broadcast_in_dim3A_217 : vector<16xi1>, vector<16xi32>
      %swap3A_219 = arith.index_cast %add3A_195 : i32 to index
      %swap3A_220 = tpu.vector_load %arg26[%swap3A_219] {strides = array<i32>} : memref<640xf32, #tpu.memory_space<vmem>>, vector<16xf32>,
      tpu.vector_store %arg26[%swap3A_219], %scan3A_96#3 {strides = array<i32>} : memref<640xf32, #tpu.memory_space<vmem>>, vector<16xf32>,
      %swap3A_221 = arith.index_cast %add3A_195 : i32 to index
      %swap3A_222 = tpu.vector_load %arg27[%swap3A_221] {strides = array<i32>} : memref<640xf32, #tpu.memory_space<vmem>>, vector<16xf32>,
      tpu.vector_store %arg27[%swap3A_221], %select_n3A_211 {strides = array<i32>} : memref<640xf32, #tpu.memory_space<vmem>>, vector<16xf32>,
      %swap3A_223 = arith.index_cast %add3A_195 : i32 to index
      %swap3A_224 = tpu.vector_load %arg28[%swap3A_223] {strides = array<i32>} : memref<640xf32, #tpu.memory_space<vmem>>, vector<16xf32>,
      tpu.vector_store %arg28[%swap3A_223], %select_n3A_215 {strides = array<i32>} : memref<640xf32, #tpu.memory_space<vmem>>, vector<16xf32>,
      %swap3A_225 = arith.index_cast %add3A_195 : i32 to index
      %swap3A_226 = tpu.vector_load %arg29[%swap3A_225] {strides = array<i32>} : memref<640xi32, #tpu.memory_space<vmem>>, vector<16xi32>,
      tpu.vector_store %arg29[%swap3A_225], %select_n3A_218 {strides = array<i32>} : memref<640xi32, #tpu.memory_space<vmem>>, vector<16xi32>,
    }
    %scan3A_11 = arith.constant 10 : i32
    "tpu.region"() ({
      %run_scoped3A = tpu.sem_alloc : memref<!tpu.dma_semaphore, #tpu.memory_space<semaphore_mem>>
      %dma_start3A = tpu.memref_slice %arg12[%mul3A_2] : memref<20480xf32, #tpu.memory_space<hbm>> -> memref<640xf32, #tpu.memory_space<hbm>>
      %dma_start3A_12 = tpu.memref_slice %arg12[%mul3A_2] : memref<20480xf32, #tpu.memory_space<hbm>> -> memref<640xf32, #tpu.memory_space<hbm>>
      tpu.enqueue_dma source(%arg26 : memref<640xf32, #tpu.memory_space<vmem>>) target(%dma_start3A_12 : memref<640xf32, #tpu.memory_space<hbm>>) target_semaphore(%run_scoped3A : memref<!tpu.dma_semaphore, #tpu.memory_space<semaphore_mem>>)
      %dma_wait3A = tpu.memref_slice %arg12[%mul3A_2] : memref<20480xf32, #tpu.memory_space<hbm>> -> memref<640xf32, #tpu.memory_space<hbm>>
      %dma_wait3A_13 = tpu.memref_slice %arg12[%mul3A_2] : memref<20480xf32, #tpu.memory_space<hbm>> -> memref<640xf32, #tpu.memory_space<hbm>>
      tpu.wait_dma2 semaphore(%run_scoped3A : memref<!tpu.dma_semaphore, #tpu.memory_space<semaphore_mem>>) src(%arg26 : memref<640xf32, #tpu.memory_space<vmem>>) dst(%dma_wait3A_13 : memref<640xf32, #tpu.memory_space<hbm>>)
      tpu.yield
    }) : () -> ()
    "tpu.region"() ({
      %run_scoped3A = tpu.sem_alloc : memref<!tpu.dma_semaphore, #tpu.memory_space<semaphore_mem>>
      %dma_start3A = tpu.memref_slice %arg13[%mul3A_2] : memref<20480xf32, #tpu.memory_space<hbm>> -> memref<640xf32, #tpu.memory_space<hbm>>
      %dma_start3A_12 = tpu.memref_slice %arg13[%mul3A_2] : memref<20480xf32, #tpu.memory_space<hbm>> -> memref<640xf32, #tpu.memory_space<hbm>>
      tpu.enqueue_dma source(%arg27 : memref<640xf32, #tpu.memory_space<vmem>>) target(%dma_start3A_12 : memref<640xf32, #tpu.memory_space<hbm>>) target_semaphore(%run_scoped3A : memref<!tpu.dma_semaphore, #tpu.memory_space<semaphore_mem>>)
      %dma_wait3A = tpu.memref_slice %arg13[%mul3A_2] : memref<20480xf32, #tpu.memory_space<hbm>> -> memref<640xf32, #tpu.memory_space<hbm>>
      %dma_wait3A_13 = tpu.memref_slice %arg13[%mul3A_2] : memref<20480xf32, #tpu.memory_space<hbm>> -> memref<640xf32, #tpu.memory_space<hbm>>
      tpu.wait_dma2 semaphore(%run_scoped3A : memref<!tpu.dma_semaphore, #tpu.memory_space<semaphore_mem>>) src(%arg27 : memref<640xf32, #tpu.memory_space<vmem>>) dst(%dma_wait3A_13 : memref<640xf32, #tpu.memory_space<hbm>>)
      tpu.yield
    }) : () -> ()
    "tpu.region"() ({
      %run_scoped3A = tpu.sem_alloc : memref<!tpu.dma_semaphore, #tpu.memory_space<semaphore_mem>>
      %dma_start3A = tpu.memref_slice %arg14[%mul3A_2] : memref<20480xf32, #tpu.memory_space<hbm>> -> memref<640xf32, #tpu.memory_space<hbm>>
      %dma_start3A_12 = tpu.memref_slice %arg14[%mul3A_2] : memref<20480xf32, #tpu.memory_space<hbm>> -> memref<640xf32, #tpu.memory_space<hbm>>
      tpu.enqueue_dma source(%arg28 : memref<640xf32, #tpu.memory_space<vmem>>) target(%dma_start3A_12 : memref<640xf32, #tpu.memory_space<hbm>>) target_semaphore(%run_scoped3A : memref<!tpu.dma_semaphore, #tpu.memory_space<semaphore_mem>>)
      %dma_wait3A = tpu.memref_slice %arg14[%mul3A_2] : memref<20480xf32, #tpu.memory_space<hbm>> -> memref<640xf32, #tpu.memory_space<hbm>>
      %dma_wait3A_13 = tpu.memref_slice %arg14[%mul3A_2] : memref<20480xf32, #tpu.memory_space<hbm>> -> memref<640xf32, #tpu.memory_space<hbm>>
      tpu.wait_dma2 semaphore(%run_scoped3A : memref<!tpu.dma_semaphore, #tpu.memory_space<semaphore_mem>>) src(%arg28 : memref<640xf32, #tpu.memory_space<vmem>>) dst(%dma_wait3A_13 : memref<640xf32, #tpu.memory_space<hbm>>)
      tpu.yield
    }) : () -> ()
    "tpu.region"() ({
      %run_scoped3A = tpu.sem_alloc : memref<!tpu.dma_semaphore, #tpu.memory_space<semaphore_mem>>
      %dma_start3A = tpu.memref_slice %arg15[%mul3A_2] : memref<20480xi32, #tpu.memory_space<hbm>> -> memref<640xi32, #tpu.memory_space<hbm>>
      %dma_start3A_12 = tpu.memref_slice %arg15[%mul3A_2] : memref<20480xi32, #tpu.memory_space<hbm>> -> memref<640xi32, #tpu.memory_space<hbm>>
      tpu.enqueue_dma source(%arg29 : memref<640xi32, #tpu.memory_space<vmem>>) target(%dma_start3A_12 : memref<640xi32, #tpu.memory_space<hbm>>) target_semaphore(%run_scoped3A : memref<!tpu.dma_semaphore, #tpu.memory_space<semaphore_mem>>)
      %dma_wait3A = tpu.memref_slice %arg15[%mul3A_2] : memref<20480xi32, #tpu.memory_space<hbm>> -> memref<640xi32, #tpu.memory_space<hbm>>
      %dma_wait3A_13 = tpu.memref_slice %arg15[%mul3A_2] : memref<20480xi32, #tpu.memory_space<hbm>> -> memref<640xi32, #tpu.memory_space<hbm>>
      tpu.wait_dma2 semaphore(%run_scoped3A : memref<!tpu.dma_semaphore, #tpu.memory_space<semaphore_mem>>) src(%arg29 : memref<640xi32, #tpu.memory_space<vmem>>) dst(%dma_wait3A_13 : memref<640xi32, #tpu.memory_space<hbm>>)
      tpu.yield
    }) : () -> ()
    return
  }
}

#map = affine_map<(d0, d1) -> (0)>
module attributes {stable_mosaic.version = 14 : i64} {
  func.func @_phase_b_body(%arg0: i32, %arg1: i32, %arg2: memref<20480xf32, #tpu.memory_space<hbm>>, %arg3: memref<20480xf32, #tpu.memory_space<hbm>>, %arg4: memref<20480xi32, #tpu.memory_space<hbm>>, %arg5: memref<512xf32, #tpu.memory_space<hbm>>, %arg6: memref<512xi32, #tpu.memory_space<hbm>>, %arg7: memref<512xi32, #tpu.memory_space<hbm>>, %arg8: memref<1280xf32, #tpu.memory_space<vmem>>, %arg9: memref<1280xi32, #tpu.memory_space<vmem>>, %arg10: memref<1280xi32, #tpu.memory_space<vmem>>, %arg11: memref<2048xi32, #tpu.memory_space<vmem>>, %arg12: memref<2048xi32, #tpu.memory_space<vmem>>, %arg13: memref<400xi32, #tpu.memory_space<vmem>>, %arg14: memref<400xi32, #tpu.memory_space<vmem>>, %arg15: memref<400xi32, #tpu.memory_space<vmem>>, %arg16: memref<400xi32, #tpu.memory_space<vmem>>, %arg17: memref<400xf32, #tpu.memory_space<vmem>>, %arg18: memref<400xi32, #tpu.memory_space<vmem>>, %arg19: memref<400xi32, #tpu.memory_space<vmem>>, %arg20: memref<400xi32, #tpu.memory_space<vmem>>, %arg21: memref<400xi32, #tpu.memory_space<vmem>>, %arg22: memref<400xi32, #tpu.memory_space<vmem>>, %arg23: memref<400xi32, #tpu.memory_space<vmem>>, %arg24: memref<16xf32, #tpu.memory_space<vmem>>, %arg25: memref<16xi32, #tpu.memory_space<vmem>>, %arg26: memref<16xi32, #tpu.memory_space<vmem>>, %arg27: memref<16xi32, #tpu.memory_space<vmem>>, %arg28: memref<16xf32, #tpu.memory_space<vmem>>, %arg29: memref<16xi32, #tpu.memory_space<vmem>>, %arg30: memref<16xi32, #tpu.memory_space<vmem>>, %arg31: memref<16xi32, #tpu.memory_space<vmem>>, %arg32: memref<32xi32, #tpu.memory_space<vmem>>, %arg33: memref<512xi32, #tpu.memory_space<vmem>>, %arg34: memref<12288xi32, #tpu.memory_space<vmem_shared>>, %arg35: memref<1024xi32, #tpu.memory_space<vmem_shared>>, %arg36: memref<800xi32, #tpu.memory_space<vmem_shared>>, %arg37: memref<800xi32, #tpu.memory_space<vmem_shared>>, %arg38: memref<800xi32, #tpu.memory_space<vmem_shared>>, %arg39: memref<896xf32, #tpu.memory_space<vmem_shared>>, %arg40: memref<896xi32, #tpu.memory_space<vmem_shared>>, %arg41: memref<896xi32, #tpu.memory_space<vmem_shared>>, %arg42: memref<!tpu.dma_semaphore, #tpu.memory_space<semaphore_mem>>) attributes {dimension_semantics = [#tpu.dimension_semantics<core_parallel>, #tpu.dimension_semantics<subcore_parallel>], iteration_bounds = array<i64: 2, 16>, scalar_prefetch = 0 : i64, scratch_operands = 35 : i64, tpu.core_type = #tpu.core_type<sc_vector_subcore>, window_params = [{transform_indices = #map}, {transform_indices = #map}, {transform_indices = #map}, {transform_indices = #map}, {transform_indices = #map}, {transform_indices = #map}]} {
    %eq3A = arith.constant 0 : i32
    %eq3A_0 = arith.cmpi eq, %arg0, %eq3A : i32
    %jit3A = arith.constant 128 : i32
    %jit3A_1 = arith.constant 384 : i32
    %select_n3A = arith.select %eq3A_0, %jit3A, %jit3A_1 : i32
    %broadcast_in_dim3A = vector.broadcast %select_n3A : i32 to vector<16xi32>
    %broadcast_in_dim3A_2 = arith.constant 1 : i32
    %broadcast_in_dim3A_3 = vector.broadcast %broadcast_in_dim3A_2 : i32 to vector<16xi32>
    %broadcast_in_dim3A_4 = arith.constant 0 : i32
    %broadcast_in_dim3A_5 = vector.broadcast %broadcast_in_dim3A_4 : i32 to vector<16xi32>
    %iota3A = tpu.iota {dimensions = array<i32: 0>} : vector<16xi32>
    %mul3A = arith.constant 1280 : i32
    %mul3A_6 = arith.muli %arg1, %mul3A : i32
    %eq3A_7 = arith.constant 0 : i32
    %eq3A_8 = arith.cmpi eq, %arg0, %eq3A_7 : i32
    %convert_element_type3A = arith.extui %eq3A_8 : i1 to i32
    %cond3A = arith.constant 0 : i32
    %cond3A_9 = arith.cmpi ne, %convert_element_type3A, %cond3A : i32
    scf.if %cond3A_9 {
      %dma_start3A_329 = tpu.memref_slice %arg2[%mul3A_6] : memref<20480xf32, #tpu.memory_space<hbm>> -> memref<1280xf32, #tpu.memory_space<hbm>>
      %dma_start3A_330 = tpu.memref_slice %arg2[%mul3A_6] : memref<20480xf32, #tpu.memory_space<hbm>> -> memref<1280xf32, #tpu.memory_space<hbm>>
      tpu.enqueue_dma source(%dma_start3A_330 : memref<1280xf32, #tpu.memory_space<hbm>>) target(%arg8 : memref<1280xf32, #tpu.memory_space<vmem>>) target_semaphore(%arg42 : memref<!tpu.dma_semaphore, #tpu.memory_space<semaphore_mem>>)
      %dma_start3A_331 = tpu.memref_slice %arg4[%mul3A_6] : memref<20480xi32, #tpu.memory_space<hbm>> -> memref<1280xi32, #tpu.memory_space<hbm>>
      %dma_start3A_332 = tpu.memref_slice %arg4[%mul3A_6] : memref<20480xi32, #tpu.memory_space<hbm>> -> memref<1280xi32, #tpu.memory_space<hbm>>
      tpu.enqueue_dma source(%dma_start3A_332 : memref<1280xi32, #tpu.memory_space<hbm>>) target(%arg10 : memref<1280xi32, #tpu.memory_space<vmem>>) target_semaphore(%arg42 : memref<!tpu.dma_semaphore, #tpu.memory_space<semaphore_mem>>)
      %dma_wait3A_333 = tpu.memref_slice %arg2[%mul3A_6] : memref<20480xf32, #tpu.memory_space<hbm>> -> memref<1280xf32, #tpu.memory_space<hbm>>
      %dma_wait3A_334 = tpu.memref_slice %arg2[%mul3A_6] : memref<20480xf32, #tpu.memory_space<hbm>> -> memref<1280xf32, #tpu.memory_space<hbm>>
      tpu.wait_dma2 semaphore(%arg42 : memref<!tpu.dma_semaphore, #tpu.memory_space<semaphore_mem>>) src(%dma_wait3A_334 : memref<1280xf32, #tpu.memory_space<hbm>>) dst(%arg8 : memref<1280xf32, #tpu.memory_space<vmem>>)
      %dma_wait3A_335 = tpu.memref_slice %arg4[%mul3A_6] : memref<20480xi32, #tpu.memory_space<hbm>> -> memref<1280xi32, #tpu.memory_space<hbm>>
      %dma_wait3A_336 = tpu.memref_slice %arg4[%mul3A_6] : memref<20480xi32, #tpu.memory_space<hbm>> -> memref<1280xi32, #tpu.memory_space<hbm>>
      tpu.wait_dma2 semaphore(%arg42 : memref<!tpu.dma_semaphore, #tpu.memory_space<semaphore_mem>>) src(%dma_wait3A_336 : memref<1280xi32, #tpu.memory_space<hbm>>) dst(%arg10 : memref<1280xi32, #tpu.memory_space<vmem>>)
    } else {
    }
    %eq3A_10 = arith.constant 1 : i32
    %eq3A_11 = arith.cmpi eq, %arg0, %eq3A_10 : i32
    %convert_element_type3A_12 = arith.extui %eq3A_11 : i1 to i32
    %cond3A_13 = arith.constant 0 : i32
    %cond3A_14 = arith.cmpi ne, %convert_element_type3A_12, %cond3A_13 : i32
    scf.if %cond3A_14 {
      %dma_start3A_329 = tpu.memref_slice %arg3[%mul3A_6] : memref<20480xf32, #tpu.memory_space<hbm>> -> memref<1280xf32, #tpu.memory_space<hbm>>
      %dma_start3A_330 = tpu.memref_slice %arg3[%mul3A_6] : memref<20480xf32, #tpu.memory_space<hbm>> -> memref<1280xf32, #tpu.memory_space<hbm>>
      tpu.enqueue_dma source(%dma_start3A_330 : memref<1280xf32, #tpu.memory_space<hbm>>) target(%arg8 : memref<1280xf32, #tpu.memory_space<vmem>>) target_semaphore(%arg42 : memref<!tpu.dma_semaphore, #tpu.memory_space<semaphore_mem>>)
      %dma_start3A_331 = tpu.memref_slice %arg4[%mul3A_6] : memref<20480xi32, #tpu.memory_space<hbm>> -> memref<1280xi32, #tpu.memory_space<hbm>>
      %dma_start3A_332 = tpu.memref_slice %arg4[%mul3A_6] : memref<20480xi32, #tpu.memory_space<hbm>> -> memref<1280xi32, #tpu.memory_space<hbm>>
      tpu.enqueue_dma source(%dma_start3A_332 : memref<1280xi32, #tpu.memory_space<hbm>>) target(%arg10 : memref<1280xi32, #tpu.memory_space<vmem>>) target_semaphore(%arg42 : memref<!tpu.dma_semaphore, #tpu.memory_space<semaphore_mem>>)
      %dma_wait3A_333 = tpu.memref_slice %arg3[%mul3A_6] : memref<20480xf32, #tpu.memory_space<hbm>> -> memref<1280xf32, #tpu.memory_space<hbm>>
      %dma_wait3A_334 = tpu.memref_slice %arg3[%mul3A_6] : memref<20480xf32, #tpu.memory_space<hbm>> -> memref<1280xf32, #tpu.memory_space<hbm>>
      tpu.wait_dma2 semaphore(%arg42 : memref<!tpu.dma_semaphore, #tpu.memory_space<semaphore_mem>>) src(%dma_wait3A_334 : memref<1280xf32, #tpu.memory_space<hbm>>) dst(%arg8 : memref<1280xf32, #tpu.memory_space<vmem>>)
      %dma_wait3A_335 = tpu.memref_slice %arg4[%mul3A_6] : memref<20480xi32, #tpu.memory_space<hbm>> -> memref<1280xi32, #tpu.memory_space<hbm>>
      %dma_wait3A_336 = tpu.memref_slice %arg4[%mul3A_6] : memref<20480xi32, #tpu.memory_space<hbm>> -> memref<1280xi32, #tpu.memory_space<hbm>>
      tpu.wait_dma2 semaphore(%arg42 : memref<!tpu.dma_semaphore, #tpu.memory_space<semaphore_mem>>) src(%dma_wait3A_336 : memref<1280xi32, #tpu.memory_space<hbm>>) dst(%arg10 : memref<1280xi32, #tpu.memory_space<vmem>>)
    } else {
    }
    %scan3A = arith.constant 0 : i32
    %scan3A_15 = arith.constant 128 : i32
    %scan3A_16 = arith.addi %scan3A, %scan3A_15 : i32
    %scan3A_17 = arith.constant 1 : i32
    scf.for %scan3A_329 = %scan3A to %scan3A_16 step %scan3A_17  : i32 {
      %mul3A_330 = arith.constant 16 : i32
      %mul3A_331 = arith.muli %scan3A_329, %mul3A_330 : i32
      %swap3A_332 = arith.index_cast %mul3A_331 : i32 to index
      %swap3A_333 = tpu.vector_load %arg11[%swap3A_332] {strides = array<i32>} : memref<2048xi32, #tpu.memory_space<vmem>>, vector<16xi32>,
      tpu.vector_store %arg11[%swap3A_332], %broadcast_in_dim3A_5 {strides = array<i32>} : memref<2048xi32, #tpu.memory_space<vmem>>, vector<16xi32>,
    }
    %scan3A_18 = arith.constant 128 : i32
    %mul3A_19 = arith.constant 6144 : i32
    %mul3A_20 = arith.muli %arg0, %mul3A_19 : i32
    %mul3A_21 = arith.constant 384 : i32
    %mul3A_22 = arith.muli %arg1, %mul3A_21 : i32
    %add3A = arith.addi %mul3A_20, %mul3A_22 : i32
    %dma_start3A = arith.constant 0 : i32
    %dma_start3A_23 = tpu.memref_slice %arg11[%dma_start3A] : memref<2048xi32, #tpu.memory_space<vmem>> -> memref<384xi32, #tpu.memory_space<vmem>>
    %dma_start3A_24 = tpu.memref_slice %arg34[%add3A] : memref<12288xi32, #tpu.memory_space<vmem_shared>> -> memref<384xi32, #tpu.memory_space<vmem_shared>>
    %dma_start3A_25 = tpu.memref_slice %arg34[%add3A] : memref<12288xi32, #tpu.memory_space<vmem_shared>> -> memref<384xi32, #tpu.memory_space<vmem_shared>>
    %dma_start3A_26 = arith.constant 0 : i32
    %dma_start3A_27 = tpu.memref_slice %arg11[%dma_start3A_26] : memref<2048xi32, #tpu.memory_space<vmem>> -> memref<384xi32, #tpu.memory_space<vmem>>
    tpu.enqueue_dma source(%dma_start3A_27 : memref<384xi32, #tpu.memory_space<vmem>>) target(%dma_start3A_25 : memref<384xi32, #tpu.memory_space<vmem_shared>>) target_semaphore(%arg42 : memref<!tpu.dma_semaphore, #tpu.memory_space<semaphore_mem>>)
    %scan3A_28 = arith.constant -2147483648 : i32
    %scan3A_29 = arith.constant 0 : i32
    %scan3A_30 = arith.constant 80 : i32
    %scan3A_31 = arith.addi %scan3A_29, %scan3A_30 : i32
    %scan3A_32 = arith.constant 1 : i32
    scf.for %scan3A_329 = %scan3A_29 to %scan3A_31 step %scan3A_32  : i32 {
      %mul3A_330 = arith.constant 16 : i32
      %mul3A_331 = arith.muli %scan3A_329, %mul3A_330 : i32
      %get3A_332 = arith.index_cast %mul3A_331 : i32 to index
      %get3A_333 = tpu.vector_load %arg8[%get3A_332] {strides = array<i32>} : memref<1280xf32, #tpu.memory_space<vmem>>, vector<16xf32>,
      %bitcast3A_334 = vector.bitcast %get3A_333 : vector<16xf32> to vector<16xi32>
      %lt3A_335 = arith.constant 0 : i32
      %lt3A_336 = vector.broadcast %lt3A_335 : i32 to vector<16xi32>
      %lt3A_337 = arith.cmpi slt, %bitcast3A_334, %lt3A_336 : vector<16xi32>
      %not3A_338 = arith.constant dense<-1> : vector<16xi32>
      %not3A_339 = arith.xori %bitcast3A_334, %not3A_338 : vector<16xi32>
      %xor3A_340 = vector.broadcast %scan3A_28 : i32 to vector<16xi32>
      %xor3A_341 = arith.xori %bitcast3A_334, %xor3A_340 : vector<16xi32>
      %select_n3A_342 = arith.select %lt3A_337, %not3A_339, %xor3A_341 : vector<16xi1>, vector<16xi32>
      %bitcast3A_343 = vector.bitcast %select_n3A_342 : vector<16xi32> to vector<16xi32>
      %swap3A_344 = arith.index_cast %mul3A_331 : i32 to index
      %swap3A_345 = tpu.vector_load %arg9[%swap3A_344] {strides = array<i32>} : memref<1280xi32, #tpu.memory_space<vmem>>, vector<16xi32>,
      tpu.vector_store %arg9[%swap3A_344], %bitcast3A_343 {strides = array<i32>} : memref<1280xi32, #tpu.memory_space<vmem>>, vector<16xi32>,
    }
    %scan3A_33 = arith.constant 80 : i32
    %dma_wait3A = arith.constant 0 : i32
    %dma_wait3A_34 = tpu.memref_slice %arg11[%dma_wait3A] : memref<2048xi32, #tpu.memory_space<vmem>> -> memref<384xi32, #tpu.memory_space<vmem>>
    %dma_wait3A_35 = tpu.memref_slice %arg34[%add3A] : memref<12288xi32, #tpu.memory_space<vmem_shared>> -> memref<384xi32, #tpu.memory_space<vmem_shared>>
    %dma_wait3A_36 = tpu.memref_slice %arg34[%add3A] : memref<12288xi32, #tpu.memory_space<vmem_shared>> -> memref<384xi32, #tpu.memory_space<vmem_shared>>
    %dma_wait3A_37 = arith.constant 0 : i32
    %dma_wait3A_38 = tpu.memref_slice %arg11[%dma_wait3A_37] : memref<2048xi32, #tpu.memory_space<vmem>> -> memref<384xi32, #tpu.memory_space<vmem>>
    tpu.wait_dma2 semaphore(%arg42 : memref<!tpu.dma_semaphore, #tpu.memory_space<semaphore_mem>>) src(%dma_wait3A_38 : memref<384xi32, #tpu.memory_space<vmem>>) dst(%dma_wait3A_36 : memref<384xi32, #tpu.memory_space<vmem_shared>>)
    %barrier3A = arith.constant 0 : index
    tpu.barrier barrier_id(%barrier3A)
    %add3A_39 = arith.constant 0 : i32
    %add3A_40 = arith.addi %mul3A_20, %add3A_39 : i32
    %scan3A_41 = arith.constant 0 : i32
    %scan3A_42 = arith.constant 128 : i32
    %scan3A_43 = arith.addi %scan3A_41, %scan3A_42 : i32
    %scan3A_44 = arith.constant 1 : i32
    scf.for %scan3A_329 = %scan3A_41 to %scan3A_43 step %scan3A_44  : i32 {
      %mul3A_330 = arith.constant 16 : i32
      %mul3A_331 = arith.muli %scan3A_329, %mul3A_330 : i32
      %add3A_332 = arith.addi %add3A_40, %mul3A_331 : i32
      %add3A_333 = vector.broadcast %add3A_332 : i32 to vector<16xi32>
      %add3A_334 = arith.addi %add3A_333, %iota3A : vector<16xi32>
      %mul3A_335 = arith.constant 16 : i32
      %mul3A_336 = arith.muli %scan3A_329, %mul3A_335 : i32
      %swap3A_337 = arith.index_cast %mul3A_336 : i32 to index
      %swap3A_338 = tpu.vector_load %arg12[%swap3A_337] {strides = array<i32>} : memref<2048xi32, #tpu.memory_space<vmem>>, vector<16xi32>,
      tpu.vector_store %arg12[%swap3A_337], %add3A_334 {strides = array<i32>} : memref<2048xi32, #tpu.memory_space<vmem>>, vector<16xi32>,
    }
    %scan3A_45 = arith.constant 128 : i32
    %scan3A_46 = arith.constant 2047 : i32
    %scan3A_47 = arith.constant 0 : i32
    %scan3A_48 = arith.constant 80 : i32
    %scan3A_49 = arith.addi %scan3A_47, %scan3A_48 : i32
    %scan3A_50 = arith.constant 1 : i32
    scf.for %scan3A_329 = %scan3A_47 to %scan3A_49 step %scan3A_50  : i32 {
      %mul3A_330 = arith.constant 16 : i32
      %mul3A_331 = arith.muli %scan3A_329, %mul3A_330 : i32
      %get3A_332 = arith.index_cast %mul3A_331 : i32 to index
      %get3A_333 = tpu.vector_load %arg9[%get3A_332] {strides = array<i32>} : memref<1280xi32, #tpu.memory_space<vmem>>, vector<16xi32>,
      %shift_right_logical3A_334 = arith.constant 21 : i32
      %shift_right_logical3A_335 = vector.broadcast %shift_right_logical3A_334 : i32 to vector<16xi32>
      %shift_right_logical3A_336 = arith.shrui %get3A_333, %shift_right_logical3A_335 : vector<16xi32>
      %and3A_337 = vector.broadcast %scan3A_46 : i32 to vector<16xi32>
      %and3A_338 = arith.andi %shift_right_logical3A_336, %and3A_337 : vector<16xi32>
      %bitcast3A_339 = vector.bitcast %and3A_338 : vector<16xi32> to vector<16xi32>
      tpu.vector_store_idx %arg11[%bitcast3A_339], %broadcast_in_dim3A_3 {add = true} : memref<2048xi32, #tpu.memory_space<vmem>>[vector<16xi32>], vector<16xi32>,
    }
    %scan3A_51 = arith.constant 80 : i32
    "tpu.region"() ({
      %run_scoped3A = tpu.sem_alloc : memref<!tpu.dma_semaphore, #tpu.memory_space<semaphore_mem>>
      %dma_start3A_329 = arith.constant 0 : i32
      %dma_start3A_330 = tpu.memref_slice %arg34[%dma_start3A_329] : memref<12288xi32, #tpu.memory_space<vmem_shared>> -> memref<12288xi32, #tpu.memory_space<vmem_shared>>
      tpu.enqueue_indirect_dma source(%arg11 : memref<2048xi32, #tpu.memory_space<vmem>>) target(%dma_start3A_330 : memref<12288xi32, #tpu.memory_space<vmem_shared>>) offsets(%arg12 : memref<2048xi32, #tpu.memory_space<vmem>>) semaphore(%run_scoped3A : memref<!tpu.dma_semaphore, #tpu.memory_space<semaphore_mem>>) {add = true}
      %dma_wait3A_331 = arith.constant 0 : i32
      %dma_wait3A_332 = tpu.memref_slice %arg34[%dma_wait3A_331] : memref<12288xi32, #tpu.memory_space<vmem_shared>> -> memref<12288xi32, #tpu.memory_space<vmem_shared>>
      tpu.wait_indirect_dma semaphore(%run_scoped3A : memref<!tpu.dma_semaphore, #tpu.memory_space<semaphore_mem>>) src(%arg11 : memref<2048xi32, #tpu.memory_space<vmem>>) dst(%dma_wait3A_332 : memref<12288xi32, #tpu.memory_space<vmem_shared>>)
      tpu.yield
    }) : () -> ()
    %barrier3A_52 = arith.constant 0 : index
    tpu.barrier barrier_id(%barrier3A_52)
    "tpu.region"() ({
      %run_scoped3A = tpu.sem_alloc : memref<!tpu.dma_semaphore, #tpu.memory_space<semaphore_mem>>
      %dma_start3A_329 = arith.constant 0 : i32
      %dma_start3A_330 = tpu.memref_slice %arg11[%dma_start3A_329] : memref<2048xi32, #tpu.memory_space<vmem>> -> memref<2048xi32, #tpu.memory_space<vmem>>
      %dma_start3A_331 = tpu.memref_slice %arg34[%add3A_40] : memref<12288xi32, #tpu.memory_space<vmem_shared>> -> memref<2048xi32, #tpu.memory_space<vmem_shared>>
      %dma_start3A_332 = arith.constant 0 : i32
      %dma_start3A_333 = tpu.memref_slice %arg11[%dma_start3A_332] : memref<2048xi32, #tpu.memory_space<vmem>> -> memref<2048xi32, #tpu.memory_space<vmem>>
      %dma_start3A_334 = tpu.memref_slice %arg34[%add3A_40] : memref<12288xi32, #tpu.memory_space<vmem_shared>> -> memref<2048xi32, #tpu.memory_space<vmem_shared>>
      tpu.enqueue_dma source(%dma_start3A_334 : memref<2048xi32, #tpu.memory_space<vmem_shared>>) target(%dma_start3A_333 : memref<2048xi32, #tpu.memory_space<vmem>>) target_semaphore(%run_scoped3A : memref<!tpu.dma_semaphore, #tpu.memory_space<semaphore_mem>>)
      %dma_wait3A_335 = arith.constant 0 : i32
      %dma_wait3A_336 = tpu.memref_slice %arg11[%dma_wait3A_335] : memref<2048xi32, #tpu.memory_space<vmem>> -> memref<2048xi32, #tpu.memory_space<vmem>>
      %dma_wait3A_337 = tpu.memref_slice %arg34[%add3A_40] : memref<12288xi32, #tpu.memory_space<vmem_shared>> -> memref<2048xi32, #tpu.memory_space<vmem_shared>>
      %dma_wait3A_338 = arith.constant 0 : i32
      %dma_wait3A_339 = tpu.memref_slice %arg11[%dma_wait3A_338] : memref<2048xi32, #tpu.memory_space<vmem>> -> memref<2048xi32, #tpu.memory_space<vmem>>
      %dma_wait3A_340 = tpu.memref_slice %arg34[%add3A_40] : memref<12288xi32, #tpu.memory_space<vmem_shared>> -> memref<2048xi32, #tpu.memory_space<vmem_shared>>
      tpu.wait_dma2 semaphore(%run_scoped3A : memref<!tpu.dma_semaphore, #tpu.memory_space<semaphore_mem>>) src(%dma_wait3A_340 : memref<2048xi32, #tpu.memory_space<vmem_shared>>) dst(%dma_wait3A_339 : memref<2048xi32, #tpu.memory_space<vmem>>)
      tpu.yield
    }) : () -> ()
    %while3A = arith.constant 0 : i32
    %while3A_53 = arith.constant 0 : i32
    %while3A_54 = arith.constant 0 : i32
    %while3A_55 = arith.constant 0 : i32
    %while3A_56 = arith.constant 0 : i32
    %while3A_57:5 = scf.while (%while3A_329 = %while3A, %while3A_330 = %while3A_53, %while3A_331 = %while3A_54, %while3A_332 = %while3A_55, %while3A_333 = %while3A_56) : (i32, i32, i32, i32, i32) -> (i32, i32, i32, i32, i32) {
      %eq3A_334 = arith.constant 0 : i32
      %eq3A_335 = arith.cmpi eq, %while3A_331, %eq3A_334 : i32
      %lt3A_336 = arith.constant 128 : i32
      %lt3A_337 = arith.cmpi slt, %while3A_329, %lt3A_336 : i32
      %and3A_338 = arith.andi %eq3A_335, %lt3A_337 : i1
      scf.condition(%and3A_338) %while3A_329, %while3A_330, %while3A_331, %while3A_332, %while3A_333 : i32, i32, i32, i32, i32
    } do {
    ^bb0(%while3A_329: i32, %while3A_330: i32, %while3A_331: i32, %while3A_332: i32, %while3A_333: i32):
      %sub3A_334 = arith.constant 127 : i32
      %sub3A_335 = arith.subi %sub3A_334, %while3A_329 : i32
      %mul3A_336 = arith.constant 16 : i32
      %mul3A_337 = arith.muli %sub3A_335, %mul3A_336 : i32
      %get3A_338 = arith.index_cast %mul3A_337 : i32 to index
      %get3A_339 = tpu.vector_load %arg11[%get3A_338] {strides = array<i32>} : memref<2048xi32, #tpu.memory_space<vmem>>, vector<16xi32>,
      %rev3A = arith.constant 15 : i32
      %rev3A_340 = vector.broadcast %rev3A : i32 to vector<16xi32>
      %rev3A_341 = tpu.iota {dimensions = array<i32: 0>} : vector<16xi32>
      %rev3A_342 = arith.subi %rev3A_340, %rev3A_341 : vector<16xi32>
      %rev3A_343 = tpu.dynamic_gather %get3A_339[%rev3A_342] in [0] : vector<16xi32>, vector<16xi32> -> vector<16xi32>
      %broadcast_in_dim3A_344 = arith.constant true
      %broadcast_in_dim3A_345 = vector.broadcast %broadcast_in_dim3A_344 : i1 to vector<16xi1>
      %masked_cumsum3A_346 = tpu.scan <sum>, %rev3A_343 masked %broadcast_in_dim3A_345 : vector<16xi32>, vector<16xi1> -> vector<16xi32>
      %rev3A_347 = arith.constant 15 : i32
      %rev3A_348 = vector.broadcast %rev3A_347 : i32 to vector<16xi32>
      %rev3A_349 = tpu.iota {dimensions = array<i32: 0>} : vector<16xi32>
      %rev3A_350 = arith.subi %rev3A_348, %rev3A_349 : vector<16xi32>
      %rev3A_351 = tpu.dynamic_gather %masked_cumsum3A_346[%rev3A_350] in [0] : vector<16xi32>, vector<16xi32> -> vector<16xi32>
      %add3A_352 = vector.broadcast %while3A_330 : i32 to vector<16xi32>
      %add3A_353 = arith.addi %add3A_352, %rev3A_351 : vector<16xi32>
      %broadcast_in_dim3A_354 = vector.broadcast %select_n3A : i32 to vector<16xi32>
      %ge3A_355 = arith.cmpi sge, %add3A_353, %broadcast_in_dim3A_354 : vector<16xi32>
      %select_n3A_356 = arith.select %ge3A_355, %broadcast_in_dim3A_3, %broadcast_in_dim3A_5 : vector<16xi1>, vector<16xi32>
      %add3A_357 = arith.constant 1 : i32
      %add3A_358 = vector.broadcast %add3A_357 : i32 to vector<16xi32>
      %add3A_359 = arith.addi %iota3A, %add3A_358 : vector<16xi32>
      %mul3A_360 = arith.muli %select_n3A_356, %add3A_359 : vector<16xi32>
      %reduce_max3A = arith.constant true
      %reduce_max3A_361 = vector.broadcast %reduce_max3A : i1 to vector<16xi1>
      %reduce_max3A_362 = arith.constant -2147483648 : i32
      %reduce_max3A_363 = vector.broadcast %reduce_max3A_362 : i32 to vector<16xi32>
      %reduce_max3A_364 = arith.xori %mul3A_360, %reduce_max3A_363 : vector<16xi32>
      %reduce_max3A_365 = tpu.scan <max>, %reduce_max3A_364 masked %reduce_max3A_361 : vector<16xi32>, vector<16xi1> -> vector<16xi32>
      %reduce_max3A_366 = arith.xori %reduce_max3A_365, %reduce_max3A_363 : vector<16xi32>
      %reduce_max3A_367 = vector.extract %reduce_max3A_366[15] : i32 from vector<16xi32>
      %sub3A_368 = arith.constant 1 : i32
      %sub3A_369 = arith.subi %reduce_max3A_367, %sub3A_368 : i32
      %broadcast_in_dim3A_370 = vector.broadcast %sub3A_369 : i32 to vector<16xi32>
      %gt3A = arith.cmpi sgt, %iota3A, %broadcast_in_dim3A_370 : vector<16xi32>
      %select_n3A_371 = arith.select %gt3A, %get3A_339, %broadcast_in_dim3A_5 : vector<16xi1>, vector<16xi32>
      %reduce_sum3A_372 = arith.constant true
      %reduce_sum3A_373 = vector.broadcast %reduce_sum3A_372 : i1 to vector<16xi1>
      %reduce_sum3A_374 = tpu.scan <sum>, %select_n3A_371 masked %reduce_sum3A_373 : vector<16xi32>, vector<16xi1> -> vector<16xi32>
      %reduce_sum3A_375 = vector.extract %reduce_sum3A_374[15] : i32 from vector<16xi32>
      %add3A_376 = arith.addi %while3A_330, %reduce_sum3A_375 : i32
      %mul3A_377 = arith.constant 16 : i32
      %mul3A_378 = arith.muli %sub3A_335, %mul3A_377 : i32
      %add3A_379 = arith.addi %mul3A_378, %reduce_max3A_367 : i32
      %sub3A_380 = arith.constant 1 : i32
      %sub3A_381 = arith.subi %add3A_379, %sub3A_380 : i32
      %gt3A_382 = arith.constant 0 : i32
      %gt3A_383 = arith.cmpi sgt, %reduce_max3A_367, %gt3A_382 : i32
      %select_n3A_384 = arith.select %gt3A_383, %sub3A_381, %while3A_332 : i32
      %gt3A_385 = arith.constant 0 : i32
      %gt3A_386 = arith.cmpi sgt, %reduce_max3A_367, %gt3A_385 : i32
      %select_n3A_387 = arith.select %gt3A_386, %add3A_376, %while3A_333 : i32
      %gt3A_388 = arith.constant 0 : i32
      %gt3A_389 = arith.cmpi sgt, %reduce_max3A_367, %gt3A_388 : i32
      %jit3A_390 = arith.constant 1 : i32
      %jit3A_391 = arith.constant 0 : i32
      %select_n3A_392 = arith.select %gt3A_389, %jit3A_390, %jit3A_391 : i32
      %reduce_sum3A_393 = arith.constant true
      %reduce_sum3A_394 = vector.broadcast %reduce_sum3A_393 : i1 to vector<16xi1>
      %reduce_sum3A_395 = tpu.scan <sum>, %get3A_339 masked %reduce_sum3A_394 : vector<16xi32>, vector<16xi1> -> vector<16xi32>
      %reduce_sum3A_396 = vector.extract %reduce_sum3A_395[15] : i32 from vector<16xi32>
      %add3A_397 = arith.addi %while3A_330, %reduce_sum3A_396 : i32
      %add3A_398 = arith.constant 1 : i32
      %add3A_399 = arith.addi %while3A_329, %add3A_398 : i32
      scf.yield %add3A_399, %add3A_397, %select_n3A_392, %select_n3A_384, %select_n3A_387 : i32, i32, i32, i32, i32
    }
    %bitcast_convert_type3A = arith.bitcast %while3A_57#3 : i32 to i32
    %shift_left3A = arith.constant 21 : i32
    %shift_left3A_58 = arith.shli %bitcast_convert_type3A, %shift_left3A : i32
    %or3A = arith.constant 0 : i32
    %or3A_59 = arith.ori %or3A, %shift_left3A_58 : i32
    %sub3A = arith.subi %select_n3A, %while3A_57#4 : i32
    %add3A_60 = arith.constant 2048 : i32
    %add3A_61 = arith.addi %mul3A_20, %add3A_60 : i32
    %scan3A_62 = arith.constant 0 : i32
    %scan3A_63 = arith.constant 128 : i32
    %scan3A_64 = arith.addi %scan3A_62, %scan3A_63 : i32
    %scan3A_65 = arith.constant 1 : i32
    scf.for %scan3A_329 = %scan3A_62 to %scan3A_64 step %scan3A_65  : i32 {
      %mul3A_330 = arith.constant 16 : i32
      %mul3A_331 = arith.muli %scan3A_329, %mul3A_330 : i32
      %add3A_332 = arith.addi %add3A_61, %mul3A_331 : i32
      %add3A_333 = vector.broadcast %add3A_332 : i32 to vector<16xi32>
      %add3A_334 = arith.addi %add3A_333, %iota3A : vector<16xi32>
      %mul3A_335 = arith.constant 16 : i32
      %mul3A_336 = arith.muli %scan3A_329, %mul3A_335 : i32
      %swap3A_337 = arith.index_cast %mul3A_336 : i32 to index
      %swap3A_338 = tpu.vector_load %arg12[%swap3A_337] {strides = array<i32>} : memref<2048xi32, #tpu.memory_space<vmem>>, vector<16xi32>,
      tpu.vector_store %arg12[%swap3A_337], %add3A_334 {strides = array<i32>} : memref<2048xi32, #tpu.memory_space<vmem>>, vector<16xi32>,
      %mul3A_339 = arith.constant 16 : i32
      %mul3A_340 = arith.muli %scan3A_329, %mul3A_339 : i32
      %swap3A_341 = arith.index_cast %mul3A_340 : i32 to index
      %swap3A_342 = tpu.vector_load %arg11[%swap3A_341] {strides = array<i32>} : memref<2048xi32, #tpu.memory_space<vmem>>, vector<16xi32>,
      tpu.vector_store %arg11[%swap3A_341], %broadcast_in_dim3A_5 {strides = array<i32>} : memref<2048xi32, #tpu.memory_space<vmem>>, vector<16xi32>,
    }
    %scan3A_66 = arith.constant 128 : i32
    %shift_right_logical3A = arith.constant 21 : i32
    %shift_right_logical3A_67 = arith.shrui %or3A_59, %shift_right_logical3A : i32
    %scan3A_68 = arith.constant 2047 : i32
    %scan3A_69 = arith.constant 0 : i32
    %scan3A_70 = arith.constant 80 : i32
    %scan3A_71 = arith.addi %scan3A_69, %scan3A_70 : i32
    %scan3A_72 = arith.constant 1 : i32
    scf.for %scan3A_329 = %scan3A_69 to %scan3A_71 step %scan3A_72  : i32 {
      %mul3A_330 = arith.constant 16 : i32
      %mul3A_331 = arith.muli %scan3A_329, %mul3A_330 : i32
      %get3A_332 = arith.index_cast %mul3A_331 : i32 to index
      %get3A_333 = tpu.vector_load %arg9[%get3A_332] {strides = array<i32>} : memref<1280xi32, #tpu.memory_space<vmem>>, vector<16xi32>,
      %shift_right_logical3A_334 = arith.constant 10 : i32
      %shift_right_logical3A_335 = vector.broadcast %shift_right_logical3A_334 : i32 to vector<16xi32>
      %shift_right_logical3A_336 = arith.shrui %get3A_333, %shift_right_logical3A_335 : vector<16xi32>
      %and3A_337 = vector.broadcast %scan3A_68 : i32 to vector<16xi32>
      %and3A_338 = arith.andi %shift_right_logical3A_336, %and3A_337 : vector<16xi32>
      %shift_right_logical3A_339 = arith.constant 21 : i32
      %shift_right_logical3A_340 = vector.broadcast %shift_right_logical3A_339 : i32 to vector<16xi32>
      %shift_right_logical3A_341 = arith.shrui %get3A_333, %shift_right_logical3A_340 : vector<16xi32>
      %broadcast_in_dim3A_342 = vector.broadcast %shift_right_logical3A_67 : i32 to vector<16xi32>
      %eq3A_343 = arith.cmpi eq, %shift_right_logical3A_341, %broadcast_in_dim3A_342 : vector<16xi32>
      %select_n3A_344 = arith.select %eq3A_343, %broadcast_in_dim3A_3, %broadcast_in_dim3A_5 : vector<16xi1>, vector<16xi32>
      %bitcast3A_345 = vector.bitcast %and3A_338 : vector<16xi32> to vector<16xi32>
      tpu.vector_store_idx %arg11[%bitcast3A_345], %select_n3A_344 {add = true} : memref<2048xi32, #tpu.memory_space<vmem>>[vector<16xi32>], vector<16xi32>,
    }
    %scan3A_73 = arith.constant 80 : i32
    "tpu.region"() ({
      %run_scoped3A = tpu.sem_alloc : memref<!tpu.dma_semaphore, #tpu.memory_space<semaphore_mem>>
      %dma_start3A_329 = arith.constant 0 : i32
      %dma_start3A_330 = tpu.memref_slice %arg34[%dma_start3A_329] : memref<12288xi32, #tpu.memory_space<vmem_shared>> -> memref<12288xi32, #tpu.memory_space<vmem_shared>>
      tpu.enqueue_indirect_dma source(%arg11 : memref<2048xi32, #tpu.memory_space<vmem>>) target(%dma_start3A_330 : memref<12288xi32, #tpu.memory_space<vmem_shared>>) offsets(%arg12 : memref<2048xi32, #tpu.memory_space<vmem>>) semaphore(%run_scoped3A : memref<!tpu.dma_semaphore, #tpu.memory_space<semaphore_mem>>) {add = true}
      %dma_wait3A_331 = arith.constant 0 : i32
      %dma_wait3A_332 = tpu.memref_slice %arg34[%dma_wait3A_331] : memref<12288xi32, #tpu.memory_space<vmem_shared>> -> memref<12288xi32, #tpu.memory_space<vmem_shared>>
      tpu.wait_indirect_dma semaphore(%run_scoped3A : memref<!tpu.dma_semaphore, #tpu.memory_space<semaphore_mem>>) src(%arg11 : memref<2048xi32, #tpu.memory_space<vmem>>) dst(%dma_wait3A_332 : memref<12288xi32, #tpu.memory_space<vmem_shared>>)
      tpu.yield
    }) : () -> ()
    %barrier3A_74 = arith.constant 0 : index
    tpu.barrier barrier_id(%barrier3A_74)
    "tpu.region"() ({
      %run_scoped3A = tpu.sem_alloc : memref<!tpu.dma_semaphore, #tpu.memory_space<semaphore_mem>>
      %dma_start3A_329 = arith.constant 0 : i32
      %dma_start3A_330 = tpu.memref_slice %arg11[%dma_start3A_329] : memref<2048xi32, #tpu.memory_space<vmem>> -> memref<2048xi32, #tpu.memory_space<vmem>>
      %dma_start3A_331 = tpu.memref_slice %arg34[%add3A_61] : memref<12288xi32, #tpu.memory_space<vmem_shared>> -> memref<2048xi32, #tpu.memory_space<vmem_shared>>
      %dma_start3A_332 = arith.constant 0 : i32
      %dma_start3A_333 = tpu.memref_slice %arg11[%dma_start3A_332] : memref<2048xi32, #tpu.memory_space<vmem>> -> memref<2048xi32, #tpu.memory_space<vmem>>
      %dma_start3A_334 = tpu.memref_slice %arg34[%add3A_61] : memref<12288xi32, #tpu.memory_space<vmem_shared>> -> memref<2048xi32, #tpu.memory_space<vmem_shared>>
      tpu.enqueue_dma source(%dma_start3A_334 : memref<2048xi32, #tpu.memory_space<vmem_shared>>) target(%dma_start3A_333 : memref<2048xi32, #tpu.memory_space<vmem>>) target_semaphore(%run_scoped3A : memref<!tpu.dma_semaphore, #tpu.memory_space<semaphore_mem>>)
      %dma_wait3A_335 = arith.constant 0 : i32
      %dma_wait3A_336 = tpu.memref_slice %arg11[%dma_wait3A_335] : memref<2048xi32, #tpu.memory_space<vmem>> -> memref<2048xi32, #tpu.memory_space<vmem>>
      %dma_wait3A_337 = tpu.memref_slice %arg34[%add3A_61] : memref<12288xi32, #tpu.memory_space<vmem_shared>> -> memref<2048xi32, #tpu.memory_space<vmem_shared>>
      %dma_wait3A_338 = arith.constant 0 : i32
      %dma_wait3A_339 = tpu.memref_slice %arg11[%dma_wait3A_338] : memref<2048xi32, #tpu.memory_space<vmem>> -> memref<2048xi32, #tpu.memory_space<vmem>>
      %dma_wait3A_340 = tpu.memref_slice %arg34[%add3A_61] : memref<12288xi32, #tpu.memory_space<vmem_shared>> -> memref<2048xi32, #tpu.memory_space<vmem_shared>>
      tpu.wait_dma2 semaphore(%run_scoped3A : memref<!tpu.dma_semaphore, #tpu.memory_space<semaphore_mem>>) src(%dma_wait3A_340 : memref<2048xi32, #tpu.memory_space<vmem_shared>>) dst(%dma_wait3A_339 : memref<2048xi32, #tpu.memory_space<vmem>>)
      tpu.yield
    }) : () -> ()
    %while3A_75 = arith.constant 0 : i32
    %while3A_76 = arith.constant 0 : i32
    %while3A_77 = arith.constant 0 : i32
    %while3A_78 = arith.constant 0 : i32
    %while3A_79 = arith.constant 0 : i32
    %while3A_80:5 = scf.while (%while3A_329 = %while3A_75, %while3A_330 = %while3A_76, %while3A_331 = %while3A_77, %while3A_332 = %while3A_78, %while3A_333 = %while3A_79) : (i32, i32, i32, i32, i32) -> (i32, i32, i32, i32, i32) {
      %eq3A_334 = arith.constant 0 : i32
      %eq3A_335 = arith.cmpi eq, %while3A_331, %eq3A_334 : i32
      %lt3A_336 = arith.constant 128 : i32
      %lt3A_337 = arith.cmpi slt, %while3A_329, %lt3A_336 : i32
      %and3A_338 = arith.andi %eq3A_335, %lt3A_337 : i1
      scf.condition(%and3A_338) %while3A_329, %while3A_330, %while3A_331, %while3A_332, %while3A_333 : i32, i32, i32, i32, i32
    } do {
    ^bb0(%while3A_329: i32, %while3A_330: i32, %while3A_331: i32, %while3A_332: i32, %while3A_333: i32):
      %sub3A_334 = arith.constant 127 : i32
      %sub3A_335 = arith.subi %sub3A_334, %while3A_329 : i32
      %mul3A_336 = arith.constant 16 : i32
      %mul3A_337 = arith.muli %sub3A_335, %mul3A_336 : i32
      %get3A_338 = arith.index_cast %mul3A_337 : i32 to index
      %get3A_339 = tpu.vector_load %arg11[%get3A_338] {strides = array<i32>} : memref<2048xi32, #tpu.memory_space<vmem>>, vector<16xi32>,
      %rev3A = arith.constant 15 : i32
      %rev3A_340 = vector.broadcast %rev3A : i32 to vector<16xi32>
      %rev3A_341 = tpu.iota {dimensions = array<i32: 0>} : vector<16xi32>
      %rev3A_342 = arith.subi %rev3A_340, %rev3A_341 : vector<16xi32>
      %rev3A_343 = tpu.dynamic_gather %get3A_339[%rev3A_342] in [0] : vector<16xi32>, vector<16xi32> -> vector<16xi32>
      %broadcast_in_dim3A_344 = arith.constant true
      %broadcast_in_dim3A_345 = vector.broadcast %broadcast_in_dim3A_344 : i1 to vector<16xi1>
      %masked_cumsum3A_346 = tpu.scan <sum>, %rev3A_343 masked %broadcast_in_dim3A_345 : vector<16xi32>, vector<16xi1> -> vector<16xi32>
      %rev3A_347 = arith.constant 15 : i32
      %rev3A_348 = vector.broadcast %rev3A_347 : i32 to vector<16xi32>
      %rev3A_349 = tpu.iota {dimensions = array<i32: 0>} : vector<16xi32>
      %rev3A_350 = arith.subi %rev3A_348, %rev3A_349 : vector<16xi32>
      %rev3A_351 = tpu.dynamic_gather %masked_cumsum3A_346[%rev3A_350] in [0] : vector<16xi32>, vector<16xi32> -> vector<16xi32>
      %add3A_352 = vector.broadcast %while3A_330 : i32 to vector<16xi32>
      %add3A_353 = arith.addi %add3A_352, %rev3A_351 : vector<16xi32>
      %broadcast_in_dim3A_354 = vector.broadcast %sub3A : i32 to vector<16xi32>
      %ge3A_355 = arith.cmpi sge, %add3A_353, %broadcast_in_dim3A_354 : vector<16xi32>
      %select_n3A_356 = arith.select %ge3A_355, %broadcast_in_dim3A_3, %broadcast_in_dim3A_5 : vector<16xi1>, vector<16xi32>
      %add3A_357 = arith.constant 1 : i32
      %add3A_358 = vector.broadcast %add3A_357 : i32 to vector<16xi32>
      %add3A_359 = arith.addi %iota3A, %add3A_358 : vector<16xi32>
      %mul3A_360 = arith.muli %select_n3A_356, %add3A_359 : vector<16xi32>
      %reduce_max3A = arith.constant true
      %reduce_max3A_361 = vector.broadcast %reduce_max3A : i1 to vector<16xi1>
      %reduce_max3A_362 = arith.constant -2147483648 : i32
      %reduce_max3A_363 = vector.broadcast %reduce_max3A_362 : i32 to vector<16xi32>
      %reduce_max3A_364 = arith.xori %mul3A_360, %reduce_max3A_363 : vector<16xi32>
      %reduce_max3A_365 = tpu.scan <max>, %reduce_max3A_364 masked %reduce_max3A_361 : vector<16xi32>, vector<16xi1> -> vector<16xi32>
      %reduce_max3A_366 = arith.xori %reduce_max3A_365, %reduce_max3A_363 : vector<16xi32>
      %reduce_max3A_367 = vector.extract %reduce_max3A_366[15] : i32 from vector<16xi32>
      %sub3A_368 = arith.constant 1 : i32
      %sub3A_369 = arith.subi %reduce_max3A_367, %sub3A_368 : i32
      %broadcast_in_dim3A_370 = vector.broadcast %sub3A_369 : i32 to vector<16xi32>
      %gt3A = arith.cmpi sgt, %iota3A, %broadcast_in_dim3A_370 : vector<16xi32>
      %select_n3A_371 = arith.select %gt3A, %get3A_339, %broadcast_in_dim3A_5 : vector<16xi1>, vector<16xi32>
      %reduce_sum3A_372 = arith.constant true
      %reduce_sum3A_373 = vector.broadcast %reduce_sum3A_372 : i1 to vector<16xi1>
      %reduce_sum3A_374 = tpu.scan <sum>, %select_n3A_371 masked %reduce_sum3A_373 : vector<16xi32>, vector<16xi1> -> vector<16xi32>
      %reduce_sum3A_375 = vector.extract %reduce_sum3A_374[15] : i32 from vector<16xi32>
      %add3A_376 = arith.addi %while3A_330, %reduce_sum3A_375 : i32
      %mul3A_377 = arith.constant 16 : i32
      %mul3A_378 = arith.muli %sub3A_335, %mul3A_377 : i32
      %add3A_379 = arith.addi %mul3A_378, %reduce_max3A_367 : i32
      %sub3A_380 = arith.constant 1 : i32
      %sub3A_381 = arith.subi %add3A_379, %sub3A_380 : i32
      %gt3A_382 = arith.constant 0 : i32
      %gt3A_383 = arith.cmpi sgt, %reduce_max3A_367, %gt3A_382 : i32
      %select_n3A_384 = arith.select %gt3A_383, %sub3A_381, %while3A_332 : i32
      %gt3A_385 = arith.constant 0 : i32
      %gt3A_386 = arith.cmpi sgt, %reduce_max3A_367, %gt3A_385 : i32
      %select_n3A_387 = arith.select %gt3A_386, %add3A_376, %while3A_333 : i32
      %gt3A_388 = arith.constant 0 : i32
      %gt3A_389 = arith.cmpi sgt, %reduce_max3A_367, %gt3A_388 : i32
      %jit3A_390 = arith.constant 1 : i32
      %jit3A_391 = arith.constant 0 : i32
      %select_n3A_392 = arith.select %gt3A_389, %jit3A_390, %jit3A_391 : i32
      %reduce_sum3A_393 = arith.constant true
      %reduce_sum3A_394 = vector.broadcast %reduce_sum3A_393 : i1 to vector<16xi1>
      %reduce_sum3A_395 = tpu.scan <sum>, %get3A_339 masked %reduce_sum3A_394 : vector<16xi32>, vector<16xi1> -> vector<16xi32>
      %reduce_sum3A_396 = vector.extract %reduce_sum3A_395[15] : i32 from vector<16xi32>
      %add3A_397 = arith.addi %while3A_330, %reduce_sum3A_396 : i32
      %add3A_398 = arith.constant 1 : i32
      %add3A_399 = arith.addi %while3A_329, %add3A_398 : i32
      scf.yield %add3A_399, %add3A_397, %select_n3A_392, %select_n3A_384, %select_n3A_387 : i32, i32, i32, i32, i32
    }
    %bitcast_convert_type3A_81 = arith.bitcast %while3A_80#3 : i32 to i32
    %shift_left3A_82 = arith.constant 10 : i32
    %shift_left3A_83 = arith.shli %bitcast_convert_type3A_81, %shift_left3A_82 : i32
    %or3A_84 = arith.ori %or3A_59, %shift_left3A_83 : i32
    %sub3A_85 = arith.subi %sub3A, %while3A_80#4 : i32
    %add3A_86 = arith.constant 4096 : i32
    %add3A_87 = arith.addi %mul3A_20, %add3A_86 : i32
    %scan3A_88 = arith.constant 0 : i32
    %scan3A_89 = arith.constant 128 : i32
    %scan3A_90 = arith.addi %scan3A_88, %scan3A_89 : i32
    %scan3A_91 = arith.constant 1 : i32
    scf.for %scan3A_329 = %scan3A_88 to %scan3A_90 step %scan3A_91  : i32 {
      %mul3A_330 = arith.constant 16 : i32
      %mul3A_331 = arith.muli %scan3A_329, %mul3A_330 : i32
      %add3A_332 = arith.addi %add3A_87, %mul3A_331 : i32
      %add3A_333 = vector.broadcast %add3A_332 : i32 to vector<16xi32>
      %add3A_334 = arith.addi %add3A_333, %iota3A : vector<16xi32>
      %mul3A_335 = arith.constant 16 : i32
      %mul3A_336 = arith.muli %scan3A_329, %mul3A_335 : i32
      %swap3A_337 = arith.index_cast %mul3A_336 : i32 to index
      %swap3A_338 = tpu.vector_load %arg12[%swap3A_337] {strides = array<i32>} : memref<2048xi32, #tpu.memory_space<vmem>>, vector<16xi32>,
      tpu.vector_store %arg12[%swap3A_337], %add3A_334 {strides = array<i32>} : memref<2048xi32, #tpu.memory_space<vmem>>, vector<16xi32>,
      %mul3A_339 = arith.constant 16 : i32
      %mul3A_340 = arith.muli %scan3A_329, %mul3A_339 : i32
      %swap3A_341 = arith.index_cast %mul3A_340 : i32 to index
      %swap3A_342 = tpu.vector_load %arg11[%swap3A_341] {strides = array<i32>} : memref<2048xi32, #tpu.memory_space<vmem>>, vector<16xi32>,
      tpu.vector_store %arg11[%swap3A_341], %broadcast_in_dim3A_5 {strides = array<i32>} : memref<2048xi32, #tpu.memory_space<vmem>>, vector<16xi32>,
    }
    %scan3A_92 = arith.constant 128 : i32
    %shift_right_logical3A_93 = arith.constant 10 : i32
    %shift_right_logical3A_94 = arith.shrui %or3A_84, %shift_right_logical3A_93 : i32
    %scan3A_95 = arith.constant 1023 : i32
    %scan3A_96 = arith.constant 0 : i32
    %scan3A_97 = arith.constant 80 : i32
    %scan3A_98 = arith.addi %scan3A_96, %scan3A_97 : i32
    %scan3A_99 = arith.constant 1 : i32
    scf.for %scan3A_329 = %scan3A_96 to %scan3A_98 step %scan3A_99  : i32 {
      %mul3A_330 = arith.constant 16 : i32
      %mul3A_331 = arith.muli %scan3A_329, %mul3A_330 : i32
      %get3A_332 = arith.index_cast %mul3A_331 : i32 to index
      %get3A_333 = tpu.vector_load %arg9[%get3A_332] {strides = array<i32>} : memref<1280xi32, #tpu.memory_space<vmem>>, vector<16xi32>,
      %shift_right_logical3A_334 = arith.constant 0 : i32
      %shift_right_logical3A_335 = vector.broadcast %shift_right_logical3A_334 : i32 to vector<16xi32>
      %shift_right_logical3A_336 = arith.shrui %get3A_333, %shift_right_logical3A_335 : vector<16xi32>
      %and3A_337 = vector.broadcast %scan3A_95 : i32 to vector<16xi32>
      %and3A_338 = arith.andi %shift_right_logical3A_336, %and3A_337 : vector<16xi32>
      %shift_right_logical3A_339 = arith.constant 10 : i32
      %shift_right_logical3A_340 = vector.broadcast %shift_right_logical3A_339 : i32 to vector<16xi32>
      %shift_right_logical3A_341 = arith.shrui %get3A_333, %shift_right_logical3A_340 : vector<16xi32>
      %broadcast_in_dim3A_342 = vector.broadcast %shift_right_logical3A_94 : i32 to vector<16xi32>
      %eq3A_343 = arith.cmpi eq, %shift_right_logical3A_341, %broadcast_in_dim3A_342 : vector<16xi32>
      %select_n3A_344 = arith.select %eq3A_343, %broadcast_in_dim3A_3, %broadcast_in_dim3A_5 : vector<16xi1>, vector<16xi32>
      %bitcast3A_345 = vector.bitcast %and3A_338 : vector<16xi32> to vector<16xi32>
      tpu.vector_store_idx %arg11[%bitcast3A_345], %select_n3A_344 {add = true} : memref<2048xi32, #tpu.memory_space<vmem>>[vector<16xi32>], vector<16xi32>,
    }
    %scan3A_100 = arith.constant 80 : i32
    "tpu.region"() ({
      %run_scoped3A = tpu.sem_alloc : memref<!tpu.dma_semaphore, #tpu.memory_space<semaphore_mem>>
      %dma_start3A_329 = arith.constant 0 : i32
      %dma_start3A_330 = tpu.memref_slice %arg34[%dma_start3A_329] : memref<12288xi32, #tpu.memory_space<vmem_shared>> -> memref<12288xi32, #tpu.memory_space<vmem_shared>>
      tpu.enqueue_indirect_dma source(%arg11 : memref<2048xi32, #tpu.memory_space<vmem>>) target(%dma_start3A_330 : memref<12288xi32, #tpu.memory_space<vmem_shared>>) offsets(%arg12 : memref<2048xi32, #tpu.memory_space<vmem>>) semaphore(%run_scoped3A : memref<!tpu.dma_semaphore, #tpu.memory_space<semaphore_mem>>) {add = true}
      %dma_wait3A_331 = arith.constant 0 : i32
      %dma_wait3A_332 = tpu.memref_slice %arg34[%dma_wait3A_331] : memref<12288xi32, #tpu.memory_space<vmem_shared>> -> memref<12288xi32, #tpu.memory_space<vmem_shared>>
      tpu.wait_indirect_dma semaphore(%run_scoped3A : memref<!tpu.dma_semaphore, #tpu.memory_space<semaphore_mem>>) src(%arg11 : memref<2048xi32, #tpu.memory_space<vmem>>) dst(%dma_wait3A_332 : memref<12288xi32, #tpu.memory_space<vmem_shared>>)
      tpu.yield
    }) : () -> ()
    %barrier3A_101 = arith.constant 0 : index
    tpu.barrier barrier_id(%barrier3A_101)
    "tpu.region"() ({
      %run_scoped3A = tpu.sem_alloc : memref<!tpu.dma_semaphore, #tpu.memory_space<semaphore_mem>>
      %dma_start3A_329 = arith.constant 0 : i32
      %dma_start3A_330 = tpu.memref_slice %arg11[%dma_start3A_329] : memref<2048xi32, #tpu.memory_space<vmem>> -> memref<2048xi32, #tpu.memory_space<vmem>>
      %dma_start3A_331 = tpu.memref_slice %arg34[%add3A_87] : memref<12288xi32, #tpu.memory_space<vmem_shared>> -> memref<2048xi32, #tpu.memory_space<vmem_shared>>
      %dma_start3A_332 = arith.constant 0 : i32
      %dma_start3A_333 = tpu.memref_slice %arg11[%dma_start3A_332] : memref<2048xi32, #tpu.memory_space<vmem>> -> memref<2048xi32, #tpu.memory_space<vmem>>
      %dma_start3A_334 = tpu.memref_slice %arg34[%add3A_87] : memref<12288xi32, #tpu.memory_space<vmem_shared>> -> memref<2048xi32, #tpu.memory_space<vmem_shared>>
      tpu.enqueue_dma source(%dma_start3A_334 : memref<2048xi32, #tpu.memory_space<vmem_shared>>) target(%dma_start3A_333 : memref<2048xi32, #tpu.memory_space<vmem>>) target_semaphore(%run_scoped3A : memref<!tpu.dma_semaphore, #tpu.memory_space<semaphore_mem>>)
      %dma_wait3A_335 = arith.constant 0 : i32
      %dma_wait3A_336 = tpu.memref_slice %arg11[%dma_wait3A_335] : memref<2048xi32, #tpu.memory_space<vmem>> -> memref<2048xi32, #tpu.memory_space<vmem>>
      %dma_wait3A_337 = tpu.memref_slice %arg34[%add3A_87] : memref<12288xi32, #tpu.memory_space<vmem_shared>> -> memref<2048xi32, #tpu.memory_space<vmem_shared>>
      %dma_wait3A_338 = arith.constant 0 : i32
      %dma_wait3A_339 = tpu.memref_slice %arg11[%dma_wait3A_338] : memref<2048xi32, #tpu.memory_space<vmem>> -> memref<2048xi32, #tpu.memory_space<vmem>>
      %dma_wait3A_340 = tpu.memref_slice %arg34[%add3A_87] : memref<12288xi32, #tpu.memory_space<vmem_shared>> -> memref<2048xi32, #tpu.memory_space<vmem_shared>>
      tpu.wait_dma2 semaphore(%run_scoped3A : memref<!tpu.dma_semaphore, #tpu.memory_space<semaphore_mem>>) src(%dma_wait3A_340 : memref<2048xi32, #tpu.memory_space<vmem_shared>>) dst(%dma_wait3A_339 : memref<2048xi32, #tpu.memory_space<vmem>>)
      tpu.yield
    }) : () -> ()
    %while3A_102 = arith.constant 0 : i32
    %while3A_103 = arith.constant 0 : i32
    %while3A_104 = arith.constant 0 : i32
    %while3A_105 = arith.constant 0 : i32
    %while3A_106 = arith.constant 0 : i32
    %while3A_107:5 = scf.while (%while3A_329 = %while3A_102, %while3A_330 = %while3A_103, %while3A_331 = %while3A_104, %while3A_332 = %while3A_105, %while3A_333 = %while3A_106) : (i32, i32, i32, i32, i32) -> (i32, i32, i32, i32, i32) {
      %eq3A_334 = arith.constant 0 : i32
      %eq3A_335 = arith.cmpi eq, %while3A_331, %eq3A_334 : i32
      %lt3A_336 = arith.constant 64 : i32
      %lt3A_337 = arith.cmpi slt, %while3A_329, %lt3A_336 : i32
      %and3A_338 = arith.andi %eq3A_335, %lt3A_337 : i1
      scf.condition(%and3A_338) %while3A_329, %while3A_330, %while3A_331, %while3A_332, %while3A_333 : i32, i32, i32, i32, i32
    } do {
    ^bb0(%while3A_329: i32, %while3A_330: i32, %while3A_331: i32, %while3A_332: i32, %while3A_333: i32):
      %sub3A_334 = arith.constant 63 : i32
      %sub3A_335 = arith.subi %sub3A_334, %while3A_329 : i32
      %mul3A_336 = arith.constant 16 : i32
      %mul3A_337 = arith.muli %sub3A_335, %mul3A_336 : i32
      %get3A_338 = arith.index_cast %mul3A_337 : i32 to index
      %get3A_339 = tpu.vector_load %arg11[%get3A_338] {strides = array<i32>} : memref<2048xi32, #tpu.memory_space<vmem>>, vector<16xi32>,
      %rev3A = arith.constant 15 : i32
      %rev3A_340 = vector.broadcast %rev3A : i32 to vector<16xi32>
      %rev3A_341 = tpu.iota {dimensions = array<i32: 0>} : vector<16xi32>
      %rev3A_342 = arith.subi %rev3A_340, %rev3A_341 : vector<16xi32>
      %rev3A_343 = tpu.dynamic_gather %get3A_339[%rev3A_342] in [0] : vector<16xi32>, vector<16xi32> -> vector<16xi32>
      %broadcast_in_dim3A_344 = arith.constant true
      %broadcast_in_dim3A_345 = vector.broadcast %broadcast_in_dim3A_344 : i1 to vector<16xi1>
      %masked_cumsum3A_346 = tpu.scan <sum>, %rev3A_343 masked %broadcast_in_dim3A_345 : vector<16xi32>, vector<16xi1> -> vector<16xi32>
      %rev3A_347 = arith.constant 15 : i32
      %rev3A_348 = vector.broadcast %rev3A_347 : i32 to vector<16xi32>
      %rev3A_349 = tpu.iota {dimensions = array<i32: 0>} : vector<16xi32>
      %rev3A_350 = arith.subi %rev3A_348, %rev3A_349 : vector<16xi32>
      %rev3A_351 = tpu.dynamic_gather %masked_cumsum3A_346[%rev3A_350] in [0] : vector<16xi32>, vector<16xi32> -> vector<16xi32>
      %add3A_352 = vector.broadcast %while3A_330 : i32 to vector<16xi32>
      %add3A_353 = arith.addi %add3A_352, %rev3A_351 : vector<16xi32>
      %broadcast_in_dim3A_354 = vector.broadcast %sub3A_85 : i32 to vector<16xi32>
      %ge3A_355 = arith.cmpi sge, %add3A_353, %broadcast_in_dim3A_354 : vector<16xi32>
      %select_n3A_356 = arith.select %ge3A_355, %broadcast_in_dim3A_3, %broadcast_in_dim3A_5 : vector<16xi1>, vector<16xi32>
      %add3A_357 = arith.constant 1 : i32
      %add3A_358 = vector.broadcast %add3A_357 : i32 to vector<16xi32>
      %add3A_359 = arith.addi %iota3A, %add3A_358 : vector<16xi32>
      %mul3A_360 = arith.muli %select_n3A_356, %add3A_359 : vector<16xi32>
      %reduce_max3A = arith.constant true
      %reduce_max3A_361 = vector.broadcast %reduce_max3A : i1 to vector<16xi1>
      %reduce_max3A_362 = arith.constant -2147483648 : i32
      %reduce_max3A_363 = vector.broadcast %reduce_max3A_362 : i32 to vector<16xi32>
      %reduce_max3A_364 = arith.xori %mul3A_360, %reduce_max3A_363 : vector<16xi32>
      %reduce_max3A_365 = tpu.scan <max>, %reduce_max3A_364 masked %reduce_max3A_361 : vector<16xi32>, vector<16xi1> -> vector<16xi32>
      %reduce_max3A_366 = arith.xori %reduce_max3A_365, %reduce_max3A_363 : vector<16xi32>
      %reduce_max3A_367 = vector.extract %reduce_max3A_366[15] : i32 from vector<16xi32>
      %sub3A_368 = arith.constant 1 : i32
      %sub3A_369 = arith.subi %reduce_max3A_367, %sub3A_368 : i32
      %broadcast_in_dim3A_370 = vector.broadcast %sub3A_369 : i32 to vector<16xi32>
      %gt3A = arith.cmpi sgt, %iota3A, %broadcast_in_dim3A_370 : vector<16xi32>
      %select_n3A_371 = arith.select %gt3A, %get3A_339, %broadcast_in_dim3A_5 : vector<16xi1>, vector<16xi32>
      %reduce_sum3A_372 = arith.constant true
      %reduce_sum3A_373 = vector.broadcast %reduce_sum3A_372 : i1 to vector<16xi1>
      %reduce_sum3A_374 = tpu.scan <sum>, %select_n3A_371 masked %reduce_sum3A_373 : vector<16xi32>, vector<16xi1> -> vector<16xi32>
      %reduce_sum3A_375 = vector.extract %reduce_sum3A_374[15] : i32 from vector<16xi32>
      %add3A_376 = arith.addi %while3A_330, %reduce_sum3A_375 : i32
      %mul3A_377 = arith.constant 16 : i32
      %mul3A_378 = arith.muli %sub3A_335, %mul3A_377 : i32
      %add3A_379 = arith.addi %mul3A_378, %reduce_max3A_367 : i32
      %sub3A_380 = arith.constant 1 : i32
      %sub3A_381 = arith.subi %add3A_379, %sub3A_380 : i32
      %gt3A_382 = arith.constant 0 : i32
      %gt3A_383 = arith.cmpi sgt, %reduce_max3A_367, %gt3A_382 : i32
      %select_n3A_384 = arith.select %gt3A_383, %sub3A_381, %while3A_332 : i32
      %gt3A_385 = arith.constant 0 : i32
      %gt3A_386 = arith.cmpi sgt, %reduce_max3A_367, %gt3A_385 : i32
      %select_n3A_387 = arith.select %gt3A_386, %add3A_376, %while3A_333 : i32
      %gt3A_388 = arith.constant 0 : i32
      %gt3A_389 = arith.cmpi sgt, %reduce_max3A_367, %gt3A_388 : i32
      %jit3A_390 = arith.constant 1 : i32
      %jit3A_391 = arith.constant 0 : i32
      %select_n3A_392 = arith.select %gt3A_389, %jit3A_390, %jit3A_391 : i32
      %reduce_sum3A_393 = arith.constant true
      %reduce_sum3A_394 = vector.broadcast %reduce_sum3A_393 : i1 to vector<16xi1>
      %reduce_sum3A_395 = tpu.scan <sum>, %get3A_339 masked %reduce_sum3A_394 : vector<16xi32>, vector<16xi1> -> vector<16xi32>
      %reduce_sum3A_396 = vector.extract %reduce_sum3A_395[15] : i32 from vector<16xi32>
      %add3A_397 = arith.addi %while3A_330, %reduce_sum3A_396 : i32
      %add3A_398 = arith.constant 1 : i32
      %add3A_399 = arith.addi %while3A_329, %add3A_398 : i32
      scf.yield %add3A_399, %add3A_397, %select_n3A_392, %select_n3A_384, %select_n3A_387 : i32, i32, i32, i32, i32
    }
    %bitcast_convert_type3A_108 = arith.bitcast %while3A_107#3 : i32 to i32
    %shift_left3A_109 = arith.constant 0 : i32
    %shift_left3A_110 = arith.shli %bitcast_convert_type3A_108, %shift_left3A_109 : i32
    %or3A_111 = arith.ori %or3A_84, %shift_left3A_110 : i32
    %sub3A_112 = arith.subi %sub3A_85, %while3A_107#4 : i32
    %broadcast_in_dim3A_113 = vector.broadcast %or3A_111 : i32 to vector<16xi32>
    %scan3A_114 = arith.constant 0 : i32
    %scan3A_115 = arith.constant 0 : i32
    %scan3A_116 = arith.constant 0 : i32
    %scan3A_117 = arith.constant 80 : i32
    %scan3A_118 = arith.addi %scan3A_116, %scan3A_117 : i32
    %scan3A_119 = arith.constant 1 : i32
    %scan3A_120:2 = scf.for %scan3A_329 = %scan3A_116 to %scan3A_118 step %scan3A_119 iter_args(%scan3A_330 = %scan3A_114, %scan3A_331 = %scan3A_115) -> (i32, i32)  : i32 {
      %mul3A_332 = arith.constant 16 : i32
      %mul3A_333 = arith.muli %scan3A_329, %mul3A_332 : i32
      %get3A_334 = arith.index_cast %mul3A_333 : i32 to index
      %get3A_335 = tpu.vector_load %arg9[%get3A_334] {strides = array<i32>} : memref<1280xi32, #tpu.memory_space<vmem>>, vector<16xi32>,
      %gt3A = arith.cmpi ugt, %get3A_335, %broadcast_in_dim3A_113 : vector<16xi32>
      %select_n3A_336 = arith.select %gt3A, %broadcast_in_dim3A_3, %broadcast_in_dim3A_5 : vector<16xi1>, vector<16xi32>
      %reduce_sum3A_337 = arith.constant true
      %reduce_sum3A_338 = vector.broadcast %reduce_sum3A_337 : i1 to vector<16xi1>
      %reduce_sum3A_339 = tpu.scan <sum>, %select_n3A_336 masked %reduce_sum3A_338 : vector<16xi32>, vector<16xi1> -> vector<16xi32>
      %reduce_sum3A_340 = vector.extract %reduce_sum3A_339[15] : i32 from vector<16xi32>
      %add3A_341 = arith.addi %scan3A_330, %reduce_sum3A_340 : i32
      %eq3A_342 = arith.cmpi eq, %get3A_335, %broadcast_in_dim3A_113 : vector<16xi32>
      %select_n3A_343 = arith.select %eq3A_342, %broadcast_in_dim3A_3, %broadcast_in_dim3A_5 : vector<16xi1>, vector<16xi32>
      %reduce_sum3A_344 = arith.constant true
      %reduce_sum3A_345 = vector.broadcast %reduce_sum3A_344 : i1 to vector<16xi1>
      %reduce_sum3A_346 = tpu.scan <sum>, %select_n3A_343 masked %reduce_sum3A_345 : vector<16xi32>, vector<16xi1> -> vector<16xi32>
      %reduce_sum3A_347 = vector.extract %reduce_sum3A_346[15] : i32 from vector<16xi32>
      %add3A_348 = arith.addi %scan3A_331, %reduce_sum3A_347 : i32
      scf.yield %add3A_341, %add3A_348 : i32, i32
    }
    %scan3A_121 = arith.constant 80 : i32
    %mul3A_122 = arith.constant 512 : i32
    %mul3A_123 = arith.muli %arg0, %mul3A_122 : i32
    %broadcast_in_dim3A_124 = vector.broadcast %scan3A_120#0 : i32 to vector<16xi32>
    %swap3A = arith.constant 0 : index
    %swap3A_125 = tpu.vector_load %arg32[%swap3A] {strides = array<i32>} : memref<32xi32, #tpu.memory_space<vmem>>, vector<16xi32>,
    tpu.vector_store %arg32[%swap3A], %broadcast_in_dim3A_124 {strides = array<i32>} : memref<32xi32, #tpu.memory_space<vmem>>, vector<16xi32>,
    %broadcast_in_dim3A_126 = vector.broadcast %scan3A_120#1 : i32 to vector<16xi32>
    %swap3A_127 = arith.constant 16 : index
    %swap3A_128 = tpu.vector_load %arg32[%swap3A_127] {strides = array<i32>} : memref<32xi32, #tpu.memory_space<vmem>>, vector<16xi32>,
    tpu.vector_store %arg32[%swap3A_127], %broadcast_in_dim3A_126 {strides = array<i32>} : memref<32xi32, #tpu.memory_space<vmem>>, vector<16xi32>,
    %mul3A_129 = arith.constant 32 : i32
    %mul3A_130 = arith.muli %arg1, %mul3A_129 : i32
    %add3A_131 = arith.addi %mul3A_123, %mul3A_130 : i32
    %dma_start3A_132 = tpu.memref_slice %arg35[%add3A_131] : memref<1024xi32, #tpu.memory_space<vmem_shared>> -> memref<32xi32, #tpu.memory_space<vmem_shared>>
    %dma_start3A_133 = tpu.memref_slice %arg35[%add3A_131] : memref<1024xi32, #tpu.memory_space<vmem_shared>> -> memref<32xi32, #tpu.memory_space<vmem_shared>>
    tpu.enqueue_dma source(%arg32 : memref<32xi32, #tpu.memory_space<vmem>>) target(%dma_start3A_133 : memref<32xi32, #tpu.memory_space<vmem_shared>>) target_semaphore(%arg42 : memref<!tpu.dma_semaphore, #tpu.memory_space<semaphore_mem>>)
    %eq3A_134 = arith.constant 0 : i32
    %eq3A_135 = arith.cmpi eq, %arg1, %eq3A_134 : i32
    %convert_element_type3A_136 = arith.extui %eq3A_135 : i1 to i32
    %cond3A_137 = arith.constant 0 : i32
    %cond3A_138 = arith.cmpi ne, %convert_element_type3A_136, %cond3A_137 : i32
    scf.if %cond3A_138 {
      %scan3A_329 = arith.constant 0 : i32
      %scan3A_330 = arith.constant 25 : i32
      %scan3A_331 = arith.addi %scan3A_329, %scan3A_330 : i32
      %scan3A_332 = arith.constant 1 : i32
      scf.for %scan3A_346 = %scan3A_329 to %scan3A_331 step %scan3A_332  : i32 {
        %mul3A_347 = arith.constant 16 : i32
        %mul3A_348 = arith.muli %scan3A_346, %mul3A_347 : i32
        %broadcast_in_dim3A_349 = arith.constant -2147483648 : i32
        %broadcast_in_dim3A_350 = vector.broadcast %broadcast_in_dim3A_349 : i32 to vector<16xi32>
        %swap3A_351 = arith.index_cast %mul3A_348 : i32 to index
        %swap3A_352 = tpu.vector_load %arg21[%swap3A_351] {strides = array<i32>} : memref<400xi32, #tpu.memory_space<vmem>>, vector<16xi32>,
        tpu.vector_store %arg21[%swap3A_351], %broadcast_in_dim3A_350 {strides = array<i32>} : memref<400xi32, #tpu.memory_space<vmem>>, vector<16xi32>,
        %broadcast_in_dim3A_353 = arith.constant 2147483647 : i32
        %broadcast_in_dim3A_354 = vector.broadcast %broadcast_in_dim3A_353 : i32 to vector<16xi32>
        %swap3A_355 = arith.index_cast %mul3A_348 : i32 to index
        %swap3A_356 = tpu.vector_load %arg22[%swap3A_355] {strides = array<i32>} : memref<400xi32, #tpu.memory_space<vmem>>, vector<16xi32>,
        tpu.vector_store %arg22[%swap3A_355], %broadcast_in_dim3A_354 {strides = array<i32>} : memref<400xi32, #tpu.memory_space<vmem>>, vector<16xi32>,
      }
      %scan3A_333 = arith.constant 25 : i32
      %mul3A_334 = arith.constant 400 : i32
      %mul3A_335 = arith.muli %arg0, %mul3A_334 : i32
      %dma_start3A_336 = tpu.memref_slice %arg36[%mul3A_335] : memref<800xi32, #tpu.memory_space<vmem_shared>> -> memref<400xi32, #tpu.memory_space<vmem_shared>>
      %dma_start3A_337 = tpu.memref_slice %arg36[%mul3A_335] : memref<800xi32, #tpu.memory_space<vmem_shared>> -> memref<400xi32, #tpu.memory_space<vmem_shared>>
      tpu.enqueue_dma source(%arg21 : memref<400xi32, #tpu.memory_space<vmem>>) target(%dma_start3A_337 : memref<400xi32, #tpu.memory_space<vmem_shared>>) target_semaphore(%arg42 : memref<!tpu.dma_semaphore, #tpu.memory_space<semaphore_mem>>)
      %mul3A_338 = arith.constant 400 : i32
      %mul3A_339 = arith.muli %arg0, %mul3A_338 : i32
      %dma_start3A_340 = tpu.memref_slice %arg37[%mul3A_339] : memref<800xi32, #tpu.memory_space<vmem_shared>> -> memref<400xi32, #tpu.memory_space<vmem_shared>>
      %dma_start3A_341 = tpu.memref_slice %arg37[%mul3A_339] : memref<800xi32, #tpu.memory_space<vmem_shared>> -> memref<400xi32, #tpu.memory_space<vmem_shared>>
      tpu.enqueue_dma source(%arg22 : memref<400xi32, #tpu.memory_space<vmem>>) target(%dma_start3A_341 : memref<400xi32, #tpu.memory_space<vmem_shared>>) target_semaphore(%arg42 : memref<!tpu.dma_semaphore, #tpu.memory_space<semaphore_mem>>)
      %dma_wait3A_342 = tpu.memref_slice %arg36[%mul3A_335] : memref<800xi32, #tpu.memory_space<vmem_shared>> -> memref<400xi32, #tpu.memory_space<vmem_shared>>
      %dma_wait3A_343 = tpu.memref_slice %arg36[%mul3A_335] : memref<800xi32, #tpu.memory_space<vmem_shared>> -> memref<400xi32, #tpu.memory_space<vmem_shared>>
      tpu.wait_dma2 semaphore(%arg42 : memref<!tpu.dma_semaphore, #tpu.memory_space<semaphore_mem>>) src(%arg21 : memref<400xi32, #tpu.memory_space<vmem>>) dst(%dma_wait3A_343 : memref<400xi32, #tpu.memory_space<vmem_shared>>)
      %dma_wait3A_344 = tpu.memref_slice %arg37[%mul3A_339] : memref<800xi32, #tpu.memory_space<vmem_shared>> -> memref<400xi32, #tpu.memory_space<vmem_shared>>
      %dma_wait3A_345 = tpu.memref_slice %arg37[%mul3A_339] : memref<800xi32, #tpu.memory_space<vmem_shared>> -> memref<400xi32, #tpu.memory_space<vmem_shared>>
      tpu.wait_dma2 semaphore(%arg42 : memref<!tpu.dma_semaphore, #tpu.memory_space<semaphore_mem>>) src(%arg22 : memref<400xi32, #tpu.memory_space<vmem>>) dst(%dma_wait3A_345 : memref<400xi32, #tpu.memory_space<vmem_shared>>)
    } else {
    }
    %dma_wait3A_139 = tpu.memref_slice %arg35[%add3A_131] : memref<1024xi32, #tpu.memory_space<vmem_shared>> -> memref<32xi32, #tpu.memory_space<vmem_shared>>
    %dma_wait3A_140 = tpu.memref_slice %arg35[%add3A_131] : memref<1024xi32, #tpu.memory_space<vmem_shared>> -> memref<32xi32, #tpu.memory_space<vmem_shared>>
    tpu.wait_dma2 semaphore(%arg42 : memref<!tpu.dma_semaphore, #tpu.memory_space<semaphore_mem>>) src(%arg32 : memref<32xi32, #tpu.memory_space<vmem>>) dst(%dma_wait3A_140 : memref<32xi32, #tpu.memory_space<vmem_shared>>)
    %barrier3A_141 = arith.constant 0 : index
    tpu.barrier barrier_id(%barrier3A_141)
    "tpu.region"() ({
      %run_scoped3A = tpu.sem_alloc : memref<!tpu.dma_semaphore, #tpu.memory_space<semaphore_mem>>
      %dma_start3A_329 = tpu.memref_slice %arg35[%mul3A_123] : memref<1024xi32, #tpu.memory_space<vmem_shared>> -> memref<512xi32, #tpu.memory_space<vmem_shared>>
      %dma_start3A_330 = tpu.memref_slice %arg35[%mul3A_123] : memref<1024xi32, #tpu.memory_space<vmem_shared>> -> memref<512xi32, #tpu.memory_space<vmem_shared>>
      tpu.enqueue_dma source(%dma_start3A_330 : memref<512xi32, #tpu.memory_space<vmem_shared>>) target(%arg33 : memref<512xi32, #tpu.memory_space<vmem>>) target_semaphore(%run_scoped3A : memref<!tpu.dma_semaphore, #tpu.memory_space<semaphore_mem>>)
      %dma_wait3A_331 = tpu.memref_slice %arg35[%mul3A_123] : memref<1024xi32, #tpu.memory_space<vmem_shared>> -> memref<512xi32, #tpu.memory_space<vmem_shared>>
      %dma_wait3A_332 = tpu.memref_slice %arg35[%mul3A_123] : memref<1024xi32, #tpu.memory_space<vmem_shared>> -> memref<512xi32, #tpu.memory_space<vmem_shared>>
      tpu.wait_dma2 semaphore(%run_scoped3A : memref<!tpu.dma_semaphore, #tpu.memory_space<semaphore_mem>>) src(%dma_wait3A_332 : memref<512xi32, #tpu.memory_space<vmem_shared>>) dst(%arg33 : memref<512xi32, #tpu.memory_space<vmem>>)
      tpu.yield
    }) : () -> ()
    %mul3A_142 = arith.constant 33 : i32
    %mul3A_143 = vector.broadcast %mul3A_142 : i32 to vector<16xi32>
    %mul3A_144 = arith.muli %iota3A, %mul3A_143 : vector<16xi32>
    %gather3A = tpu.vector_load_idx %arg33[%mul3A_144] : memref<512xi32, #tpu.memory_space<vmem>>[vector<16xi32>], vector<16xi32>,
    %mul3A_145 = arith.constant 33 : i32
    %mul3A_146 = vector.broadcast %mul3A_145 : i32 to vector<16xi32>
    %mul3A_147 = arith.muli %iota3A, %mul3A_146 : vector<16xi32>
    %add3A_148 = arith.constant 16 : i32
    %add3A_149 = vector.broadcast %add3A_148 : i32 to vector<16xi32>
    %add3A_150 = arith.addi %mul3A_147, %add3A_149 : vector<16xi32>
    %gather3A_151 = tpu.vector_load_idx %arg33[%add3A_150] : memref<512xi32, #tpu.memory_space<vmem>>[vector<16xi32>], vector<16xi32>,
    %reduce_sum3A = arith.constant true
    %reduce_sum3A_152 = vector.broadcast %reduce_sum3A : i1 to vector<16xi1>
    %reduce_sum3A_153 = tpu.scan <sum>, %gather3A masked %reduce_sum3A_152 : vector<16xi32>, vector<16xi1> -> vector<16xi32>
    %reduce_sum3A_154 = vector.extract %reduce_sum3A_153[15] : i32 from vector<16xi32>
    %broadcast_in_dim3A_155 = arith.constant true
    %broadcast_in_dim3A_156 = vector.broadcast %broadcast_in_dim3A_155 : i1 to vector<16xi1>
    %masked_cumsum3A = tpu.scan <sum>, %gather3A masked %broadcast_in_dim3A_156 : vector<16xi32>, vector<16xi1> -> vector<16xi32>
    %sub3A_157 = arith.subi %masked_cumsum3A, %gather3A : vector<16xi32>
    %broadcast_in_dim3A_158 = arith.constant true
    %broadcast_in_dim3A_159 = vector.broadcast %broadcast_in_dim3A_158 : i1 to vector<16xi1>
    %masked_cumsum3A_160 = tpu.scan <sum>, %gather3A_151 masked %broadcast_in_dim3A_159 : vector<16xi32>, vector<16xi1> -> vector<16xi32>
    %sub3A_161 = arith.subi %masked_cumsum3A_160, %gather3A_151 : vector<16xi32>
    %broadcast_in_dim3A_162 = vector.broadcast %arg1 : i32 to vector<16xi32>
    %eq3A_163 = arith.cmpi eq, %iota3A, %broadcast_in_dim3A_162 : vector<16xi32>
    %select_n3A_164 = arith.select %eq3A_163, %broadcast_in_dim3A_3, %broadcast_in_dim3A_5 : vector<16xi1>, vector<16xi32>
    %mul3A_165 = arith.muli %select_n3A_164, %sub3A_157 : vector<16xi32>
    %reduce_sum3A_166 = arith.constant true
    %reduce_sum3A_167 = vector.broadcast %reduce_sum3A_166 : i1 to vector<16xi1>
    %reduce_sum3A_168 = tpu.scan <sum>, %mul3A_165 masked %reduce_sum3A_167 : vector<16xi32>, vector<16xi1> -> vector<16xi32>
    %reduce_sum3A_169 = vector.extract %reduce_sum3A_168[15] : i32 from vector<16xi32>
    %mul3A_170 = arith.muli %select_n3A_164, %sub3A_161 : vector<16xi32>
    %reduce_sum3A_171 = arith.constant true
    %reduce_sum3A_172 = vector.broadcast %reduce_sum3A_171 : i1 to vector<16xi1>
    %reduce_sum3A_173 = tpu.scan <sum>, %mul3A_170 masked %reduce_sum3A_172 : vector<16xi32>, vector<16xi1> -> vector<16xi32>
    %reduce_sum3A_174 = vector.extract %reduce_sum3A_173[15] : i32 from vector<16xi32>
    %broadcast_in_dim3A_175 = vector.broadcast %reduce_sum3A_154 : i32 to vector<16xi32>
    %mul3A_176 = arith.constant 400 : i32
    %mul3A_177 = arith.muli %arg0, %mul3A_176 : i32
    %add3A_178 = arith.constant 384 : i32
    %add3A_179 = arith.addi %mul3A_177, %add3A_178 : i32
    %add3A_180 = arith.addi %add3A_179, %arg1 : i32
    %broadcast_in_dim3A_181 = vector.broadcast %add3A_180 : i32 to vector<16xi32>
    %mul3A_182 = arith.constant 448 : i32
    %mul3A_183 = arith.muli %arg0, %mul3A_182 : i32
    %add3A_184 = arith.constant 384 : i32
    %add3A_185 = arith.addi %mul3A_183, %add3A_184 : i32
    %add3A_186 = arith.addi %add3A_185, %arg1 : i32
    %broadcast_in_dim3A_187 = vector.broadcast %add3A_186 : i32 to vector<16xi32>
    %scan3A_188 = arith.constant 0 : i32
    %scan3A_189 = arith.constant 25 : i32
    %scan3A_190 = arith.addi %scan3A_188, %scan3A_189 : i32
    %scan3A_191 = arith.constant 1 : i32
    scf.for %scan3A_329 = %scan3A_188 to %scan3A_190 step %scan3A_191  : i32 {
      %mul3A_330 = arith.constant 16 : i32
      %mul3A_331 = arith.muli %scan3A_329, %mul3A_330 : i32
      %swap3A_332 = arith.index_cast %mul3A_331 : i32 to index
      %swap3A_333 = tpu.vector_load %arg16[%swap3A_332] {strides = array<i32>} : memref<400xi32, #tpu.memory_space<vmem>>, vector<16xi32>,
      tpu.vector_store %arg16[%swap3A_332], %broadcast_in_dim3A_181 {strides = array<i32>} : memref<400xi32, #tpu.memory_space<vmem>>, vector<16xi32>,
      %swap3A_334 = arith.index_cast %mul3A_331 : i32 to index
      %swap3A_335 = tpu.vector_load %arg20[%swap3A_334] {strides = array<i32>} : memref<400xi32, #tpu.memory_space<vmem>>, vector<16xi32>,
      tpu.vector_store %arg20[%swap3A_334], %broadcast_in_dim3A_187 {strides = array<i32>} : memref<400xi32, #tpu.memory_space<vmem>>, vector<16xi32>,
    }
    %scan3A_192 = arith.constant 25 : i32
    %scan3A_193 = arith.constant -2147483648 : i32
    %scan3A_194 = arith.constant 0 : i32
    %scan3A_195 = arith.constant 0 : i32
    %scan3A_196 = arith.constant 0 : i32
    %scan3A_197 = arith.constant 0 : i32
    %scan3A_198 = arith.constant 80 : i32
    %scan3A_199 = arith.addi %scan3A_197, %scan3A_198 : i32
    %scan3A_200 = arith.constant 1 : i32
    %scan3A_201:3 = scf.for %scan3A_329 = %scan3A_197 to %scan3A_199 step %scan3A_200 iter_args(%scan3A_330 = %scan3A_194, %scan3A_331 = %scan3A_195, %scan3A_332 = %scan3A_196) -> (i32, i32, i32)  : i32 {
      %mul3A_333 = arith.constant 16 : i32
      %mul3A_334 = arith.muli %scan3A_329, %mul3A_333 : i32
      %get3A_335 = arith.index_cast %mul3A_334 : i32 to index
      %get3A_336 = tpu.vector_load %arg9[%get3A_335] {strides = array<i32>} : memref<1280xi32, #tpu.memory_space<vmem>>, vector<16xi32>,
      %ge3A_337 = arith.cmpi uge, %get3A_336, %broadcast_in_dim3A_113 : vector<16xi32>
      %select_n3A_338 = arith.select %ge3A_337, %broadcast_in_dim3A_3, %broadcast_in_dim3A_5 : vector<16xi1>, vector<16xi32>
      %reduce_sum3A_339 = arith.constant true
      %reduce_sum3A_340 = vector.broadcast %reduce_sum3A_339 : i1 to vector<16xi1>
      %reduce_sum3A_341 = tpu.scan <sum>, %select_n3A_338 masked %reduce_sum3A_340 : vector<16xi32>, vector<16xi1> -> vector<16xi32>
      %reduce_sum3A_342 = vector.extract %reduce_sum3A_341[15] : i32 from vector<16xi32>
      %gt3A = arith.constant 0 : i32
      %gt3A_343 = arith.cmpi sgt, %reduce_sum3A_342, %gt3A : i32
      %convert_element_type3A_344 = arith.extui %gt3A_343 : i1 to i32
      %cond3A_345 = arith.constant 0 : i32
      %cond3A_346 = arith.cmpi ne, %convert_element_type3A_344, %cond3A_345 : i32
      %cond3A_347:3 = scf.if %cond3A_346 -> (i32, i32, i32) {
        %get3A_348 = arith.index_cast %mul3A_334 : i32 to index
        %get3A_349 = tpu.vector_load %arg8[%get3A_348] {strides = array<i32>} : memref<1280xf32, #tpu.memory_space<vmem>>, vector<16xf32>,
        %get3A_350 = arith.index_cast %mul3A_334 : i32 to index
        %get3A_351 = tpu.vector_load %arg10[%get3A_350] {strides = array<i32>} : memref<1280xi32, #tpu.memory_space<vmem>>, vector<16xi32>,
        %add3A_352 = arith.addi %mul3A_6, %mul3A_334 : i32
        %add3A_353 = vector.broadcast %add3A_352 : i32 to vector<16xi32>
        %add3A_354 = arith.addi %add3A_353, %iota3A : vector<16xi32>
        %gt3A_355 = arith.cmpi ugt, %get3A_336, %broadcast_in_dim3A_113 : vector<16xi32>
        %bitcast3A_356 = vector.bitcast %get3A_336 : vector<16xi32> to vector<16xi32>
        %xor3A_357 = vector.broadcast %scan3A_193 : i32 to vector<16xi32>
        %xor3A_358 = arith.xori %bitcast3A_356, %xor3A_357 : vector<16xi32>
        %mul3A_359 = arith.constant 400 : i32
        %mul3A_360 = arith.muli %arg0, %mul3A_359 : i32
        %add3A_361 = arith.addi %mul3A_360, %reduce_sum3A_169 : i32
        %add3A_362 = arith.addi %add3A_361, %scan3A_330 : i32
        %select_n3A_363 = arith.select %gt3A_355, %broadcast_in_dim3A_3, %broadcast_in_dim3A_5 : vector<16xi1>, vector<16xi32>
        %broadcast_in_dim3A_364 = arith.constant true
        %broadcast_in_dim3A_365 = vector.broadcast %broadcast_in_dim3A_364 : i1 to vector<16xi1>
        %masked_cumsum3A_366 = tpu.scan <sum>, %select_n3A_363 masked %broadcast_in_dim3A_365 : vector<16xi32>, vector<16xi1> -> vector<16xi32>
        %add3A_367 = vector.broadcast %add3A_362 : i32 to vector<16xi32>
        %add3A_368 = arith.addi %add3A_367, %masked_cumsum3A_366 : vector<16xi32>
        %sub3A_369 = arith.constant 1 : i32
        %sub3A_370 = vector.broadcast %sub3A_369 : i32 to vector<16xi32>
        %sub3A_371 = arith.subi %add3A_368, %sub3A_370 : vector<16xi32>
        %swap3A_372 = arith.index_cast %scan3A_330 : i32 to index
        %swap3A_373 = tpu.vector_load %arg13[%swap3A_372] masked %gt3A_355 {strides = array<i32>} : memref<400xi32, #tpu.memory_space<vmem>>, vector<16xi32>, vector<16xi1>
        tpu.vector_store %arg13[%swap3A_372], %xor3A_358 masked %gt3A_355 {strides = array<i32>} : memref<400xi32, #tpu.memory_space<vmem>>, vector<16xi32>, vector<16xi1>
        %swap3A_374 = arith.index_cast %scan3A_330 : i32 to index
        %swap3A_375 = tpu.vector_load %arg14[%swap3A_374] masked %gt3A_355 {strides = array<i32>} : memref<400xi32, #tpu.memory_space<vmem>>, vector<16xi32>, vector<16xi1>
        tpu.vector_store %arg14[%swap3A_374], %add3A_354 masked %gt3A_355 {strides = array<i32>} : memref<400xi32, #tpu.memory_space<vmem>>, vector<16xi32>, vector<16xi1>
        %swap3A_376 = arith.index_cast %scan3A_330 : i32 to index
        %swap3A_377 = tpu.vector_load %arg15[%swap3A_376] masked %gt3A_355 {strides = array<i32>} : memref<400xi32, #tpu.memory_space<vmem>>, vector<16xi32>, vector<16xi1>
        tpu.vector_store %arg15[%swap3A_376], %get3A_351 masked %gt3A_355 {strides = array<i32>} : memref<400xi32, #tpu.memory_space<vmem>>, vector<16xi32>, vector<16xi1>
        %swap3A_378 = arith.index_cast %scan3A_330 : i32 to index
        %swap3A_379 = tpu.vector_load %arg16[%swap3A_378] masked %gt3A_355 {strides = array<i32>} : memref<400xi32, #tpu.memory_space<vmem>>, vector<16xi32>, vector<16xi1>
        tpu.vector_store %arg16[%swap3A_378], %sub3A_371 masked %gt3A_355 {strides = array<i32>} : memref<400xi32, #tpu.memory_space<vmem>>, vector<16xi32>, vector<16xi1>
        %select_n3A_380 = arith.select %gt3A_355, %broadcast_in_dim3A_3, %broadcast_in_dim3A_5 : vector<16xi1>, vector<16xi32>
        %reduce_sum3A_381 = arith.constant true
        %reduce_sum3A_382 = vector.broadcast %reduce_sum3A_381 : i1 to vector<16xi1>
        %reduce_sum3A_383 = tpu.scan <sum>, %select_n3A_380 masked %reduce_sum3A_382 : vector<16xi32>, vector<16xi1> -> vector<16xi32>
        %reduce_sum3A_384 = vector.extract %reduce_sum3A_383[15] : i32 from vector<16xi32>
        %eq3A_385 = arith.cmpi eq, %get3A_336, %broadcast_in_dim3A_113 : vector<16xi32>
        %select_n3A_386 = arith.select %eq3A_385, %broadcast_in_dim3A_3, %broadcast_in_dim3A_5 : vector<16xi1>, vector<16xi32>
        %broadcast_in_dim3A_387 = arith.constant true
        %broadcast_in_dim3A_388 = vector.broadcast %broadcast_in_dim3A_387 : i1 to vector<16xi1>
        %masked_cumsum3A_389 = tpu.scan <sum>, %select_n3A_386 masked %broadcast_in_dim3A_388 : vector<16xi32>, vector<16xi1> -> vector<16xi32>
        %add3A_390 = vector.broadcast %scan3A_332 : i32 to vector<16xi32>
        %add3A_391 = arith.addi %add3A_390, %masked_cumsum3A_389 : vector<16xi32>
        %sub3A_392 = arith.constant 1 : i32
        %sub3A_393 = vector.broadcast %sub3A_392 : i32 to vector<16xi32>
        %sub3A_394 = arith.subi %add3A_391, %sub3A_393 : vector<16xi32>
        %broadcast_in_dim3A_395 = vector.broadcast %reduce_sum3A_174 : i32 to vector<16xi32>
        %add3A_396 = arith.addi %broadcast_in_dim3A_175, %broadcast_in_dim3A_395 : vector<16xi32>
        %add3A_397 = arith.addi %add3A_396, %sub3A_394 : vector<16xi32>
        %select_n3A_398 = arith.select %eq3A_385, %add3A_397, %broadcast_in_dim3A : vector<16xi1>, vector<16xi32>
        %lt3A_399 = arith.cmpi slt, %select_n3A_398, %broadcast_in_dim3A : vector<16xi32>
        %swap3A_400 = arith.index_cast %scan3A_331 : i32 to index
        %swap3A_401 = tpu.vector_load %arg17[%swap3A_400] masked %lt3A_399 {strides = array<i32>} : memref<400xf32, #tpu.memory_space<vmem>>, vector<16xf32>, vector<16xi1>
        tpu.vector_store %arg17[%swap3A_400], %get3A_349 masked %lt3A_399 {strides = array<i32>} : memref<400xf32, #tpu.memory_space<vmem>>, vector<16xf32>, vector<16xi1>
        %swap3A_402 = arith.index_cast %scan3A_331 : i32 to index
        %swap3A_403 = tpu.vector_load %arg18[%swap3A_402] masked %lt3A_399 {strides = array<i32>} : memref<400xi32, #tpu.memory_space<vmem>>, vector<16xi32>, vector<16xi1>
        tpu.vector_store %arg18[%swap3A_402], %add3A_354 masked %lt3A_399 {strides = array<i32>} : memref<400xi32, #tpu.memory_space<vmem>>, vector<16xi32>, vector<16xi1>
        %swap3A_404 = arith.index_cast %scan3A_331 : i32 to index
        %swap3A_405 = tpu.vector_load %arg19[%swap3A_404] masked %lt3A_399 {strides = array<i32>} : memref<400xi32, #tpu.memory_space<vmem>>, vector<16xi32>, vector<16xi1>
        tpu.vector_store %arg19[%swap3A_404], %get3A_351 masked %lt3A_399 {strides = array<i32>} : memref<400xi32, #tpu.memory_space<vmem>>, vector<16xi32>, vector<16xi1>
        %mul3A_406 = arith.constant 448 : i32
        %mul3A_407 = arith.muli %arg0, %mul3A_406 : i32
        %add3A_408 = vector.broadcast %mul3A_407 : i32 to vector<16xi32>
        %add3A_409 = arith.addi %add3A_408, %add3A_397 : vector<16xi32>
        %swap3A_410 = arith.index_cast %scan3A_331 : i32 to index
        %swap3A_411 = tpu.vector_load %arg20[%swap3A_410] masked %lt3A_399 {strides = array<i32>} : memref<400xi32, #tpu.memory_space<vmem>>, vector<16xi32>, vector<16xi1>
        tpu.vector_store %arg20[%swap3A_410], %add3A_409 masked %lt3A_399 {strides = array<i32>} : memref<400xi32, #tpu.memory_space<vmem>>, vector<16xi32>, vector<16xi1>
        %add3A_412 = arith.addi %scan3A_330, %reduce_sum3A_384 : i32
        %select_n3A_413 = arith.select %lt3A_399, %broadcast_in_dim3A_3, %broadcast_in_dim3A_5 : vector<16xi1>, vector<16xi32>
        %reduce_sum3A_414 = arith.constant true
        %reduce_sum3A_415 = vector.broadcast %reduce_sum3A_414 : i1 to vector<16xi1>
        %reduce_sum3A_416 = tpu.scan <sum>, %select_n3A_413 masked %reduce_sum3A_415 : vector<16xi32>, vector<16xi1> -> vector<16xi32>
        %reduce_sum3A_417 = vector.extract %reduce_sum3A_416[15] : i32 from vector<16xi32>
        %add3A_418 = arith.addi %scan3A_331, %reduce_sum3A_417 : i32
        %reduce_sum3A_419 = arith.constant true
        %reduce_sum3A_420 = vector.broadcast %reduce_sum3A_419 : i1 to vector<16xi1>
        %reduce_sum3A_421 = tpu.scan <sum>, %select_n3A_386 masked %reduce_sum3A_420 : vector<16xi32>, vector<16xi1> -> vector<16xi32>
        %reduce_sum3A_422 = vector.extract %reduce_sum3A_421[15] : i32 from vector<16xi32>
        %add3A_423 = arith.addi %scan3A_332, %reduce_sum3A_422 : i32
        scf.yield %add3A_412, %add3A_418, %add3A_423 : i32, i32, i32
      } else {
        scf.yield %scan3A_330, %scan3A_331, %scan3A_332 : i32, i32, i32
      }
      scf.yield %cond3A_347#0, %cond3A_347#1, %cond3A_347#2 : i32, i32, i32
    }
    %scan3A_202 = arith.constant 80 : i32
    %dma_start3A_203 = arith.constant 0 : i32
    %dma_start3A_204 = tpu.memref_slice %arg36[%dma_start3A_203] : memref<800xi32, #tpu.memory_space<vmem_shared>> -> memref<800xi32, #tpu.memory_space<vmem_shared>>
    tpu.enqueue_indirect_dma source(%arg13 : memref<400xi32, #tpu.memory_space<vmem>>) target(%dma_start3A_204 : memref<800xi32, #tpu.memory_space<vmem_shared>>) offsets(%arg16 : memref<400xi32, #tpu.memory_space<vmem>>) semaphore(%arg42 : memref<!tpu.dma_semaphore, #tpu.memory_space<semaphore_mem>>)
    %dma_start3A_205 = arith.constant 0 : i32
    %dma_start3A_206 = tpu.memref_slice %arg37[%dma_start3A_205] : memref<800xi32, #tpu.memory_space<vmem_shared>> -> memref<800xi32, #tpu.memory_space<vmem_shared>>
    tpu.enqueue_indirect_dma source(%arg14 : memref<400xi32, #tpu.memory_space<vmem>>) target(%dma_start3A_206 : memref<800xi32, #tpu.memory_space<vmem_shared>>) offsets(%arg16 : memref<400xi32, #tpu.memory_space<vmem>>) semaphore(%arg42 : memref<!tpu.dma_semaphore, #tpu.memory_space<semaphore_mem>>)
    %dma_start3A_207 = arith.constant 0 : i32
    %dma_start3A_208 = tpu.memref_slice %arg38[%dma_start3A_207] : memref<800xi32, #tpu.memory_space<vmem_shared>> -> memref<800xi32, #tpu.memory_space<vmem_shared>>
    tpu.enqueue_indirect_dma source(%arg15 : memref<400xi32, #tpu.memory_space<vmem>>) target(%dma_start3A_208 : memref<800xi32, #tpu.memory_space<vmem_shared>>) offsets(%arg16 : memref<400xi32, #tpu.memory_space<vmem>>) semaphore(%arg42 : memref<!tpu.dma_semaphore, #tpu.memory_space<semaphore_mem>>)
    %dma_start3A_209 = arith.constant 0 : i32
    %dma_start3A_210 = tpu.memref_slice %arg39[%dma_start3A_209] : memref<896xf32, #tpu.memory_space<vmem_shared>> -> memref<896xf32, #tpu.memory_space<vmem_shared>>
    tpu.enqueue_indirect_dma source(%arg17 : memref<400xf32, #tpu.memory_space<vmem>>) target(%dma_start3A_210 : memref<896xf32, #tpu.memory_space<vmem_shared>>) offsets(%arg20 : memref<400xi32, #tpu.memory_space<vmem>>) semaphore(%arg42 : memref<!tpu.dma_semaphore, #tpu.memory_space<semaphore_mem>>)
    %dma_start3A_211 = arith.constant 0 : i32
    %dma_start3A_212 = tpu.memref_slice %arg40[%dma_start3A_211] : memref<896xi32, #tpu.memory_space<vmem_shared>> -> memref<896xi32, #tpu.memory_space<vmem_shared>>
    tpu.enqueue_indirect_dma source(%arg18 : memref<400xi32, #tpu.memory_space<vmem>>) target(%dma_start3A_212 : memref<896xi32, #tpu.memory_space<vmem_shared>>) offsets(%arg20 : memref<400xi32, #tpu.memory_space<vmem>>) semaphore(%arg42 : memref<!tpu.dma_semaphore, #tpu.memory_space<semaphore_mem>>)
    %dma_start3A_213 = arith.constant 0 : i32
    %dma_start3A_214 = tpu.memref_slice %arg41[%dma_start3A_213] : memref<896xi32, #tpu.memory_space<vmem_shared>> -> memref<896xi32, #tpu.memory_space<vmem_shared>>
    tpu.enqueue_indirect_dma source(%arg19 : memref<400xi32, #tpu.memory_space<vmem>>) target(%dma_start3A_214 : memref<896xi32, #tpu.memory_space<vmem_shared>>) offsets(%arg20 : memref<400xi32, #tpu.memory_space<vmem>>) semaphore(%arg42 : memref<!tpu.dma_semaphore, #tpu.memory_space<semaphore_mem>>)
    %dma_wait3A_215 = arith.constant 0 : i32
    %dma_wait3A_216 = tpu.memref_slice %arg36[%dma_wait3A_215] : memref<800xi32, #tpu.memory_space<vmem_shared>> -> memref<800xi32, #tpu.memory_space<vmem_shared>>
    tpu.wait_indirect_dma semaphore(%arg42 : memref<!tpu.dma_semaphore, #tpu.memory_space<semaphore_mem>>) src(%arg13 : memref<400xi32, #tpu.memory_space<vmem>>) dst(%dma_wait3A_216 : memref<800xi32, #tpu.memory_space<vmem_shared>>)
    %dma_wait3A_217 = arith.constant 0 : i32
    %dma_wait3A_218 = tpu.memref_slice %arg37[%dma_wait3A_217] : memref<800xi32, #tpu.memory_space<vmem_shared>> -> memref<800xi32, #tpu.memory_space<vmem_shared>>
    tpu.wait_indirect_dma semaphore(%arg42 : memref<!tpu.dma_semaphore, #tpu.memory_space<semaphore_mem>>) src(%arg14 : memref<400xi32, #tpu.memory_space<vmem>>) dst(%dma_wait3A_218 : memref<800xi32, #tpu.memory_space<vmem_shared>>)
    %dma_wait3A_219 = arith.constant 0 : i32
    %dma_wait3A_220 = tpu.memref_slice %arg38[%dma_wait3A_219] : memref<800xi32, #tpu.memory_space<vmem_shared>> -> memref<800xi32, #tpu.memory_space<vmem_shared>>
    tpu.wait_indirect_dma semaphore(%arg42 : memref<!tpu.dma_semaphore, #tpu.memory_space<semaphore_mem>>) src(%arg15 : memref<400xi32, #tpu.memory_space<vmem>>) dst(%dma_wait3A_220 : memref<800xi32, #tpu.memory_space<vmem_shared>>)
    %dma_wait3A_221 = arith.constant 0 : i32
    %dma_wait3A_222 = tpu.memref_slice %arg39[%dma_wait3A_221] : memref<896xf32, #tpu.memory_space<vmem_shared>> -> memref<896xf32, #tpu.memory_space<vmem_shared>>
    tpu.wait_indirect_dma semaphore(%arg42 : memref<!tpu.dma_semaphore, #tpu.memory_space<semaphore_mem>>) src(%arg17 : memref<400xf32, #tpu.memory_space<vmem>>) dst(%dma_wait3A_222 : memref<896xf32, #tpu.memory_space<vmem_shared>>)
    %dma_wait3A_223 = arith.constant 0 : i32
    %dma_wait3A_224 = tpu.memref_slice %arg40[%dma_wait3A_223] : memref<896xi32, #tpu.memory_space<vmem_shared>> -> memref<896xi32, #tpu.memory_space<vmem_shared>>
    tpu.wait_indirect_dma semaphore(%arg42 : memref<!tpu.dma_semaphore, #tpu.memory_space<semaphore_mem>>) src(%arg18 : memref<400xi32, #tpu.memory_space<vmem>>) dst(%dma_wait3A_224 : memref<896xi32, #tpu.memory_space<vmem_shared>>)
    %dma_wait3A_225 = arith.constant 0 : i32
    %dma_wait3A_226 = tpu.memref_slice %arg41[%dma_wait3A_225] : memref<896xi32, #tpu.memory_space<vmem_shared>> -> memref<896xi32, #tpu.memory_space<vmem_shared>>
    tpu.wait_indirect_dma semaphore(%arg42 : memref<!tpu.dma_semaphore, #tpu.memory_space<semaphore_mem>>) src(%arg19 : memref<400xi32, #tpu.memory_space<vmem>>) dst(%dma_wait3A_226 : memref<896xi32, #tpu.memory_space<vmem_shared>>)
    %barrier3A_227 = arith.constant 0 : index
    tpu.barrier barrier_id(%barrier3A_227)
    %mul3A_228 = arith.constant 400 : i32
    %mul3A_229 = arith.muli %arg0, %mul3A_228 : i32
    %dma_start3A_230 = tpu.memref_slice %arg36[%mul3A_229] : memref<800xi32, #tpu.memory_space<vmem_shared>> -> memref<400xi32, #tpu.memory_space<vmem_shared>>
    %dma_start3A_231 = tpu.memref_slice %arg36[%mul3A_229] : memref<800xi32, #tpu.memory_space<vmem_shared>> -> memref<400xi32, #tpu.memory_space<vmem_shared>>
    tpu.enqueue_dma source(%dma_start3A_231 : memref<400xi32, #tpu.memory_space<vmem_shared>>) target(%arg21 : memref<400xi32, #tpu.memory_space<vmem>>) target_semaphore(%arg42 : memref<!tpu.dma_semaphore, #tpu.memory_space<semaphore_mem>>)
    %mul3A_232 = arith.constant 400 : i32
    %mul3A_233 = arith.muli %arg0, %mul3A_232 : i32
    %dma_start3A_234 = tpu.memref_slice %arg37[%mul3A_233] : memref<800xi32, #tpu.memory_space<vmem_shared>> -> memref<400xi32, #tpu.memory_space<vmem_shared>>
    %dma_start3A_235 = tpu.memref_slice %arg37[%mul3A_233] : memref<800xi32, #tpu.memory_space<vmem_shared>> -> memref<400xi32, #tpu.memory_space<vmem_shared>>
    tpu.enqueue_dma source(%dma_start3A_235 : memref<400xi32, #tpu.memory_space<vmem_shared>>) target(%arg22 : memref<400xi32, #tpu.memory_space<vmem>>) target_semaphore(%arg42 : memref<!tpu.dma_semaphore, #tpu.memory_space<semaphore_mem>>)
    %mul3A_236 = arith.constant 400 : i32
    %mul3A_237 = arith.muli %arg0, %mul3A_236 : i32
    %dma_start3A_238 = tpu.memref_slice %arg38[%mul3A_237] : memref<800xi32, #tpu.memory_space<vmem_shared>> -> memref<400xi32, #tpu.memory_space<vmem_shared>>
    %dma_start3A_239 = tpu.memref_slice %arg38[%mul3A_237] : memref<800xi32, #tpu.memory_space<vmem_shared>> -> memref<400xi32, #tpu.memory_space<vmem_shared>>
    tpu.enqueue_dma source(%dma_start3A_239 : memref<400xi32, #tpu.memory_space<vmem_shared>>) target(%arg23 : memref<400xi32, #tpu.memory_space<vmem>>) target_semaphore(%arg42 : memref<!tpu.dma_semaphore, #tpu.memory_space<semaphore_mem>>)
    %dma_wait3A_240 = tpu.memref_slice %arg36[%mul3A_229] : memref<800xi32, #tpu.memory_space<vmem_shared>> -> memref<400xi32, #tpu.memory_space<vmem_shared>>
    %dma_wait3A_241 = tpu.memref_slice %arg36[%mul3A_229] : memref<800xi32, #tpu.memory_space<vmem_shared>> -> memref<400xi32, #tpu.memory_space<vmem_shared>>
    tpu.wait_dma2 semaphore(%arg42 : memref<!tpu.dma_semaphore, #tpu.memory_space<semaphore_mem>>) src(%dma_wait3A_241 : memref<400xi32, #tpu.memory_space<vmem_shared>>) dst(%arg21 : memref<400xi32, #tpu.memory_space<vmem>>)
    %dma_wait3A_242 = tpu.memref_slice %arg37[%mul3A_233] : memref<800xi32, #tpu.memory_space<vmem_shared>> -> memref<400xi32, #tpu.memory_space<vmem_shared>>
    %dma_wait3A_243 = tpu.memref_slice %arg37[%mul3A_233] : memref<800xi32, #tpu.memory_space<vmem_shared>> -> memref<400xi32, #tpu.memory_space<vmem_shared>>
    tpu.wait_dma2 semaphore(%arg42 : memref<!tpu.dma_semaphore, #tpu.memory_space<semaphore_mem>>) src(%dma_wait3A_243 : memref<400xi32, #tpu.memory_space<vmem_shared>>) dst(%arg22 : memref<400xi32, #tpu.memory_space<vmem>>)
    %dma_wait3A_244 = tpu.memref_slice %arg38[%mul3A_237] : memref<800xi32, #tpu.memory_space<vmem_shared>> -> memref<400xi32, #tpu.memory_space<vmem_shared>>
    %dma_wait3A_245 = tpu.memref_slice %arg38[%mul3A_237] : memref<800xi32, #tpu.memory_space<vmem_shared>> -> memref<400xi32, #tpu.memory_space<vmem_shared>>
    tpu.wait_dma2 semaphore(%arg42 : memref<!tpu.dma_semaphore, #tpu.memory_space<semaphore_mem>>) src(%dma_wait3A_245 : memref<400xi32, #tpu.memory_space<vmem_shared>>) dst(%arg23 : memref<400xi32, #tpu.memory_space<vmem>>)
    %broadcast_in_dim3A_246 = arith.constant -2147483648 : i32
    %broadcast_in_dim3A_247 = vector.broadcast %broadcast_in_dim3A_246 : i32 to vector<16xi32>
    %swap3A_248 = arith.constant 384 : index
    %swap3A_249 = tpu.vector_load %arg21[%swap3A_248] {strides = array<i32>} : memref<400xi32, #tpu.memory_space<vmem>>, vector<16xi32>,
    tpu.vector_store %arg21[%swap3A_248], %broadcast_in_dim3A_247 {strides = array<i32>} : memref<400xi32, #tpu.memory_space<vmem>>, vector<16xi32>,
    %broadcast_in_dim3A_250 = arith.constant 2147483647 : i32
    %broadcast_in_dim3A_251 = vector.broadcast %broadcast_in_dim3A_250 : i32 to vector<16xi32>
    %swap3A_252 = arith.constant 384 : index
    %swap3A_253 = tpu.vector_load %arg22[%swap3A_252] {strides = array<i32>} : memref<400xi32, #tpu.memory_space<vmem>>, vector<16xi32>,
    tpu.vector_store %arg22[%swap3A_252], %broadcast_in_dim3A_251 {strides = array<i32>} : memref<400xi32, #tpu.memory_space<vmem>>, vector<16xi32>,
    %mul3A_254 = arith.constant 16 : i32
    %mul3A_255 = arith.muli %arg1, %mul3A_254 : i32
    %get3A = arith.index_cast %mul3A_255 : i32 to index
    %get3A_256 = tpu.vector_load %arg21[%get3A] {strides = array<i32>} : memref<400xi32, #tpu.memory_space<vmem>>, vector<16xi32>,
    %get3A_257 = arith.index_cast %mul3A_255 : i32 to index
    %get3A_258 = tpu.vector_load %arg22[%get3A_257] {strides = array<i32>} : memref<400xi32, #tpu.memory_space<vmem>>, vector<16xi32>,
    %get3A_259 = arith.index_cast %mul3A_255 : i32 to index
    %get3A_260 = tpu.vector_load %arg23[%get3A_259] {strides = array<i32>} : memref<400xi32, #tpu.memory_space<vmem>>, vector<16xi32>,
    %scan3A_261 = arith.constant 0 : i32
    %scan3A_262 = arith.constant 25 : i32
    %scan3A_263 = arith.addi %scan3A_261, %scan3A_262 : i32
    %scan3A_264 = arith.constant 1 : i32
    %scan3A_265 = scf.for %scan3A_329 = %scan3A_261 to %scan3A_263 step %scan3A_264 iter_args(%scan3A_330 = %broadcast_in_dim3A_5) -> (vector<16xi32>)  : i32 {
      %scan3A_331 = arith.constant 0 : i32
      %scan3A_332 = arith.constant 16 : i32
      %scan3A_333 = arith.addi %scan3A_331, %scan3A_332 : i32
      %scan3A_334 = arith.constant 1 : i32
      %scan3A_335 = scf.for %scan3A_337 = %scan3A_331 to %scan3A_333 step %scan3A_334 iter_args(%scan3A_338 = %scan3A_330) -> (vector<16xi32>)  : i32 {
        %mul3A_339 = arith.constant 16 : i32
        %mul3A_340 = arith.muli %scan3A_329, %mul3A_339 : i32
        %add3A_341 = vector.broadcast %scan3A_337 : i32 to vector<16xi32>
        %add3A_342 = arith.addi %iota3A, %add3A_341 : vector<16xi32>
        %and3A_343 = arith.constant 15 : i32
        %and3A_344 = vector.broadcast %and3A_343 : i32 to vector<16xi32>
        %and3A_345 = arith.andi %add3A_342, %and3A_344 : vector<16xi32>
        %add3A_346 = vector.broadcast %mul3A_340 : i32 to vector<16xi32>
        %add3A_347 = arith.addi %add3A_346, %and3A_345 : vector<16xi32>
        %gather3A_348 = tpu.vector_load_idx %arg21[%add3A_347] : memref<400xi32, #tpu.memory_space<vmem>>[vector<16xi32>], vector<16xi32>,
        %gather3A_349 = tpu.vector_load_idx %arg22[%add3A_347] : memref<400xi32, #tpu.memory_space<vmem>>[vector<16xi32>], vector<16xi32>,
        %lt3A_350 = arith.cmpi slt, %gather3A_349, %get3A_258 : vector<16xi32>
        %select_n3A_351 = arith.select %lt3A_350, %broadcast_in_dim3A_3, %broadcast_in_dim3A_5 : vector<16xi1>, vector<16xi32>
        %gt3A = arith.cmpi sgt, %gather3A_348, %get3A_256 : vector<16xi32>
        %eq3A_352 = arith.cmpi eq, %gather3A_348, %get3A_256 : vector<16xi32>
        %select_n3A_353 = arith.select %eq3A_352, %select_n3A_351, %broadcast_in_dim3A_5 : vector<16xi1>, vector<16xi32>
        %select_n3A_354 = arith.select %gt3A, %broadcast_in_dim3A_3, %select_n3A_353 : vector<16xi1>, vector<16xi32>
        %add3A_355 = arith.addi %scan3A_338, %select_n3A_354 : vector<16xi32>
        scf.yield %add3A_355 : vector<16xi32>
      }
      %scan3A_336 = arith.constant 16 : i32
      scf.yield %scan3A_335 : vector<16xi32>
    }
    %scan3A_266 = arith.constant 25 : i32
    %add3A_267 = vector.broadcast %mul3A_255 : i32 to vector<16xi32>
    %add3A_268 = arith.addi %add3A_267, %iota3A : vector<16xi32>
    %lt3A = arith.cmpi slt, %add3A_268, %broadcast_in_dim3A_175 : vector<16xi32>
    %select_n3A_269 = arith.select %lt3A, %scan3A_265, %broadcast_in_dim3A : vector<16xi1>, vector<16xi32>
    %lt3A_270 = arith.cmpi slt, %select_n3A_269, %broadcast_in_dim3A : vector<16xi32>
    %sub3A_271 = arith.constant 1 : i32
    %sub3A_272 = vector.broadcast %sub3A_271 : i32 to vector<16xi32>
    %sub3A_273 = arith.subi %broadcast_in_dim3A, %sub3A_272 : vector<16xi32>
    %min3A = arith.minsi %scan3A_265, %sub3A_273 : vector<16xi32>
    %max3A = arith.constant 0 : i32
    %max3A_274 = vector.broadcast %max3A : i32 to vector<16xi32>
    %max3A_275 = arith.maxsi %min3A, %max3A_274 : vector<16xi32>
    %xor3A = arith.constant -2147483648 : i32
    %xor3A_276 = vector.broadcast %xor3A : i32 to vector<16xi32>
    %xor3A_277 = arith.xori %get3A_256, %xor3A_276 : vector<16xi32>
    %ge3A = arith.constant 0 : i32
    %ge3A_278 = vector.broadcast %ge3A : i32 to vector<16xi32>
    %ge3A_279 = arith.cmpi sge, %get3A_256, %ge3A_278 : vector<16xi32>
    %not3A = arith.constant dense<-1> : vector<16xi32>
    %not3A_280 = arith.xori %xor3A_277, %not3A : vector<16xi32>
    %select_n3A_281 = arith.select %ge3A_279, %get3A_256, %not3A_280 : vector<16xi1>, vector<16xi32>
    %bitcast3A = vector.bitcast %select_n3A_281 : vector<16xi32> to vector<16xf32>
    %swap3A_282 = arith.constant 0 : index
    %swap3A_283 = tpu.vector_load %arg24[%swap3A_282] {strides = array<i32>} : memref<16xf32, #tpu.memory_space<vmem>>, vector<16xf32>,
    tpu.vector_store %arg24[%swap3A_282], %bitcast3A {strides = array<i32>} : memref<16xf32, #tpu.memory_space<vmem>>, vector<16xf32>,
    %swap3A_284 = arith.constant 0 : index
    %swap3A_285 = tpu.vector_load %arg25[%swap3A_284] {strides = array<i32>} : memref<16xi32, #tpu.memory_space<vmem>>, vector<16xi32>,
    tpu.vector_store %arg25[%swap3A_284], %get3A_258 {strides = array<i32>} : memref<16xi32, #tpu.memory_space<vmem>>, vector<16xi32>,
    %swap3A_286 = arith.constant 0 : index
    %swap3A_287 = tpu.vector_load %arg26[%swap3A_286] {strides = array<i32>} : memref<16xi32, #tpu.memory_space<vmem>>, vector<16xi32>,
    tpu.vector_store %arg26[%swap3A_286], %get3A_260 {strides = array<i32>} : memref<16xi32, #tpu.memory_space<vmem>>, vector<16xi32>,
    %mul3A_288 = arith.constant 448 : i32
    %mul3A_289 = arith.muli %arg0, %mul3A_288 : i32
    %add3A_290 = vector.broadcast %mul3A_289 : i32 to vector<16xi32>
    %add3A_291 = arith.addi %add3A_290, %max3A_275 : vector<16xi32>
    %select_n3A_292 = arith.select %lt3A_270, %add3A_291, %broadcast_in_dim3A_187 : vector<16xi1>, vector<16xi32>
    %swap3A_293 = arith.constant 0 : index
    %swap3A_294 = tpu.vector_load %arg27[%swap3A_293] {strides = array<i32>} : memref<16xi32, #tpu.memory_space<vmem>>, vector<16xi32>,
    tpu.vector_store %arg27[%swap3A_293], %select_n3A_292 {strides = array<i32>} : memref<16xi32, #tpu.memory_space<vmem>>, vector<16xi32>,
    %dma_start3A_295 = arith.constant 0 : i32
    %dma_start3A_296 = tpu.memref_slice %arg39[%dma_start3A_295] : memref<896xf32, #tpu.memory_space<vmem_shared>> -> memref<896xf32, #tpu.memory_space<vmem_shared>>
    tpu.enqueue_indirect_dma source(%arg24 : memref<16xf32, #tpu.memory_space<vmem>>) target(%dma_start3A_296 : memref<896xf32, #tpu.memory_space<vmem_shared>>) offsets(%arg27 : memref<16xi32, #tpu.memory_space<vmem>>) semaphore(%arg42 : memref<!tpu.dma_semaphore, #tpu.memory_space<semaphore_mem>>)
    %dma_start3A_297 = arith.constant 0 : i32
    %dma_start3A_298 = tpu.memref_slice %arg40[%dma_start3A_297] : memref<896xi32, #tpu.memory_space<vmem_shared>> -> memref<896xi32, #tpu.memory_space<vmem_shared>>
    tpu.enqueue_indirect_dma source(%arg25 : memref<16xi32, #tpu.memory_space<vmem>>) target(%dma_start3A_298 : memref<896xi32, #tpu.memory_space<vmem_shared>>) offsets(%arg27 : memref<16xi32, #tpu.memory_space<vmem>>) semaphore(%arg42 : memref<!tpu.dma_semaphore, #tpu.memory_space<semaphore_mem>>)
    %dma_start3A_299 = arith.constant 0 : i32
    %dma_start3A_300 = tpu.memref_slice %arg41[%dma_start3A_299] : memref<896xi32, #tpu.memory_space<vmem_shared>> -> memref<896xi32, #tpu.memory_space<vmem_shared>>
    tpu.enqueue_indirect_dma source(%arg26 : memref<16xi32, #tpu.memory_space<vmem>>) target(%dma_start3A_300 : memref<896xi32, #tpu.memory_space<vmem_shared>>) offsets(%arg27 : memref<16xi32, #tpu.memory_space<vmem>>) semaphore(%arg42 : memref<!tpu.dma_semaphore, #tpu.memory_space<semaphore_mem>>)
    %dma_wait3A_301 = arith.constant 0 : i32
    %dma_wait3A_302 = tpu.memref_slice %arg39[%dma_wait3A_301] : memref<896xf32, #tpu.memory_space<vmem_shared>> -> memref<896xf32, #tpu.memory_space<vmem_shared>>
    tpu.wait_indirect_dma semaphore(%arg42 : memref<!tpu.dma_semaphore, #tpu.memory_space<semaphore_mem>>) src(%arg24 : memref<16xf32, #tpu.memory_space<vmem>>) dst(%dma_wait3A_302 : memref<896xf32, #tpu.memory_space<vmem_shared>>)
    %dma_wait3A_303 = arith.constant 0 : i32
    %dma_wait3A_304 = tpu.memref_slice %arg40[%dma_wait3A_303] : memref<896xi32, #tpu.memory_space<vmem_shared>> -> memref<896xi32, #tpu.memory_space<vmem_shared>>
    tpu.wait_indirect_dma semaphore(%arg42 : memref<!tpu.dma_semaphore, #tpu.memory_space<semaphore_mem>>) src(%arg25 : memref<16xi32, #tpu.memory_space<vmem>>) dst(%dma_wait3A_304 : memref<896xi32, #tpu.memory_space<vmem_shared>>)
    %dma_wait3A_305 = arith.constant 0 : i32
    %dma_wait3A_306 = tpu.memref_slice %arg41[%dma_wait3A_305] : memref<896xi32, #tpu.memory_space<vmem_shared>> -> memref<896xi32, #tpu.memory_space<vmem_shared>>
    tpu.wait_indirect_dma semaphore(%arg42 : memref<!tpu.dma_semaphore, #tpu.memory_space<semaphore_mem>>) src(%arg26 : memref<16xi32, #tpu.memory_space<vmem>>) dst(%dma_wait3A_306 : memref<896xi32, #tpu.memory_space<vmem_shared>>)
    %lt3A_307 = arith.constant 9 : i32
    %lt3A_308 = arith.cmpi slt, %arg1, %lt3A_307 : i32
    %convert_element_type3A_309 = arith.extui %lt3A_308 : i1 to i32
    %cond3A_310 = arith.constant -2147483648 : i32
    %cond3A_311 = arith.constant 0 : i32
    %cond3A_312 = arith.cmpi ne, %convert_element_type3A_309, %cond3A_311 : i32
    scf.if %cond3A_312 {
      %add3A_329 = arith.constant 16 : i32
      %add3A_330 = arith.addi %arg1, %add3A_329 : i32
      %mul3A_331 = arith.constant 16 : i32
      %mul3A_332 = arith.muli %add3A_330, %mul3A_331 : i32
      %get3A_333 = arith.index_cast %mul3A_332 : i32 to index
      %get3A_334 = tpu.vector_load %arg21[%get3A_333] {strides = array<i32>} : memref<400xi32, #tpu.memory_space<vmem>>, vector<16xi32>,
      %get3A_335 = arith.index_cast %mul3A_332 : i32 to index
      %get3A_336 = tpu.vector_load %arg22[%get3A_335] {strides = array<i32>} : memref<400xi32, #tpu.memory_space<vmem>>, vector<16xi32>,
      %get3A_337 = arith.index_cast %mul3A_332 : i32 to index
      %get3A_338 = tpu.vector_load %arg23[%get3A_337] {strides = array<i32>} : memref<400xi32, #tpu.memory_space<vmem>>, vector<16xi32>,
      %scan3A_339 = arith.constant 0 : i32
      %scan3A_340 = arith.constant 25 : i32
      %scan3A_341 = arith.addi %scan3A_339, %scan3A_340 : i32
      %scan3A_342 = arith.constant 1 : i32
      %scan3A_343 = scf.for %scan3A_391 = %scan3A_339 to %scan3A_341 step %scan3A_342 iter_args(%scan3A_392 = %broadcast_in_dim3A_5) -> (vector<16xi32>)  : i32 {
        %scan3A_393 = arith.constant 0 : i32
        %scan3A_394 = arith.constant 16 : i32
        %scan3A_395 = arith.addi %scan3A_393, %scan3A_394 : i32
        %scan3A_396 = arith.constant 1 : i32
        %scan3A_397 = scf.for %scan3A_399 = %scan3A_393 to %scan3A_395 step %scan3A_396 iter_args(%scan3A_400 = %scan3A_392) -> (vector<16xi32>)  : i32 {
          %mul3A_401 = arith.constant 16 : i32
          %mul3A_402 = arith.muli %scan3A_391, %mul3A_401 : i32
          %add3A_403 = vector.broadcast %scan3A_399 : i32 to vector<16xi32>
          %add3A_404 = arith.addi %iota3A, %add3A_403 : vector<16xi32>
          %and3A_405 = arith.constant 15 : i32
          %and3A_406 = vector.broadcast %and3A_405 : i32 to vector<16xi32>
          %and3A_407 = arith.andi %add3A_404, %and3A_406 : vector<16xi32>
          %add3A_408 = vector.broadcast %mul3A_402 : i32 to vector<16xi32>
          %add3A_409 = arith.addi %add3A_408, %and3A_407 : vector<16xi32>
          %gather3A_410 = tpu.vector_load_idx %arg21[%add3A_409] : memref<400xi32, #tpu.memory_space<vmem>>[vector<16xi32>], vector<16xi32>,
          %gather3A_411 = tpu.vector_load_idx %arg22[%add3A_409] : memref<400xi32, #tpu.memory_space<vmem>>[vector<16xi32>], vector<16xi32>,
          %lt3A_412 = arith.cmpi slt, %gather3A_411, %get3A_336 : vector<16xi32>
          %select_n3A_413 = arith.select %lt3A_412, %broadcast_in_dim3A_3, %broadcast_in_dim3A_5 : vector<16xi1>, vector<16xi32>
          %gt3A = arith.cmpi sgt, %gather3A_410, %get3A_334 : vector<16xi32>
          %eq3A_414 = arith.cmpi eq, %gather3A_410, %get3A_334 : vector<16xi32>
          %select_n3A_415 = arith.select %eq3A_414, %select_n3A_413, %broadcast_in_dim3A_5 : vector<16xi1>, vector<16xi32>
          %select_n3A_416 = arith.select %gt3A, %broadcast_in_dim3A_3, %select_n3A_415 : vector<16xi1>, vector<16xi32>
          %add3A_417 = arith.addi %scan3A_400, %select_n3A_416 : vector<16xi32>
          scf.yield %add3A_417 : vector<16xi32>
        }
        %scan3A_398 = arith.constant 16 : i32
        scf.yield %scan3A_397 : vector<16xi32>
      }
      %scan3A_344 = arith.constant 25 : i32
      %add3A_345 = vector.broadcast %mul3A_332 : i32 to vector<16xi32>
      %add3A_346 = arith.addi %add3A_345, %iota3A : vector<16xi32>
      %lt3A_347 = arith.cmpi slt, %add3A_346, %broadcast_in_dim3A_175 : vector<16xi32>
      %select_n3A_348 = arith.select %lt3A_347, %scan3A_343, %broadcast_in_dim3A : vector<16xi1>, vector<16xi32>
      %lt3A_349 = arith.cmpi slt, %select_n3A_348, %broadcast_in_dim3A : vector<16xi32>
      %sub3A_350 = arith.constant 1 : i32
      %sub3A_351 = vector.broadcast %sub3A_350 : i32 to vector<16xi32>
      %sub3A_352 = arith.subi %broadcast_in_dim3A, %sub3A_351 : vector<16xi32>
      %min3A_353 = arith.minsi %scan3A_343, %sub3A_352 : vector<16xi32>
      %max3A_354 = arith.constant 0 : i32
      %max3A_355 = vector.broadcast %max3A_354 : i32 to vector<16xi32>
      %max3A_356 = arith.maxsi %min3A_353, %max3A_355 : vector<16xi32>
      %xor3A_357 = vector.broadcast %cond3A_310 : i32 to vector<16xi32>
      %xor3A_358 = arith.xori %get3A_334, %xor3A_357 : vector<16xi32>
      %ge3A_359 = arith.constant 0 : i32
      %ge3A_360 = vector.broadcast %ge3A_359 : i32 to vector<16xi32>
      %ge3A_361 = arith.cmpi sge, %get3A_334, %ge3A_360 : vector<16xi32>
      %not3A_362 = arith.constant dense<-1> : vector<16xi32>
      %not3A_363 = arith.xori %xor3A_358, %not3A_362 : vector<16xi32>
      %select_n3A_364 = arith.select %ge3A_361, %get3A_334, %not3A_363 : vector<16xi1>, vector<16xi32>
      %bitcast3A_365 = vector.bitcast %select_n3A_364 : vector<16xi32> to vector<16xf32>
      %swap3A_366 = arith.constant 0 : index
      %swap3A_367 = tpu.vector_load %arg28[%swap3A_366] {strides = array<i32>} : memref<16xf32, #tpu.memory_space<vmem>>, vector<16xf32>,
      tpu.vector_store %arg28[%swap3A_366], %bitcast3A_365 {strides = array<i32>} : memref<16xf32, #tpu.memory_space<vmem>>, vector<16xf32>,
      %swap3A_368 = arith.constant 0 : index
      %swap3A_369 = tpu.vector_load %arg29[%swap3A_368] {strides = array<i32>} : memref<16xi32, #tpu.memory_space<vmem>>, vector<16xi32>,
      tpu.vector_store %arg29[%swap3A_368], %get3A_336 {strides = array<i32>} : memref<16xi32, #tpu.memory_space<vmem>>, vector<16xi32>,
      %swap3A_370 = arith.constant 0 : index
      %swap3A_371 = tpu.vector_load %arg30[%swap3A_370] {strides = array<i32>} : memref<16xi32, #tpu.memory_space<vmem>>, vector<16xi32>,
      tpu.vector_store %arg30[%swap3A_370], %get3A_338 {strides = array<i32>} : memref<16xi32, #tpu.memory_space<vmem>>, vector<16xi32>,
      %mul3A_372 = arith.constant 448 : i32
      %mul3A_373 = arith.muli %arg0, %mul3A_372 : i32
      %add3A_374 = vector.broadcast %mul3A_373 : i32 to vector<16xi32>
      %add3A_375 = arith.addi %add3A_374, %max3A_356 : vector<16xi32>
      %select_n3A_376 = arith.select %lt3A_349, %add3A_375, %broadcast_in_dim3A_187 : vector<16xi1>, vector<16xi32>
      %swap3A_377 = arith.constant 0 : index
      %swap3A_378 = tpu.vector_load %arg31[%swap3A_377] {strides = array<i32>} : memref<16xi32, #tpu.memory_space<vmem>>, vector<16xi32>,
      tpu.vector_store %arg31[%swap3A_377], %select_n3A_376 {strides = array<i32>} : memref<16xi32, #tpu.memory_space<vmem>>, vector<16xi32>,
      %dma_start3A_379 = arith.constant 0 : i32
      %dma_start3A_380 = tpu.memref_slice %arg39[%dma_start3A_379] : memref<896xf32, #tpu.memory_space<vmem_shared>> -> memref<896xf32, #tpu.memory_space<vmem_shared>>
      tpu.enqueue_indirect_dma source(%arg28 : memref<16xf32, #tpu.memory_space<vmem>>) target(%dma_start3A_380 : memref<896xf32, #tpu.memory_space<vmem_shared>>) offsets(%arg31 : memref<16xi32, #tpu.memory_space<vmem>>) semaphore(%arg42 : memref<!tpu.dma_semaphore, #tpu.memory_space<semaphore_mem>>)
      %dma_start3A_381 = arith.constant 0 : i32
      %dma_start3A_382 = tpu.memref_slice %arg40[%dma_start3A_381] : memref<896xi32, #tpu.memory_space<vmem_shared>> -> memref<896xi32, #tpu.memory_space<vmem_shared>>
      tpu.enqueue_indirect_dma source(%arg29 : memref<16xi32, #tpu.memory_space<vmem>>) target(%dma_start3A_382 : memref<896xi32, #tpu.memory_space<vmem_shared>>) offsets(%arg31 : memref<16xi32, #tpu.memory_space<vmem>>) semaphore(%arg42 : memref<!tpu.dma_semaphore, #tpu.memory_space<semaphore_mem>>)
      %dma_start3A_383 = arith.constant 0 : i32
      %dma_start3A_384 = tpu.memref_slice %arg41[%dma_start3A_383] : memref<896xi32, #tpu.memory_space<vmem_shared>> -> memref<896xi32, #tpu.memory_space<vmem_shared>>
      tpu.enqueue_indirect_dma source(%arg30 : memref<16xi32, #tpu.memory_space<vmem>>) target(%dma_start3A_384 : memref<896xi32, #tpu.memory_space<vmem_shared>>) offsets(%arg31 : memref<16xi32, #tpu.memory_space<vmem>>) semaphore(%arg42 : memref<!tpu.dma_semaphore, #tpu.memory_space<semaphore_mem>>)
      %dma_wait3A_385 = arith.constant 0 : i32
      %dma_wait3A_386 = tpu.memref_slice %arg39[%dma_wait3A_385] : memref<896xf32, #tpu.memory_space<vmem_shared>> -> memref<896xf32, #tpu.memory_space<vmem_shared>>
      tpu.wait_indirect_dma semaphore(%arg42 : memref<!tpu.dma_semaphore, #tpu.memory_space<semaphore_mem>>) src(%arg28 : memref<16xf32, #tpu.memory_space<vmem>>) dst(%dma_wait3A_386 : memref<896xf32, #tpu.memory_space<vmem_shared>>)
      %dma_wait3A_387 = arith.constant 0 : i32
      %dma_wait3A_388 = tpu.memref_slice %arg40[%dma_wait3A_387] : memref<896xi32, #tpu.memory_space<vmem_shared>> -> memref<896xi32, #tpu.memory_space<vmem_shared>>
      tpu.wait_indirect_dma semaphore(%arg42 : memref<!tpu.dma_semaphore, #tpu.memory_space<semaphore_mem>>) src(%arg29 : memref<16xi32, #tpu.memory_space<vmem>>) dst(%dma_wait3A_388 : memref<896xi32, #tpu.memory_space<vmem_shared>>)
      %dma_wait3A_389 = arith.constant 0 : i32
      %dma_wait3A_390 = tpu.memref_slice %arg41[%dma_wait3A_389] : memref<896xi32, #tpu.memory_space<vmem_shared>> -> memref<896xi32, #tpu.memory_space<vmem_shared>>
      tpu.wait_indirect_dma semaphore(%arg42 : memref<!tpu.dma_semaphore, #tpu.memory_space<semaphore_mem>>) src(%arg30 : memref<16xi32, #tpu.memory_space<vmem>>) dst(%dma_wait3A_390 : memref<896xi32, #tpu.memory_space<vmem_shared>>)
    } else {
    }
    %barrier3A_313 = arith.constant 0 : index
    tpu.barrier barrier_id(%barrier3A_313)
    %eq3A_314 = arith.constant 0 : i32
    %eq3A_315 = arith.cmpi eq, %arg0, %eq3A_314 : i32
    %eq3A_316 = arith.constant 0 : i32
    %eq3A_317 = arith.cmpi eq, %arg1, %eq3A_316 : i32
    %and3A = arith.andi %eq3A_315, %eq3A_317 : i1
    %convert_element_type3A_318 = arith.extui %and3A : i1 to i32
    %cond3A_319 = arith.constant 0 : i32
    %cond3A_320 = arith.cmpi ne, %convert_element_type3A_318, %cond3A_319 : i32
    scf.if %cond3A_320 {
      %dma_start3A_329 = arith.constant 0 : i32
      %dma_start3A_330 = tpu.memref_slice %arg17[%dma_start3A_329] : memref<400xf32, #tpu.memory_space<vmem>> -> memref<128xf32, #tpu.memory_space<vmem>>
      %dma_start3A_331 = arith.constant 0 : i32
      %dma_start3A_332 = tpu.memref_slice %arg39[%dma_start3A_331] : memref<896xf32, #tpu.memory_space<vmem_shared>> -> memref<128xf32, #tpu.memory_space<vmem_shared>>
      %dma_start3A_333 = arith.constant 0 : i32
      %dma_start3A_334 = tpu.memref_slice %arg17[%dma_start3A_333] : memref<400xf32, #tpu.memory_space<vmem>> -> memref<128xf32, #tpu.memory_space<vmem>>
      %dma_start3A_335 = arith.constant 0 : i32
      %dma_start3A_336 = tpu.memref_slice %arg39[%dma_start3A_335] : memref<896xf32, #tpu.memory_space<vmem_shared>> -> memref<128xf32, #tpu.memory_space<vmem_shared>>
      tpu.enqueue_dma source(%dma_start3A_336 : memref<128xf32, #tpu.memory_space<vmem_shared>>) target(%dma_start3A_334 : memref<128xf32, #tpu.memory_space<vmem>>) target_semaphore(%arg42 : memref<!tpu.dma_semaphore, #tpu.memory_space<semaphore_mem>>)
      %dma_start3A_337 = arith.constant 0 : i32
      %dma_start3A_338 = tpu.memref_slice %arg18[%dma_start3A_337] : memref<400xi32, #tpu.memory_space<vmem>> -> memref<128xi32, #tpu.memory_space<vmem>>
      %dma_start3A_339 = arith.constant 0 : i32
      %dma_start3A_340 = tpu.memref_slice %arg40[%dma_start3A_339] : memref<896xi32, #tpu.memory_space<vmem_shared>> -> memref<128xi32, #tpu.memory_space<vmem_shared>>
      %dma_start3A_341 = arith.constant 0 : i32
      %dma_start3A_342 = tpu.memref_slice %arg18[%dma_start3A_341] : memref<400xi32, #tpu.memory_space<vmem>> -> memref<128xi32, #tpu.memory_space<vmem>>
      %dma_start3A_343 = arith.constant 0 : i32
      %dma_start3A_344 = tpu.memref_slice %arg40[%dma_start3A_343] : memref<896xi32, #tpu.memory_space<vmem_shared>> -> memref<128xi32, #tpu.memory_space<vmem_shared>>
      tpu.enqueue_dma source(%dma_start3A_344 : memref<128xi32, #tpu.memory_space<vmem_shared>>) target(%dma_start3A_342 : memref<128xi32, #tpu.memory_space<vmem>>) target_semaphore(%arg42 : memref<!tpu.dma_semaphore, #tpu.memory_space<semaphore_mem>>)
      %dma_start3A_345 = arith.constant 0 : i32
      %dma_start3A_346 = tpu.memref_slice %arg19[%dma_start3A_345] : memref<400xi32, #tpu.memory_space<vmem>> -> memref<128xi32, #tpu.memory_space<vmem>>
      %dma_start3A_347 = arith.constant 0 : i32
      %dma_start3A_348 = tpu.memref_slice %arg41[%dma_start3A_347] : memref<896xi32, #tpu.memory_space<vmem_shared>> -> memref<128xi32, #tpu.memory_space<vmem_shared>>
      %dma_start3A_349 = arith.constant 0 : i32
      %dma_start3A_350 = tpu.memref_slice %arg19[%dma_start3A_349] : memref<400xi32, #tpu.memory_space<vmem>> -> memref<128xi32, #tpu.memory_space<vmem>>
      %dma_start3A_351 = arith.constant 0 : i32
      %dma_start3A_352 = tpu.memref_slice %arg41[%dma_start3A_351] : memref<896xi32, #tpu.memory_space<vmem_shared>> -> memref<128xi32, #tpu.memory_space<vmem_shared>>
      tpu.enqueue_dma source(%dma_start3A_352 : memref<128xi32, #tpu.memory_space<vmem_shared>>) target(%dma_start3A_350 : memref<128xi32, #tpu.memory_space<vmem>>) target_semaphore(%arg42 : memref<!tpu.dma_semaphore, #tpu.memory_space<semaphore_mem>>)
      %dma_wait3A_353 = arith.constant 0 : i32
      %dma_wait3A_354 = tpu.memref_slice %arg17[%dma_wait3A_353] : memref<400xf32, #tpu.memory_space<vmem>> -> memref<128xf32, #tpu.memory_space<vmem>>
      %dma_wait3A_355 = arith.constant 0 : i32
      %dma_wait3A_356 = tpu.memref_slice %arg39[%dma_wait3A_355] : memref<896xf32, #tpu.memory_space<vmem_shared>> -> memref<128xf32, #tpu.memory_space<vmem_shared>>
      %dma_wait3A_357 = arith.constant 0 : i32
      %dma_wait3A_358 = tpu.memref_slice %arg17[%dma_wait3A_357] : memref<400xf32, #tpu.memory_space<vmem>> -> memref<128xf32, #tpu.memory_space<vmem>>
      %dma_wait3A_359 = arith.constant 0 : i32
      %dma_wait3A_360 = tpu.memref_slice %arg39[%dma_wait3A_359] : memref<896xf32, #tpu.memory_space<vmem_shared>> -> memref<128xf32, #tpu.memory_space<vmem_shared>>
      tpu.wait_dma2 semaphore(%arg42 : memref<!tpu.dma_semaphore, #tpu.memory_space<semaphore_mem>>) src(%dma_wait3A_360 : memref<128xf32, #tpu.memory_space<vmem_shared>>) dst(%dma_wait3A_358 : memref<128xf32, #tpu.memory_space<vmem>>)
      %dma_wait3A_361 = arith.constant 0 : i32
      %dma_wait3A_362 = tpu.memref_slice %arg18[%dma_wait3A_361] : memref<400xi32, #tpu.memory_space<vmem>> -> memref<128xi32, #tpu.memory_space<vmem>>
      %dma_wait3A_363 = arith.constant 0 : i32
      %dma_wait3A_364 = tpu.memref_slice %arg40[%dma_wait3A_363] : memref<896xi32, #tpu.memory_space<vmem_shared>> -> memref<128xi32, #tpu.memory_space<vmem_shared>>
      %dma_wait3A_365 = arith.constant 0 : i32
      %dma_wait3A_366 = tpu.memref_slice %arg18[%dma_wait3A_365] : memref<400xi32, #tpu.memory_space<vmem>> -> memref<128xi32, #tpu.memory_space<vmem>>
      %dma_wait3A_367 = arith.constant 0 : i32
      %dma_wait3A_368 = tpu.memref_slice %arg40[%dma_wait3A_367] : memref<896xi32, #tpu.memory_space<vmem_shared>> -> memref<128xi32, #tpu.memory_space<vmem_shared>>
      tpu.wait_dma2 semaphore(%arg42 : memref<!tpu.dma_semaphore, #tpu.memory_space<semaphore_mem>>) src(%dma_wait3A_368 : memref<128xi32, #tpu.memory_space<vmem_shared>>) dst(%dma_wait3A_366 : memref<128xi32, #tpu.memory_space<vmem>>)
      %dma_wait3A_369 = arith.constant 0 : i32
      %dma_wait3A_370 = tpu.memref_slice %arg19[%dma_wait3A_369] : memref<400xi32, #tpu.memory_space<vmem>> -> memref<128xi32, #tpu.memory_space<vmem>>
      %dma_wait3A_371 = arith.constant 0 : i32
      %dma_wait3A_372 = tpu.memref_slice %arg41[%dma_wait3A_371] : memref<896xi32, #tpu.memory_space<vmem_shared>> -> memref<128xi32, #tpu.memory_space<vmem_shared>>
      %dma_wait3A_373 = arith.constant 0 : i32
      %dma_wait3A_374 = tpu.memref_slice %arg19[%dma_wait3A_373] : memref<400xi32, #tpu.memory_space<vmem>> -> memref<128xi32, #tpu.memory_space<vmem>>
      %dma_wait3A_375 = arith.constant 0 : i32
      %dma_wait3A_376 = tpu.memref_slice %arg41[%dma_wait3A_375] : memref<896xi32, #tpu.memory_space<vmem_shared>> -> memref<128xi32, #tpu.memory_space<vmem_shared>>
      tpu.wait_dma2 semaphore(%arg42 : memref<!tpu.dma_semaphore, #tpu.memory_space<semaphore_mem>>) src(%dma_wait3A_376 : memref<128xi32, #tpu.memory_space<vmem_shared>>) dst(%dma_wait3A_374 : memref<128xi32, #tpu.memory_space<vmem>>)
      %dma_start3A_377 = arith.constant 0 : i32
      %dma_start3A_378 = tpu.memref_slice %arg17[%dma_start3A_377] : memref<400xf32, #tpu.memory_space<vmem>> -> memref<128xf32, #tpu.memory_space<vmem>>
      %dma_start3A_379 = arith.constant 0 : i32
      %dma_start3A_380 = tpu.memref_slice %arg5[%dma_start3A_379] : memref<512xf32, #tpu.memory_space<hbm>> -> memref<128xf32, #tpu.memory_space<hbm>>
      %dma_start3A_381 = arith.constant 0 : i32
      %dma_start3A_382 = tpu.memref_slice %arg5[%dma_start3A_381] : memref<512xf32, #tpu.memory_space<hbm>> -> memref<128xf32, #tpu.memory_space<hbm>>
      %dma_start3A_383 = arith.constant 0 : i32
      %dma_start3A_384 = tpu.memref_slice %arg17[%dma_start3A_383] : memref<400xf32, #tpu.memory_space<vmem>> -> memref<128xf32, #tpu.memory_space<vmem>>
      tpu.enqueue_dma source(%dma_start3A_384 : memref<128xf32, #tpu.memory_space<vmem>>) target(%dma_start3A_382 : memref<128xf32, #tpu.memory_space<hbm>>) target_semaphore(%arg42 : memref<!tpu.dma_semaphore, #tpu.memory_space<semaphore_mem>>)
      %dma_start3A_385 = arith.constant 0 : i32
      %dma_start3A_386 = tpu.memref_slice %arg18[%dma_start3A_385] : memref<400xi32, #tpu.memory_space<vmem>> -> memref<128xi32, #tpu.memory_space<vmem>>
      %dma_start3A_387 = arith.constant 0 : i32
      %dma_start3A_388 = tpu.memref_slice %arg6[%dma_start3A_387] : memref<512xi32, #tpu.memory_space<hbm>> -> memref<128xi32, #tpu.memory_space<hbm>>
      %dma_start3A_389 = arith.constant 0 : i32
      %dma_start3A_390 = tpu.memref_slice %arg6[%dma_start3A_389] : memref<512xi32, #tpu.memory_space<hbm>> -> memref<128xi32, #tpu.memory_space<hbm>>
      %dma_start3A_391 = arith.constant 0 : i32
      %dma_start3A_392 = tpu.memref_slice %arg18[%dma_start3A_391] : memref<400xi32, #tpu.memory_space<vmem>> -> memref<128xi32, #tpu.memory_space<vmem>>
      tpu.enqueue_dma source(%dma_start3A_392 : memref<128xi32, #tpu.memory_space<vmem>>) target(%dma_start3A_390 : memref<128xi32, #tpu.memory_space<hbm>>) target_semaphore(%arg42 : memref<!tpu.dma_semaphore, #tpu.memory_space<semaphore_mem>>)
      %dma_start3A_393 = arith.constant 0 : i32
      %dma_start3A_394 = tpu.memref_slice %arg19[%dma_start3A_393] : memref<400xi32, #tpu.memory_space<vmem>> -> memref<128xi32, #tpu.memory_space<vmem>>
      %dma_start3A_395 = arith.constant 0 : i32
      %dma_start3A_396 = tpu.memref_slice %arg7[%dma_start3A_395] : memref<512xi32, #tpu.memory_space<hbm>> -> memref<128xi32, #tpu.memory_space<hbm>>
      %dma_start3A_397 = arith.constant 0 : i32
      %dma_start3A_398 = tpu.memref_slice %arg7[%dma_start3A_397] : memref<512xi32, #tpu.memory_space<hbm>> -> memref<128xi32, #tpu.memory_space<hbm>>
      %dma_start3A_399 = arith.constant 0 : i32
      %dma_start3A_400 = tpu.memref_slice %arg19[%dma_start3A_399] : memref<400xi32, #tpu.memory_space<vmem>> -> memref<128xi32, #tpu.memory_space<vmem>>
      tpu.enqueue_dma source(%dma_start3A_400 : memref<128xi32, #tpu.memory_space<vmem>>) target(%dma_start3A_398 : memref<128xi32, #tpu.memory_space<hbm>>) target_semaphore(%arg42 : memref<!tpu.dma_semaphore, #tpu.memory_space<semaphore_mem>>)
      %dma_wait3A_401 = arith.constant 0 : i32
      %dma_wait3A_402 = tpu.memref_slice %arg17[%dma_wait3A_401] : memref<400xf32, #tpu.memory_space<vmem>> -> memref<128xf32, #tpu.memory_space<vmem>>
      %dma_wait3A_403 = arith.constant 0 : i32
      %dma_wait3A_404 = tpu.memref_slice %arg5[%dma_wait3A_403] : memref<512xf32, #tpu.memory_space<hbm>> -> memref<128xf32, #tpu.memory_space<hbm>>
      %dma_wait3A_405 = arith.constant 0 : i32
      %dma_wait3A_406 = tpu.memref_slice %arg5[%dma_wait3A_405] : memref<512xf32, #tpu.memory_space<hbm>> -> memref<128xf32, #tpu.memory_space<hbm>>
      %dma_wait3A_407 = arith.constant 0 : i32
      %dma_wait3A_408 = tpu.memref_slice %arg17[%dma_wait3A_407] : memref<400xf32, #tpu.memory_space<vmem>> -> memref<128xf32, #tpu.memory_space<vmem>>
      tpu.wait_dma2 semaphore(%arg42 : memref<!tpu.dma_semaphore, #tpu.memory_space<semaphore_mem>>) src(%dma_wait3A_408 : memref<128xf32, #tpu.memory_space<vmem>>) dst(%dma_wait3A_406 : memref<128xf32, #tpu.memory_space<hbm>>)
      %dma_wait3A_409 = arith.constant 0 : i32
      %dma_wait3A_410 = tpu.memref_slice %arg18[%dma_wait3A_409] : memref<400xi32, #tpu.memory_space<vmem>> -> memref<128xi32, #tpu.memory_space<vmem>>
      %dma_wait3A_411 = arith.constant 0 : i32
      %dma_wait3A_412 = tpu.memref_slice %arg6[%dma_wait3A_411] : memref<512xi32, #tpu.memory_space<hbm>> -> memref<128xi32, #tpu.memory_space<hbm>>
      %dma_wait3A_413 = arith.constant 0 : i32
      %dma_wait3A_414 = tpu.memref_slice %arg6[%dma_wait3A_413] : memref<512xi32, #tpu.memory_space<hbm>> -> memref<128xi32, #tpu.memory_space<hbm>>
      %dma_wait3A_415 = arith.constant 0 : i32
      %dma_wait3A_416 = tpu.memref_slice %arg18[%dma_wait3A_415] : memref<400xi32, #tpu.memory_space<vmem>> -> memref<128xi32, #tpu.memory_space<vmem>>
      tpu.wait_dma2 semaphore(%arg42 : memref<!tpu.dma_semaphore, #tpu.memory_space<semaphore_mem>>) src(%dma_wait3A_416 : memref<128xi32, #tpu.memory_space<vmem>>) dst(%dma_wait3A_414 : memref<128xi32, #tpu.memory_space<hbm>>)
      %dma_wait3A_417 = arith.constant 0 : i32
      %dma_wait3A_418 = tpu.memref_slice %arg19[%dma_wait3A_417] : memref<400xi32, #tpu.memory_space<vmem>> -> memref<128xi32, #tpu.memory_space<vmem>>
      %dma_wait3A_419 = arith.constant 0 : i32
      %dma_wait3A_420 = tpu.memref_slice %arg7[%dma_wait3A_419] : memref<512xi32, #tpu.memory_space<hbm>> -> memref<128xi32, #tpu.memory_space<hbm>>
      %dma_wait3A_421 = arith.constant 0 : i32
      %dma_wait3A_422 = tpu.memref_slice %arg7[%dma_wait3A_421] : memref<512xi32, #tpu.memory_space<hbm>> -> memref<128xi32, #tpu.memory_space<hbm>>
      %dma_wait3A_423 = arith.constant 0 : i32
      %dma_wait3A_424 = tpu.memref_slice %arg19[%dma_wait3A_423] : memref<400xi32, #tpu.memory_space<vmem>> -> memref<128xi32, #tpu.memory_space<vmem>>
      tpu.wait_dma2 semaphore(%arg42 : memref<!tpu.dma_semaphore, #tpu.memory_space<semaphore_mem>>) src(%dma_wait3A_424 : memref<128xi32, #tpu.memory_space<vmem>>) dst(%dma_wait3A_422 : memref<128xi32, #tpu.memory_space<hbm>>)
    } else {
    }
    %eq3A_321 = arith.constant 1 : i32
    %eq3A_322 = arith.cmpi eq, %arg0, %eq3A_321 : i32
    %eq3A_323 = arith.constant 0 : i32
    %eq3A_324 = arith.cmpi eq, %arg1, %eq3A_323 : i32
    %and3A_325 = arith.andi %eq3A_322, %eq3A_324 : i1
    %convert_element_type3A_326 = arith.extui %and3A_325 : i1 to i32
    %cond3A_327 = arith.constant 0 : i32
    %cond3A_328 = arith.cmpi ne, %convert_element_type3A_326, %cond3A_327 : i32
    scf.if %cond3A_328 {
      %dma_start3A_329 = arith.constant 0 : i32
      %dma_start3A_330 = tpu.memref_slice %arg17[%dma_start3A_329] : memref<400xf32, #tpu.memory_space<vmem>> -> memref<384xf32, #tpu.memory_space<vmem>>
      %dma_start3A_331 = arith.constant 448 : i32
      %dma_start3A_332 = tpu.memref_slice %arg39[%dma_start3A_331] : memref<896xf32, #tpu.memory_space<vmem_shared>> -> memref<384xf32, #tpu.memory_space<vmem_shared>>
      %dma_start3A_333 = arith.constant 0 : i32
      %dma_start3A_334 = tpu.memref_slice %arg17[%dma_start3A_333] : memref<400xf32, #tpu.memory_space<vmem>> -> memref<384xf32, #tpu.memory_space<vmem>>
      %dma_start3A_335 = arith.constant 448 : i32
      %dma_start3A_336 = tpu.memref_slice %arg39[%dma_start3A_335] : memref<896xf32, #tpu.memory_space<vmem_shared>> -> memref<384xf32, #tpu.memory_space<vmem_shared>>
      tpu.enqueue_dma source(%dma_start3A_336 : memref<384xf32, #tpu.memory_space<vmem_shared>>) target(%dma_start3A_334 : memref<384xf32, #tpu.memory_space<vmem>>) target_semaphore(%arg42 : memref<!tpu.dma_semaphore, #tpu.memory_space<semaphore_mem>>)
      %dma_start3A_337 = arith.constant 0 : i32
      %dma_start3A_338 = tpu.memref_slice %arg18[%dma_start3A_337] : memref<400xi32, #tpu.memory_space<vmem>> -> memref<384xi32, #tpu.memory_space<vmem>>
      %dma_start3A_339 = arith.constant 448 : i32
      %dma_start3A_340 = tpu.memref_slice %arg40[%dma_start3A_339] : memref<896xi32, #tpu.memory_space<vmem_shared>> -> memref<384xi32, #tpu.memory_space<vmem_shared>>
      %dma_start3A_341 = arith.constant 0 : i32
      %dma_start3A_342 = tpu.memref_slice %arg18[%dma_start3A_341] : memref<400xi32, #tpu.memory_space<vmem>> -> memref<384xi32, #tpu.memory_space<vmem>>
      %dma_start3A_343 = arith.constant 448 : i32
      %dma_start3A_344 = tpu.memref_slice %arg40[%dma_start3A_343] : memref<896xi32, #tpu.memory_space<vmem_shared>> -> memref<384xi32, #tpu.memory_space<vmem_shared>>
      tpu.enqueue_dma source(%dma_start3A_344 : memref<384xi32, #tpu.memory_space<vmem_shared>>) target(%dma_start3A_342 : memref<384xi32, #tpu.memory_space<vmem>>) target_semaphore(%arg42 : memref<!tpu.dma_semaphore, #tpu.memory_space<semaphore_mem>>)
      %dma_start3A_345 = arith.constant 0 : i32
      %dma_start3A_346 = tpu.memref_slice %arg19[%dma_start3A_345] : memref<400xi32, #tpu.memory_space<vmem>> -> memref<384xi32, #tpu.memory_space<vmem>>
      %dma_start3A_347 = arith.constant 448 : i32
      %dma_start3A_348 = tpu.memref_slice %arg41[%dma_start3A_347] : memref<896xi32, #tpu.memory_space<vmem_shared>> -> memref<384xi32, #tpu.memory_space<vmem_shared>>
      %dma_start3A_349 = arith.constant 0 : i32
      %dma_start3A_350 = tpu.memref_slice %arg19[%dma_start3A_349] : memref<400xi32, #tpu.memory_space<vmem>> -> memref<384xi32, #tpu.memory_space<vmem>>
      %dma_start3A_351 = arith.constant 448 : i32
      %dma_start3A_352 = tpu.memref_slice %arg41[%dma_start3A_351] : memref<896xi32, #tpu.memory_space<vmem_shared>> -> memref<384xi32, #tpu.memory_space<vmem_shared>>
      tpu.enqueue_dma source(%dma_start3A_352 : memref<384xi32, #tpu.memory_space<vmem_shared>>) target(%dma_start3A_350 : memref<384xi32, #tpu.memory_space<vmem>>) target_semaphore(%arg42 : memref<!tpu.dma_semaphore, #tpu.memory_space<semaphore_mem>>)
      %dma_wait3A_353 = arith.constant 0 : i32
      %dma_wait3A_354 = tpu.memref_slice %arg17[%dma_wait3A_353] : memref<400xf32, #tpu.memory_space<vmem>> -> memref<384xf32, #tpu.memory_space<vmem>>
      %dma_wait3A_355 = arith.constant 448 : i32
      %dma_wait3A_356 = tpu.memref_slice %arg39[%dma_wait3A_355] : memref<896xf32, #tpu.memory_space<vmem_shared>> -> memref<384xf32, #tpu.memory_space<vmem_shared>>
      %dma_wait3A_357 = arith.constant 0 : i32
      %dma_wait3A_358 = tpu.memref_slice %arg17[%dma_wait3A_357] : memref<400xf32, #tpu.memory_space<vmem>> -> memref<384xf32, #tpu.memory_space<vmem>>
      %dma_wait3A_359 = arith.constant 448 : i32
      %dma_wait3A_360 = tpu.memref_slice %arg39[%dma_wait3A_359] : memref<896xf32, #tpu.memory_space<vmem_shared>> -> memref<384xf32, #tpu.memory_space<vmem_shared>>
      tpu.wait_dma2 semaphore(%arg42 : memref<!tpu.dma_semaphore, #tpu.memory_space<semaphore_mem>>) src(%dma_wait3A_360 : memref<384xf32, #tpu.memory_space<vmem_shared>>) dst(%dma_wait3A_358 : memref<384xf32, #tpu.memory_space<vmem>>)
      %dma_wait3A_361 = arith.constant 0 : i32
      %dma_wait3A_362 = tpu.memref_slice %arg18[%dma_wait3A_361] : memref<400xi32, #tpu.memory_space<vmem>> -> memref<384xi32, #tpu.memory_space<vmem>>
      %dma_wait3A_363 = arith.constant 448 : i32
      %dma_wait3A_364 = tpu.memref_slice %arg40[%dma_wait3A_363] : memref<896xi32, #tpu.memory_space<vmem_shared>> -> memref<384xi32, #tpu.memory_space<vmem_shared>>
      %dma_wait3A_365 = arith.constant 0 : i32
      %dma_wait3A_366 = tpu.memref_slice %arg18[%dma_wait3A_365] : memref<400xi32, #tpu.memory_space<vmem>> -> memref<384xi32, #tpu.memory_space<vmem>>
      %dma_wait3A_367 = arith.constant 448 : i32
      %dma_wait3A_368 = tpu.memref_slice %arg40[%dma_wait3A_367] : memref<896xi32, #tpu.memory_space<vmem_shared>> -> memref<384xi32, #tpu.memory_space<vmem_shared>>
      tpu.wait_dma2 semaphore(%arg42 : memref<!tpu.dma_semaphore, #tpu.memory_space<semaphore_mem>>) src(%dma_wait3A_368 : memref<384xi32, #tpu.memory_space<vmem_shared>>) dst(%dma_wait3A_366 : memref<384xi32, #tpu.memory_space<vmem>>)
      %dma_wait3A_369 = arith.constant 0 : i32
      %dma_wait3A_370 = tpu.memref_slice %arg19[%dma_wait3A_369] : memref<400xi32, #tpu.memory_space<vmem>> -> memref<384xi32, #tpu.memory_space<vmem>>
      %dma_wait3A_371 = arith.constant 448 : i32
      %dma_wait3A_372 = tpu.memref_slice %arg41[%dma_wait3A_371] : memref<896xi32, #tpu.memory_space<vmem_shared>> -> memref<384xi32, #tpu.memory_space<vmem_shared>>
      %dma_wait3A_373 = arith.constant 0 : i32
      %dma_wait3A_374 = tpu.memref_slice %arg19[%dma_wait3A_373] : memref<400xi32, #tpu.memory_space<vmem>> -> memref<384xi32, #tpu.memory_space<vmem>>
      %dma_wait3A_375 = arith.constant 448 : i32
      %dma_wait3A_376 = tpu.memref_slice %arg41[%dma_wait3A_375] : memref<896xi32, #tpu.memory_space<vmem_shared>> -> memref<384xi32, #tpu.memory_space<vmem_shared>>
      tpu.wait_dma2 semaphore(%arg42 : memref<!tpu.dma_semaphore, #tpu.memory_space<semaphore_mem>>) src(%dma_wait3A_376 : memref<384xi32, #tpu.memory_space<vmem_shared>>) dst(%dma_wait3A_374 : memref<384xi32, #tpu.memory_space<vmem>>)
      %dma_start3A_377 = arith.constant 0 : i32
      %dma_start3A_378 = tpu.memref_slice %arg17[%dma_start3A_377] : memref<400xf32, #tpu.memory_space<vmem>> -> memref<384xf32, #tpu.memory_space<vmem>>
      %dma_start3A_379 = arith.constant 128 : i32
      %dma_start3A_380 = tpu.memref_slice %arg5[%dma_start3A_379] : memref<512xf32, #tpu.memory_space<hbm>> -> memref<384xf32, #tpu.memory_space<hbm>>
      %dma_start3A_381 = arith.constant 128 : i32
      %dma_start3A_382 = tpu.memref_slice %arg5[%dma_start3A_381] : memref<512xf32, #tpu.memory_space<hbm>> -> memref<384xf32, #tpu.memory_space<hbm>>
      %dma_start3A_383 = arith.constant 0 : i32
      %dma_start3A_384 = tpu.memref_slice %arg17[%dma_start3A_383] : memref<400xf32, #tpu.memory_space<vmem>> -> memref<384xf32, #tpu.memory_space<vmem>>
      tpu.enqueue_dma source(%dma_start3A_384 : memref<384xf32, #tpu.memory_space<vmem>>) target(%dma_start3A_382 : memref<384xf32, #tpu.memory_space<hbm>>) target_semaphore(%arg42 : memref<!tpu.dma_semaphore, #tpu.memory_space<semaphore_mem>>)
      %dma_start3A_385 = arith.constant 0 : i32
      %dma_start3A_386 = tpu.memref_slice %arg18[%dma_start3A_385] : memref<400xi32, #tpu.memory_space<vmem>> -> memref<384xi32, #tpu.memory_space<vmem>>
      %dma_start3A_387 = arith.constant 128 : i32
      %dma_start3A_388 = tpu.memref_slice %arg6[%dma_start3A_387] : memref<512xi32, #tpu.memory_space<hbm>> -> memref<384xi32, #tpu.memory_space<hbm>>
      %dma_start3A_389 = arith.constant 128 : i32
      %dma_start3A_390 = tpu.memref_slice %arg6[%dma_start3A_389] : memref<512xi32, #tpu.memory_space<hbm>> -> memref<384xi32, #tpu.memory_space<hbm>>
      %dma_start3A_391 = arith.constant 0 : i32
      %dma_start3A_392 = tpu.memref_slice %arg18[%dma_start3A_391] : memref<400xi32, #tpu.memory_space<vmem>> -> memref<384xi32, #tpu.memory_space<vmem>>
      tpu.enqueue_dma source(%dma_start3A_392 : memref<384xi32, #tpu.memory_space<vmem>>) target(%dma_start3A_390 : memref<384xi32, #tpu.memory_space<hbm>>) target_semaphore(%arg42 : memref<!tpu.dma_semaphore, #tpu.memory_space<semaphore_mem>>)
      %dma_start3A_393 = arith.constant 0 : i32
      %dma_start3A_394 = tpu.memref_slice %arg19[%dma_start3A_393] : memref<400xi32, #tpu.memory_space<vmem>> -> memref<384xi32, #tpu.memory_space<vmem>>
      %dma_start3A_395 = arith.constant 128 : i32
      %dma_start3A_396 = tpu.memref_slice %arg7[%dma_start3A_395] : memref<512xi32, #tpu.memory_space<hbm>> -> memref<384xi32, #tpu.memory_space<hbm>>
      %dma_start3A_397 = arith.constant 128 : i32
      %dma_start3A_398 = tpu.memref_slice %arg7[%dma_start3A_397] : memref<512xi32, #tpu.memory_space<hbm>> -> memref<384xi32, #tpu.memory_space<hbm>>
      %dma_start3A_399 = arith.constant 0 : i32
      %dma_start3A_400 = tpu.memref_slice %arg19[%dma_start3A_399] : memref<400xi32, #tpu.memory_space<vmem>> -> memref<384xi32, #tpu.memory_space<vmem>>
      tpu.enqueue_dma source(%dma_start3A_400 : memref<384xi32, #tpu.memory_space<vmem>>) target(%dma_start3A_398 : memref<384xi32, #tpu.memory_space<hbm>>) target_semaphore(%arg42 : memref<!tpu.dma_semaphore, #tpu.memory_space<semaphore_mem>>)
      %dma_wait3A_401 = arith.constant 0 : i32
      %dma_wait3A_402 = tpu.memref_slice %arg17[%dma_wait3A_401] : memref<400xf32, #tpu.memory_space<vmem>> -> memref<384xf32, #tpu.memory_space<vmem>>
      %dma_wait3A_403 = arith.constant 128 : i32
      %dma_wait3A_404 = tpu.memref_slice %arg5[%dma_wait3A_403] : memref<512xf32, #tpu.memory_space<hbm>> -> memref<384xf32, #tpu.memory_space<hbm>>
      %dma_wait3A_405 = arith.constant 128 : i32
      %dma_wait3A_406 = tpu.memref_slice %arg5[%dma_wait3A_405] : memref<512xf32, #tpu.memory_space<hbm>> -> memref<384xf32, #tpu.memory_space<hbm>>
      %dma_wait3A_407 = arith.constant 0 : i32
      %dma_wait3A_408 = tpu.memref_slice %arg17[%dma_wait3A_407] : memref<400xf32, #tpu.memory_space<vmem>> -> memref<384xf32, #tpu.memory_space<vmem>>
      tpu.wait_dma2 semaphore(%arg42 : memref<!tpu.dma_semaphore, #tpu.memory_space<semaphore_mem>>) src(%dma_wait3A_408 : memref<384xf32, #tpu.memory_space<vmem>>) dst(%dma_wait3A_406 : memref<384xf32, #tpu.memory_space<hbm>>)
      %dma_wait3A_409 = arith.constant 0 : i32
      %dma_wait3A_410 = tpu.memref_slice %arg18[%dma_wait3A_409] : memref<400xi32, #tpu.memory_space<vmem>> -> memref<384xi32, #tpu.memory_space<vmem>>
      %dma_wait3A_411 = arith.constant 128 : i32
      %dma_wait3A_412 = tpu.memref_slice %arg6[%dma_wait3A_411] : memref<512xi32, #tpu.memory_space<hbm>> -> memref<384xi32, #tpu.memory_space<hbm>>
      %dma_wait3A_413 = arith.constant 128 : i32
      %dma_wait3A_414 = tpu.memref_slice %arg6[%dma_wait3A_413] : memref<512xi32, #tpu.memory_space<hbm>> -> memref<384xi32, #tpu.memory_space<hbm>>
      %dma_wait3A_415 = arith.constant 0 : i32
      %dma_wait3A_416 = tpu.memref_slice %arg18[%dma_wait3A_415] : memref<400xi32, #tpu.memory_space<vmem>> -> memref<384xi32, #tpu.memory_space<vmem>>
      tpu.wait_dma2 semaphore(%arg42 : memref<!tpu.dma_semaphore, #tpu.memory_space<semaphore_mem>>) src(%dma_wait3A_416 : memref<384xi32, #tpu.memory_space<vmem>>) dst(%dma_wait3A_414 : memref<384xi32, #tpu.memory_space<hbm>>)
      %dma_wait3A_417 = arith.constant 0 : i32
      %dma_wait3A_418 = tpu.memref_slice %arg19[%dma_wait3A_417] : memref<400xi32, #tpu.memory_space<vmem>> -> memref<384xi32, #tpu.memory_space<vmem>>
      %dma_wait3A_419 = arith.constant 128 : i32
      %dma_wait3A_420 = tpu.memref_slice %arg7[%dma_wait3A_419] : memref<512xi32, #tpu.memory_space<hbm>> -> memref<384xi32, #tpu.memory_space<hbm>>
      %dma_wait3A_421 = arith.constant 128 : i32
      %dma_wait3A_422 = tpu.memref_slice %arg7[%dma_wait3A_421] : memref<512xi32, #tpu.memory_space<hbm>> -> memref<384xi32, #tpu.memory_space<hbm>>
      %dma_wait3A_423 = arith.constant 0 : i32
      %dma_wait3A_424 = tpu.memref_slice %arg19[%dma_wait3A_423] : memref<400xi32, #tpu.memory_space<vmem>> -> memref<384xi32, #tpu.memory_space<vmem>>
      tpu.wait_dma2 semaphore(%arg42 : memref<!tpu.dma_semaphore, #tpu.memory_space<semaphore_mem>>) src(%dma_wait3A_424 : memref<384xi32, #tpu.memory_space<vmem>>) dst(%dma_wait3A_422 : memref<384xi32, #tpu.memory_space<hbm>>)
    } else {
    }
    return
  }
}

</mosaic_0001>

<sc_bundles>
// kernel: kernel.4.cloned.1.call-start
scs
__scs_entry_jumppad:
0x0: {  	(pc) =	sbr.rel $0x88, $3  }
0x1: {  	(tag) =	ssettag $0x0;
	lr =	simm.s32 $0x1  }
0x2: {  	[smem:$0x3F9D] =	sst lr;
	_ =	strace $0xD0000000  }
0x3: {  	_ = 	snop  }
0x4: {  	_ = 	snop  }
0x5: {  	_ = 	snop  }
0x6: {  	_ = 	snop  }
0x7: {  	_ = 	snop  }
__scs_overlays_trampoline_lowered:
0x8: {  	[smem:$0x3FAC] =	sst s0  }
0x9: {  	[smem:$0x3FAD] =	sst s1  }
0xa: {  	[smem:$0x3FAE] =	sst s2  }
0xb: {  	[smem:$0x3FAF] =	sst s3  }
0xc: {  	[smem:$0x3FB0] =	sst s4  }
0xd: {  	[smem:$0x3FB1] =	sst s5  }
0xe: {  	[smem:$0x3FB2] =	sst s6  }
0xf: {  	[smem:$0x3FB3] =	sst s7  }
0x10: {  	[smem:$0x3FB4] =	sst s8  }
0x11: {  	[smem:$0x3FB5] =	sst s9;
	s0 =	simm.s32 @!p0 $0x0  }
0x12: {  	s1 =	sld [smem:$0x3F9B];
	s0 =	simm.s32 @p0 $0x1  }
0x13: {  	[smem:$0x3FB6] =	sst s0;
	s0 =	simm.s32 @!p1 $0x0  }
0x14: {  	s2 =	sld [smem:$0x3F9A];
	s0 =	simm.s32 @p1 $0x1  }
0x15: {  	[smem:$0x3FB7] =	sst s0;
	s0 =	simm.s32 @!p2 $0x0  }
0x16: {  	s3 =	sld [smem:$0x3FDB];
	s0 =	simm.s32 @p2 $0x1  }
0x17: {  	s4 =	simm.s32 $0x1BF5;
	[smem:$0x3FB9] =	sst s0  }
0x18: {  	s0 =	sld [smem:$0x3F9C];
	_ =	swait.ge [sflag:s4], $0x0  }
0x19: {  	s7 =	sld [smem:$0x3F9D]  }
0x1a: {  	s8 =	sadd.s32 $0xFFFFE003, lr  }
0x1b: {  	s9 =	sadd.s32 $0xFFFFFEF7, lr;
	s5 =	simm.s32 $0xFFFFFFFF;
	p2 =	slt.u32 s8, $0xFFFFF086  }
0x1c: {  	p1 =	slt.u32 s9, $0xF7A;
	s5 =	simm.s32 @!p2 $0x0  }
0x1d: {  	s5 =	simm.s32 @p1 $0x1;
	p0 =	seq.s32 s7, s2  }
0x1e: {  	s7 =	smul.u32 @!p0 $0xF7A, s2;
	p2 =	seq.s32 @!p0 s5, $0x0  }
0x1f: {  	s9 =	smul.u32 $0xF7A, s1;
	s8 =	simm.s32 @!p0 $0x1BF5;
	p2 =	por !p2, p0  }
0x20: {  	[sflag:s8] =	ssyncset.s32 @!p0 $0xFFFFF086;
	s6 =	sadd.s32 @!p0 s3, s7;
	s7 =	simm.s32 @!p0 $0x108  }
0x21: {  	s3 =	sadd.s32 s3, s9;
	s6 =	sadd.s32 @!p0 $0x88, s6;
	s7 =	simm.s32 @p2 $0x1082  }
0x22: {  	[simem:s7], [sflag:s8] =	dma.local @!p0 [hbm:s6], $0xF7A  }
0x23: {  	s9 =	sor.u32 $0xD0000000, s2;
	s6 =	simm.s32 $0x108;
	_ =	swait.ge @!p0 [sflag:s8], $0x0  }
0x24: {  	s3 =	sadd.s32 $0x88, s3;
	s6 =	simm.s32 @!p1 $0x1082;
	[sflag:s4] =	ssyncset.s32 $0xFFFFF086  }
0x25: {  	[simem:s6], [sflag:s4] =	dma.local [hbm:s3], $0xF7A  }
0x26: {  	[smem:$0x3F9D] =	sst s1;
	(tag) =	ssettag s2;
	_ =	strace s9  }
0x27: {  	s1 =	sld [smem:$0x3FAD]  }
0x28: {  	s2 =	sld [smem:$0x3FAE]  }
0x29: {  	s4 =	sld [smem:$0x3FB0]  }
0x2a: {  	p0 =	seq.s32 s5, $0x0;
	s5 =	sld [smem:$0x3FB1]  }
0x2b: {  	s6 =	sld [smem:$0x3FB2]  }
0x2c: {  	s7 =	sld [smem:$0x3FB3]  }
0x2d: {  	s3 =	simm.s32 $0x108;
	s8 =	sld [smem:$0x3FB4]  }
0x2e: {  	s3 =	simm.s32 @!p0 $0x1082;
	s9 =	sld [smem:$0x3FB5]  }
0x2f: {  	lr =	sadd.s32 s0, s3;
	s0 =	sld [smem:$0x3FAC]  }
0x30: {  	s3 =	sld [smem:$0x3FAF]  }
0x31: {  	[smem:$0x3FB8] =	sst s10  }
0x32: {  	s10 =	sld [smem:$0x3FB6];
	_ =	sdelay $0x3  }
0x33: {  	p0 =	seq.s32 s10, $0x1;
	s10 =	sld [smem:$0x3FB8];
	_ =	sdelay $0x3  }
0x34: {  	[smem:$0x3FB8] =	sst s10  }
0x35: {  	s10 =	sld [smem:$0x3FB7];
	_ =	sdelay $0x3  }
0x36: {  	p1 =	seq.s32 s10, $0x1;
	s10 =	sld [smem:$0x3FB8];
	_ =	sdelay $0x3  }
0x37: {  	[smem:$0x3FB8] =	sst s10  }
0x38: {  	s10 =	sld [smem:$0x3FB9]  }
0x39: {  	_ = 	snop;
	(pc) =	sbr.ind lr, $3  }
0x3a: {  	_ = 	snop  }
0x3b: {  	_ = 	snop  }
0x3c: {  	p2 =	seq.s32 s10, $0x1;
	s10 =	sld [smem:$0x3FB8]  }
0x3d: {  	_ =	shalt  }
0x3e: {  	_ =	shalt  }
0x3f: {  	_ =	shalt  }
0x40: {  	_ =	shalt  }
0x41: {  	_ =	shalt  }
0x42: {  	_ =	shalt  }
0x43: {  	_ =	shalt  }
0x44: {  	_ =	shalt  }
0x45: {  	_ =	shalt  }
0x46: {  	_ =	shalt  }
0x47: {  	_ =	shalt  }
0x48: {  	_ =	shalt  }
0x49: {  	_ =	shalt  }
0x4a: {  	_ =	shalt  }
0x4b: {  	_ =	shalt  }
0x4c: {  	_ =	shalt  }
0x4d: {  	_ =	shalt  }
0x4e: {  	_ =	shalt  }
0x4f: {  	_ =	shalt  }
0x50: {  	_ =	shalt  }
0x51: {  	_ =	shalt  }
0x52: {  	_ =	shalt  }
0x53: {  	_ =	shalt  }
0x54: {  	_ =	shalt  }
0x55: {  	_ =	shalt  }
0x56: {  	_ =	shalt  }
0x57: {  	_ =	shalt  }
0x58: {  	_ =	shalt  }
0x59: {  	_ =	shalt  }
0x5a: {  	_ =	shalt  }
0x5b: {  	_ =	shalt  }
0x5c: {  	_ =	shalt  }
0x5d: {  	_ =	shalt  }
0x5e: {  	_ =	shalt  }
0x5f: {  	_ =	shalt  }
0x60: {  	_ =	shalt  }
0x61: {  	_ =	shalt  }
0x62: {  	_ =	shalt  }
0x63: {  	_ =	shalt  }
0x64: {  	_ =	shalt  }
0x65: {  	_ =	shalt  }
0x66: {  	_ =	shalt  }
0x67: {  	_ =	shalt  }
0x68: {  	_ =	shalt  }
0x69: {  	_ =	shalt  }
0x6a: {  	_ =	shalt  }
0x6b: {  	_ =	shalt  }
0x6c: {  	_ =	shalt  }
0x6d: {  	_ =	shalt  }
0x6e: {  	_ =	shalt  }
0x6f: {  	_ =	shalt  }
0x70: {  	_ =	shalt  }
0x71: {  	_ =	shalt  }
0x72: {  	_ =	shalt  }
0x73: {  	_ =	shalt  }
0x74: {  	_ =	shalt  }
0x75: {  	_ =	shalt  }
0x76: {  	_ =	shalt  }
0x77: {  	_ =	shalt  }
0x78: {  	_ =	shalt  }
0x79: {  	_ =	shalt  }
0x7a: {  	_ =	shalt  }
0x7b: {  	_ =	shalt  }
0x7c: {  	_ =	shalt  }
0x7d: {  	_ =	shalt  }
0x7e: {  	_ =	shalt  }
0x7f: {  	_ =	shalt  }
0x80: {  	_ =	shalt  }
0x81: {  	_ =	shalt  }
0x82: {  	_ =	shalt  }
0x83: {  	_ =	shalt  }
0x84: {  	_ =	shalt  }
0x85: {  	_ =	shalt  }
0x86: {  	_ =	shalt  }
0x87: {  	_ =	shalt  }
.Lfunc_end0:
.L_simem_size_0:
called_computation_lowered:
.L_overlay_start_0:
0x88: {  	s2 =	sld [smem:$0x3FD9]  }
0x89: {  	s3 =	sld [smem:$0x3FFE];
	_ =	sdelay $0x1  }
0x8a: {  	s1 =	srdreg.scid  }
0x8b: {  	s0 =	sand.u32 $0x1, s1  }
0x8c: {  	s14 =	sshll.u32 s0, $0xA;
	s2 =	sadd.s32 s3, s2  }
0x8d: {  	s2 =	sadd.s32 s2, s14  }
0x8e: {  	[smem:$0x3FC4] =	sst s2  }
0x8f: {  	_ = 	snop  }
0x90: {  	s2 =	sld [smem:$0x3FD0];
	_ =	sdelay $0x2  }
0x91: {  	s15 =	simm.s32 $0xA;
	s4 =	simm.s32 $0x10  }
0x92: {  	[smem:s4], [sflag:s15] =	dma.local [hbm:s2], $0x1  }
0x93: {  	_ =	swait.eq [sflag:s15], $0x1  }
0x94: {  	[sflag:s15] =	ssyncset.done $0x0  }
0x95: {  	[sflag:s15] =	ssyncadd.s32 $0xFFFFFFFF  }
0x96: {  	s16 =	sld [smem:$0x10];
	(tm) =	ssettm $0x1  }
0x97: {  	s17 =	sld [smem:$0x3FFB];
	_ =	sdelay $0x3  }
0x98: {  	_ =	strace s17  }
0x99: {  	s3 =	sld [smem:$0x3FFC];
	_ =	sdelay $0x3  }
0x9a: {  	_ =	strace s3  }
0x9b: {  	s3 =	sld [smem:$0x3FFD];
	_ =	sdelay $0x3  }
0x9c: {  	_ =	strace s3  }
0x9d: {  	_ =	strace $0x8FFFFFFF  }
0x9e: {  	s18 =	sld [smem:$0x3FDB];
	_ =	sdelay $0x1  }
0x9f: {  	s19 =	simm.s32 $_scs_section_size  }
0xa0: {  	s5 =	simm.s32 $_size__tile_overlayer_lowered;
	s6 =	simm.s32 $_tile_overlayer_lowered  }
0xa1: {  	s22 =	simm.s32 $0x1BFF;
	s21 =	sshll.u32 s6, $0x1;
	s3 =	sadd.s32 s19, s18  }
0xa2: {  	s7 =	simm.s32 $0x0;
	s20 =	sshll.u32 s5, $0x1;
	s5 =	sadd.s32 s21, s3  }
0xa3: {  	[timem:s7], [sflag:s22] =	dma.local [hbm:s5], s20  }
0xa4: {  	_ =	swait.ge [sflag:s22], s20  }
0xa5: {  	s4 =	ssub.s32 $0x0, s20;
	[sflag:s22] =	ssyncset.done $0x0  }
0xa6: {  	[sflag:s22] =	ssyncadd.s32 s4;
	_ =	sdelay $0x1  }
0xa7: {  	s23 =	simm.s32 $0x1B8B  }
0xa8: {  	_ =	swait.ge [sflag:s23], $0x1  }
0xa9: {  	[sflag:s23] =	ssyncset.done $0x0  }
0xaa: {  	s25 =	simm.s32 $0x1B8E;
	s24 =	sld [smem:$0x3FFE];
	[sflag:s23] =	ssyncadd.s32 $0xFFFFFFFF  }
0xab: {  	s26 =	simm.s32 $execute0_lowered;
	[smem:$0x3FD2] =	sst s25  }
0xac: {  	s5 =	sshll.u32 s26, $0x1;
	_ =	strace $0x80000046;
	[dreg:$0x1] =	wrdreg $0xFFFFFFFF  }
0xad: {  	s28 =	simm.s32 $_size_execute0_lowered;
	s3 =	sadd.s32 s3, s5;
	[dreg:$0x0] =	wrdreg $0x0  }
0xae: {  	s5 =	sshll.u32 s28, $0x1;
	[dreg:$0x2] =	wrdreg s3  }
0xaf: {  	[dreg:$0x3] =	wrdreg s5  }
0xb0: {  	[dreg:$0x4] =	wrdreg $0xC0  }
0xb1: {  	_ =	task [dreg:s7], $0x5FFFF  }
0xb2: {  	[dreg:$0x1] =	wrdreg $0xFFFFFFFF  }
0xb3: {  	[dreg:$0x0] =	wrdreg $0x60  }
0xb4: {  	[dreg:$0x2] =	wrdreg s24  }
0xb5: {  	[dreg:$0x3] =	wrdreg s16  }
0xb6: {  	[dreg:$0x4] =	wrdreg $0x9  }
0xb7: {  	_ =	task.clear_ibuf [dreg:s7], $0x5FFFF;
	_ =	strace $0x90000046  }
0xb8: {  	s29 =	simm.s32 $0x9;
	_ =	strace $0x80000048  }
0xb9: {  	_ =	swait.ge [sflag:s29], $0x1  }
0xba: {  	[sflag:s29] =	ssyncadd.s32 $0xFFFFFFFF  }
0xbb: {  	_ =	strace $0x90000048  }
0xbc: {  	_ =	sfence  }
0xbd: {  	s30 =	sld [smem:$0x0];
	_ =	sdelay $0x2  }
0xbe: {  	s31 =	sshll.u32 s1, $0xD;
	s1 =	sshrl.u32 s1, $0x2  }
0xbf: {  	s3 =	sand.u32 $0x4000, s31;
	s1 =	sadd.s32 s1, s30  }
0xc0: {  	s0 =	sor.u32 s3, s0;
	s1 =	sshll.u32 s1, $0x11  }
0xc1: {  	s0 =	sor.u32 s1, s0  }
0xc2: {  	s0 =	sadd.s32 $0x8F2B, s0  }
0xc3: {  	[sflag:s0] =	ssyncadd.remote.s32 $0x1  }
0xc4: {  	_ =	sfence.sel $0xFFFF  }
0xc5: {  	[dreg:$0x0] =	wrdreg $0xFFFFFFFF;
	(pc) =	sbr.abs _section_cstart, $3  }
0xc6: {  	[dreg:$0x1] =	wrdreg $0xFFFFFFFF  }
0xc7: {  	_ =	task.clear_ibuf [dreg:s7], $0x2FFFF;
	_ =	strace $0x9FFFFFFF  }
0xc8: {  	(tm) =	ssettm $0x7FFFFFFF  }
0xc9: {  	_ =	shalt  }
tec
execute0_lowered:
.L_overlay_start_1:
0x0: {  	(tag) =	ssettag $0x1  }
0x1: {  	s0 =	rddreg [dreg:$0x0];
	s1 =	srdreg.scid  }
0x2: {  	s2 =	stileid.u32;
	s14 =	rddreg [dreg:$0x1];
	s19 =	simm.s32 $0x1  }
0x3: {  	s29 =	simm.s32 $0x1C80;
	s30 =	simm.s32 $0x2080;
	s31 =	simm.s32 $0x2300  }
0x4: {  	s20 =	simm.s32 $0x0;
	s1 =	sand.u32 $0x1, s1;
	s3 =	sshll.u32 s2, $0x1  }
0x5: {  	s2 =	simm.s32 $0x0;
	s4 =	sadd.s32 $0x1E00, s0;
	s5 =	sadd.s32 $0x1C00, s0  }
0x6: {  	s6 =	sadd.s32 $0x1A00, s0;
	s7 =	sadd.s32 $0x1800, s0;
	s3 =	sor.u32 s1, s3  }
0x7: {  	[smem:$0x7FF] =	sst s2;
	s1 =	ssub.s32 $0x2, s1;
	s3 =	smul.u32 $0x280, s3  }
0x8: {  	s8 =	sadd.s32 $0x2000, s0;
	_ =	strace $0x80000047;
	s9 =	sshrl.u32 s1, $0x1  }
0x9: {  	s28 =	ssub.s32 s1, s9;
	s1 =	simm.s32 $0x2580;
	s15 =	sshrl.u32 s3, $0x3  }
0xa: {  	s18 =	smax.u32 s28, $0x1;
	s17 =	sadd.s32 s15, s0;
	s14 =	sadd.s32 s14, s15  }
0xb: {  	s0 =	simm.s32 $0x2800;
	s9 =	sadd.s32 $0x4000, s17;
	s10 =	sadd.s32 $0x2C00, s17  }
0xc: {  	s11 =	sadd.s32 $0x3600, s17;
	s12 =	sadd.s32 $0x2200, s17;
	s13 =	sadd.s32 $0x4A00, s17  }
0xd: {  	s15 =	sadd.s32 $0x5400, s17;
	s16 =	sadd.s32 $0x5E00, s17;
	s17 =	sadd.s32 $0x6800, s17  }
.LBB2_1:
0xe: {  	[tilespmem:s2], [sflag:$0x1] =	stream.linear.gather [hbm4b:s9+s2], $0x280, $0x38;
	[tilespmem:$0x2E80] =	vst v63  }
0xf: {  	_ =	swait.ge [sflag:s19], $0x280  }
0x10: {  	[sflag:s19] =	ssyncset.done $0x0  }
0x11: {  	s21 =	simm.s32 $0x280;
	[sflag:s19] =	ssyncadd.s32 $0xFFFFFD80  }
0x12: {  	[tilespmem:s21], [sflag:$0x1] =	stream.linear.gather [hbm4b:s10+s2], $0x280, $0x38;
	[tilespmem:$0x2E80] =	vst v63  }
0x13: {  	_ =	swait.ge [sflag:s19], $0x280  }
0x14: {  	[sflag:s19] =	ssyncset.done $0x0  }
0x15: {  	s28 =	simm.s32 $0x500;
	[sflag:s19] =	ssyncadd.s32 $0xFFFFFD80  }
0x16: {  	[tilespmem:s28], [sflag:$0x1] =	stream.linear.gather [hbm4b:s11+s2], $0x280, $0x38;
	[tilespmem:$0x2E80] =	vst v63  }
0x17: {  	_ =	swait.ge [sflag:s19], $0x280  }
0x18: {  	[sflag:s19] =	ssyncset.done $0x0  }
0x19: {  	s22 =	simm.s32 $0x780;
	[sflag:s19] =	ssyncadd.s32 $0xFFFFFD80  }
0x1a: {  	[tilespmem:s22], [sflag:$0x1] =	stream.linear.gather [hbm4b:s12+s2], $0x280, $0x38;
	[tilespmem:$0x2E80] =	vst v63  }
0x1b: {  	_ =	swait.ge [sflag:s19], $0x280  }
0x1c: {  	[sflag:s19] =	ssyncset.done $0x0  }
0x1d: {  	s23 =	simm.s32 $0xA00;
	[sflag:s19] =	ssyncadd.s32 $0xFFFFFD80  }
0x1e: {  	[tilespmem:s23], [sflag:$0x1] =	stream.linear.gather [hbm4b:s13+s2], $0x280, $0x38;
	[tilespmem:$0x2E80] =	vst v63  }
0x1f: {  	_ =	swait.ge [sflag:s19], $0x280  }
0x20: {  	[sflag:s19] =	ssyncset.done $0x0  }
0x21: {  	s24 =	simm.s32 $0xC80;
	[sflag:s19] =	ssyncadd.s32 $0xFFFFFD80  }
0x22: {  	[tilespmem:s24], [sflag:$0x1] =	stream.linear.gather [hbm4b:s4+s2], $0x400, $0x38;
	[tilespmem:$0x2E80] =	vst v63  }
0x23: {  	_ =	swait.ge [sflag:s19], $0x400  }
0x24: {  	[sflag:s19] =	ssyncset.done $0x0  }
0x25: {  	s25 =	simm.s32 $0x1080;
	[sflag:s19] =	ssyncadd.s32 $0xFFFFFC00  }
0x26: {  	[tilespmem:s25], [sflag:$0x1] =	stream.linear.gather [hbm4b:s5+s2], $0x400, $0x38;
	[tilespmem:$0x2E80] =	vst v63  }
0x27: {  	_ =	swait.ge [sflag:s19], $0x400  }
0x28: {  	[sflag:s19] =	ssyncset.done $0x0  }
0x29: {  	s26 =	simm.s32 $0x1480;
	[sflag:s19] =	ssyncadd.s32 $0xFFFFFC00  }
0x2a: {  	[tilespmem:s26], [sflag:$0x1] =	stream.linear.gather [hbm4b:s6+s2], $0x400, $0x38;
	[tilespmem:$0x2E80] =	vst v63  }
0x2b: {  	_ =	swait.ge [sflag:s19], $0x400  }
0x2c: {  	[sflag:s19] =	ssyncset.done $0x0  }
0x2d: {  	s28 =	simm.s32 $0x1880;
	[sflag:s19] =	ssyncadd.s32 $0xFFFFFC00  }
0x2e: {  	[tilespmem:s28], [sflag:$0x1] =	stream.linear.gather [hbm4b:s7+s2], $0x400, $0x38;
	[tilespmem:$0x2E80] =	vst v63  }
0x2f: {  	_ =	swait.ge [sflag:s19], $0x400  }
0x30: {  	[sflag:s19] =	ssyncset.done $0x0  }
0x31: {  	[sflag:s19] =	ssyncadd.s32 $0xFFFFFC00  }
0x32: {  	[tilespmem:s29], [sflag:$0x1] =	stream.linear.gather [hbm4b:s8+s2], $0x400, $0x38;
	[tilespmem:$0x2E80] =	vst v63  }
0x33: {  	_ =	swait.ge [sflag:s19], $0x400  }
0x34: {  	[sflag:s19] =	ssyncset.done $0x0  }
0x35: {  	s21 =	simm.s32 $0x0;
	[sflag:s19] =	ssyncadd.s32 $0xFFFFFC00  }
0x36: {  	v2 =	vld [tilespmem:s21+$0x1480]  }
0x37: {  	v3 =	vld [tilespmem:s21+$0xC80]  }
0x38: {  	v4 =	vld [tilespmem:s21+$0x1880]  }
0x39: {  	v5 =	vld [tilespmem:s21+$0x1080];
	_ =	sdelay $0x1  }
0x3a: {  	s22 =	simm.s32 $0x10  }
0x3b: {  	v0 =	vld [tilespmem:s22+$0x1480]  }
0x3c: {  	v1 =	vld [tilespmem:s22+$0xC80]  }
0x3d: {  	v6 =	vsub.f32 v2, v3;
	v4 =	vsub.f32 v4, v5;
	v2 =	vld [tilespmem:s22+$0x1880]  }
0x3e: {  	v3 =	vld [tilespmem:s22+$0x1080]  }
0x3f: {  	s23 =	simm.s32 $0x80;
	v4 =	vmul.f32 v4, v6  }
.LBB2_2:
0x40: {  	s24 =	sshra.s32 s23, $0x2;
	v5 =	vmov v0;
	p0 =	sne.s32 s23, $0xFC0  }
.Ltmp0:
0x41: {  	v0 =	vld [tilespmem:s24+$0x1480];
	[tilespmem:s21+$0x2A80] =	vst v4;
	v4 =	vmov v1;
	s21 =	smov.u32 s22;
	(pc) =	sbr.rel @p0 .LBB2_2-.Ltmp0, $4  }
0x42: {  	s22 =	smov.u32 s24;
	v1 =	vld [tilespmem:s24+$0xC80]  }
0x43: {  	s23 =	sadd.s32 $0x40, s23;
	v4 =	vsub.f32 v5, v4;
	v5 =	vsub.f32 v2, v3;
	v2 =	vld [tilespmem:s22+$0x1880]  }
0x44: {  	v3 =	vld [tilespmem:s22+$0x1080]  }
0x45: {  	v4 =	vmul.f32 v5, v4  }
0x46: {  	_ =	sdelay $0x2  }
0x47: {  	v0 =	vsub.f32 v0, v1;
	v63 =	vsub.f32 v2, v3;
	_ =	sdelay $0x1  }
0x48: {  	v0 =	vmul.f32 v63, v0  }
0x49: {  	[tilespmem:s21+$0x2A80] =	vst v4  }
0x4a: {  	s21 =	simm.s32 $0x0;
	[tilespmem:s22+$0x2A80] =	vst v0  }
.LBB2_4:
0x4b: {  	s22 =	sshll.u32 s21, $0x6  }
0x4c: {  	v0 =	vld [tilespmem:s22+$0x0]  }
0x4d: {  	v1 =	vld [tilespmem:s22+$0x10]  }
0x4e: {  	v2 =	vld [tilespmem:s22+$0x20]  }
0x4f: {  	v4 =	vld [tilespmem:s22+$0x30]  }
0x50: {  	v5 =	vld [tilespmem:s22+$0x280]  }
0x51: {  	v6 =	vld [tilespmem:s22+$0x290]  }
0x52: {  	v7 =	vld [tilespmem:s22+$0x2A0]  }
0x53: {  	v9 =	vld [tilespmem:s22+$0x500]  }
0x54: {  	v10 =	vld [tilespmem:s22+$0x510]  }
0x55: {  	v11 =	vld [tilespmem:s22+$0x520]  }
0x56: {  	v13 =	vld [tilespmem:s22+$0x780]  }
0x57: {  	v15 =	vld [tilespmem:s22+$0x790]  }
0x58: {  	s23 =	simm.s32 $0x0;
	v16 =	vld [tilespmem:s22+$0x7A0]  }
0x59: {  	v3 =	vld [tilespmem:s23+$0xC80]  }
0x5a: {  	v24 =	vld [tilespmem:s23+$0x1880]  }
0x5b: {  	v27 =	vld [tilespmem:s23+$0x1080]  }
0x5c: {  	v20 =	vld [tilespmem:s23+$0x1480]  }
0x5d: {  	v8 =	vld [tilespmem:s22+$0x2B0];
	v18 =	vsub.f32 v9, v0;
	v19 =	vsub.f32 v13, v5  }
0x5e: {  	s26 =	simm.s32 $0x10;
	v17 =	vld [tilespmem:s22+$0x7B0];
	v22 =	vsub.f32 v10, v1;
	v23 =	vsub.f32 v15, v6  }
0x5f: {  	v61 =	vld [tilespmem:s26+$0x1880];
	v25 =	vsub.f32 v11, v2;
	v26 =	vsub.f32 v16, v7  }
0x60: {  	v30 =	vmax.f32 v3, v0;
	v31 =	vmin.f32 v24, v13;
	v32 =	vmax.f32 v27, v5  }
0x61: {  	v33 =	vmin.f32 v20, v10;
	v34 =	vmax.f32 v3, v1;
	v35 =	vmin.f32 v24, v15  }
0x62: {  	v12 =	vld [tilespmem:s22+$0x530];
	v36 =	vmax.f32 v27, v6;
	v37 =	vmin.f32 v20, v11;
	v38 =	vmax.f32 v3, v2  }
0x63: {  	v39 =	vmin.f32 v24, v16;
	v40 =	vmax.f32 v27, v7;
	v41 =	vmax.f32 v3, v4  }
0x64: {  	v14 =	vld [tilespmem:s23+$0x2A80];
	v24 =	vmin.f32 v24, v17;
	v27 =	vmax.f32 v27, v8;
	v50 =	vmin.f32 v61, v15  }
0x65: {  	v58 =	vsub.f32 v35, v36;
	v59 =	vsub.f32 v37, v38;
	v21 =	vmul.f32 v19, v18  }
0x66: {  	v60 =	vsub.f32 v39, v40;
	v22 =	vmul.f32 v23, v22;
	v23 =	vmul.f32 v26, v25  }
0x67: {  	v18 =	vsub.f32 v12, v4;
	v19 =	vsub.f32 v17, v8;
	v25 =	vmin.f32 v20, v9  }
0x68: {  	v43 =	vmin.f32 v61, v16;
	v25 =	vsub.f32 v25, v30;
	v30 =	vsub.f32 v31, v32  }
0x69: {  	v37 =	vmin.f32 v61, v17;
	v31 =	vsub.f32 v33, v34;
	v26 =	vadd.f32 v14, v21  }
0x6a: {  	v20 =	vmin.f32 v20, v12;
	v28 =	vadd.f32 v14, v22;
	v29 =	vadd.f32 v14, v23  }
0x6b: {  	v3 =	vmul.f32 v19, v18;
	v18 =	vsub.f32 v20, v41;
	v19 =	vsub.f32 v24, v27  }
0x6c: {  	v27 =	vmax.f32 v59, $0.0e+00;
	v20 =	vmax.f32 v25, $0.0e+00;
	v24 =	vmax.f32 v30, $0.0e+00  }
0x6d: {  	v25 =	vmax.f32 v31, $0.0e+00;
	v20 =	vmul.f32 v24, v20;
	v24 =	vmax.f32 v58, $0.0e+00  }
0x6e: {  	v18 =	vmax.f32 v18, $0.0e+00;
	v32 =	vmul.f32 v24, v25;
	v24 =	vmax.f32 v60, $0.0e+00  }
0x6f: {  	v19 =	vmax.f32 v19, $0.0e+00;
	v31 =	vsub.f32 v26, v20;
	v26 =	vmul.f32 v24, v27  }
0x70: {  	v14 =	vadd.f32 v14, v3;
	v25 =	vld [tilespmem:s26+$0x2A80];
	v18 =	vmul.f32 v19, v18;
	v27 =	vsub.f32 v28, v32  }
0x71: {  	v33 =	vimm.f32 $-1.000000000e+00;
	v19 =	vld [tilespmem:s26+$0x1480];
	v28 =	vmax.f32 v31, $9.999999710e-10;
	v31 =	vsub.f32 v29, v26  }
0x72: {  	v24 =	vld [tilespmem:s26+$0xC80];
	v14 =	vsub.f32 v14, v18;
	v27 =	vmax.f32 v27, $9.999999710e-10;
	(erf) = vrcp.f32 v28  }
0x73: {  	v30 =	vimm.f32 $-1.000000000e+00;
	v31 =	vmax.f32 v31, $9.999999710e-10;
	(erf) = vrcp.f32 v27  }
0x74: {  	v29 =	vimm.s32 $0x0;
	v14 =	vmax.f32 v14, $9.999999710e-10;
	(erf) = vrcp.f32 v31  }
0x75: {  	v28 =	vld [tilespmem:s26+$0x1080];
	v36 =	vadd.f32 v25, v21;
	v35 =	vadd.f32 v25, v22;
	(erf) = vrcp.f32 v14  }
0x76: {  	v34 =	vadd.f32 v25, v23;
	v63 =	vmin.f32 v19, v10;
	v42 =	vmin.f32 v19, v11  }
0x77: {  	v38 =	vmin.f32 v19, v12;
	v27 =	vmax.f32 v24, v0;
	v31 =	vmin.f32 v61, v13  }
0x78: {  	v46 =	vmax.f32 v24, v1;
	v44 =	vmax.f32 v24, v2;
	v14 =	vmin.f32 v19, v9  }
0x79: {  	v39 =	vmax.f32 v24, v4;
	v49 =	vsub.f32 v63, v46;
	v47 =	vsub.f32 v14, v27  }
0x7a: {  	v27 =	vimm.f32 $-1.000000000e+00;
	v62 =	vmax.f32 v28, v5;
	v51 =	vmax.f32 v28, v6  }
0x7b: {  	v45 =	vmax.f32 v28, v7;
	v40 =	vmax.f32 v28, v8;
	v28 =	vimm.s32 $0x0;
	v19 =	vpop (erf)  }
0x7c: {  	s25 =	sor.u32 $0x10, s22;
	v24 =	vld [tilespmem:s26+$0x1C80];
	v48 =	vsub.f32 v31, v62;
	v46 =	vsub.f32 v50, v51;
	v31 =	vimm.s32 $0x0;
	v50 =	vpop (erf)  }
0x7d: {  	s24 =	sor.u32 $0x20, s22;
	s26 =	simm.s32 $0x80;
	v14 =	vld [tilespmem:s23+$0x1C80];
	s23 =	sor.u32 $0x30, s22;
	v51 =	vmul.f32 v19, v20;
	v19 =	vimm.f32 $-1.000000000e+00;
	v20 =	vimm.s32 $0x0;
	v41 =	vpop (erf)  }
.LBB2_5:
0x7e: {  	p0 =	sne.s32 s26, $0xFC0;
	v42 =	vsub.f32 v42, v44;
	v43 =	vsub.f32 v43, v45;
	v32 =	vmul.f32 v50, v32;
	v44 =	vpop (erf)  }
0x7f: {  	v26 =	vmul.f32 v41, v26;
	vm3 =	vgt.f32 v51, v30;
	v18 =	vmul.f32 v44, v18  }
0x80: {  	v38 =	vsub.f32 v38, v39;
	v37 =	vsub.f32 v37, v40;
	v30 =	vsel vm3, v51, v30  }
0x81: {  	vm2 =	vgt.f32 v32, v33;
	vm1 =	vgt.f32 v26, v27;
	vm0 =	vgt.f32 v18, v19  }
0x82: {  	v33 =	vsel vm2, v32, v33;
	v27 =	vsel vm1, v26, v27;
	v19 =	vsel vm0, v18, v19  }
0x83: {  	v26 =	vmax.f32 v48, $0.0e+00;
	v32 =	vmax.f32 v49, $0.0e+00;
	v18 =	vmax.f32 v47, $0.0e+00  }
0x84: {  	v41 =	vmul.f32 v26, v18;
	v18 =	vmax.f32 v46, $0.0e+00;
	v26 =	vmax.f32 v42, $0.0e+00  }
0x85: {  	s28 =	sshra.s32 s26, $0x2;
	v38 =	vmax.f32 v38, $0.0e+00;
	v32 =	vmul.f32 v18, v32;
	v18 =	vmax.f32 v43, $0.0e+00  }
0x86: {  	v36 =	vsub.f32 v36, v41;
	v26 =	vmul.f32 v18, v26;
	v18 =	vmax.f32 v37, $0.0e+00;
	v39 =	vld [tilespmem:s28+$0x2A80]  }
0x87: {  	v25 =	vadd.f32 v25, v3;
	v35 =	vsub.f32 v35, v32;
	v18 =	vmul.f32 v18, v38;
	v37 =	vld [tilespmem:s28+$0xC80]  }
0x88: {  	v29 =	vsel vm3, v14, v29;
	v36 =	vmax.f32 v36, $9.999999710e-10;
	v34 =	vsub.f32 v34, v26;
	v38 =	vld [tilespmem:s28+$0x1480]  }
0x89: {  	v35 =	vmax.f32 v35, $9.999999710e-10;
	v42 =	vsub.f32 v25, v18;
	v40 =	vld [tilespmem:s28+$0x1880];
	(erf) = vrcp.f32 v36  }
0x8a: {  	v31 =	vsel vm2, v14, v31;
	v34 =	vmax.f32 v34, $9.999999710e-10;
	v46 =	vld [tilespmem:s28+$0x1080];
	(erf) = vrcp.f32 v35  }
0x8b: {  	v28 =	vsel vm1, v14, v28;
	v35 =	vmax.f32 v42, $9.999999710e-10;
	v43 =	vld [tilespmem:s28+$0x1C80];
	(erf) = vrcp.f32 v34;
	v25 =	vmovc v39  }
0x8c: {  	v20 =	vsel vm0, v14, v20;
	v14 =	vmovc v24;
	v36 =	vadd.f32 v25, v21;
	(erf) = vrcp.f32 v35  }
0x8d: {  	v35 =	vadd.f32 v25, v22;
	v34 =	vadd.f32 v25, v23  }
0x8e: {  	v48 =	vmax.f32 v37, v0;
	v47 =	vmin.f32 v38, v9;
	v49 =	vmin.f32 v40, v13  }
0x8f: {  	v52 =	vmax.f32 v37, v1;
	v51 =	vmin.f32 v38, v10;
	v50 =	vmax.f32 v46, v5  }
.Ltmp1:
0x90: {  	v42 =	vmin.f32 v38, v11;
	v53 =	vmin.f32 v40, v15;
	v54 =	vmax.f32 v46, v6;
	v24 =	vmovc v43;
	(pc) =	sbr.rel @p0 .LBB2_5-.Ltmp1, $4  }
0x91: {  	v44 =	vmax.f32 v37, v2;
	v45 =	vmax.f32 v46, v7;
	v43 =	vmin.f32 v40, v16  }
0x92: {  	v39 =	vmax.f32 v37, v4;
	v38 =	vmin.f32 v38, v12;
	v37 =	vmin.f32 v40, v17;
	v55 =	vpop (erf)  }
0x93: {  	v47 =	vsub.f32 v47, v48;
	v48 =	vsub.f32 v49, v50;
	v40 =	vmax.f32 v46, v8;
	v50 =	vpop (erf)  }
0x94: {  	s26 =	sadd.s32 $0x40, s26;
	v49 =	vsub.f32 v51, v52;
	v46 =	vsub.f32 v53, v54;
	v51 =	vmul.f32 v55, v41;
	v41 =	vpop (erf)  }
0x95: {  	v0 =	vmax.f32 v47, $0.0e+00;
	v1 =	vmax.f32 v48, $0.0e+00  }
0x96: {  	v0 =	vmul.f32 v1, v0;
	_ =	sdelay $0x1  }
0x97: {  	v1 =	vsub.f32 v36, v0;
	_ =	sdelay $0x1  }
0x98: {  	v1 =	vmax.f32 v1, $9.999999710e-10  }
0x99: {  	(erf) = vrcp.f32 v1  }
0x9a: {  	v2 =	vmax.f32 v46, $0.0e+00;
	v36 =	vmax.f32 v49, $0.0e+00  }
0x9b: {  	v1 =	vmul.f32 v2, v36;
	_ =	sdelay $0x1  }
0x9c: {  	v2 =	vsub.f32 v35, v1;
	_ =	sdelay $0x1  }
0x9d: {  	v2 =	vmax.f32 v2, $9.999999710e-10  }
0x9e: {  	v4 =	vpop (erf);
	(erf) = vrcp.f32 v2  }
0x9f: {  	v5 =	vsub.f32 v42, v44;
	v6 =	vsub.f32 v43, v45  }
0xa0: {  	vm0 =	vgt.f32 v51, v30;
	v42 =	vpop (erf)  }
0xa1: {  	v5 =	vmax.f32 v5, $0.0e+00;
	v6 =	vmax.f32 v6, $0.0e+00;
	v0 =	vmul.f32 v42, v0  }
0xa2: {  	v7 =	vld [tilespmem:s22+$0xA00];
	v43 =	vsel vm0, v51, v30;
	v5 =	vmul.f32 v6, v5  }
0xa3: {  	v44 =	vmul.f32 v50, v32;
	v47 =	vsub.f32 v38, v39;
	vm1 =	vgt.f32 v0, v43  }
0xa4: {  	v9 =	vsel vm0, v14, v29;
	v6 =	vsub.f32 v34, v5;
	v0 =	vsel vm1, v0, v43  }
0xa5: {  	s26 =	sadd.s32 s3, s22;
	v49 =	vsub.f32 v37, v40;
	v46 =	vsel vm1, v24, v9;
	vm2 =	vge.f32 v0, $5.000000000e-01  }
0xa6: {  	p0 =	slt.u32 s26, $0x4E20;
	v45 =	vmax.f32 v6, $9.999999710e-10;
	[tilespmem:s22+$0x2080] =	vst v0;
	v8 =	vnsel vm2, $0xBF800000, v0;
	v6 =	vnsel vm2, $0x50, v46  }
0xa7: {  	(erf) = vrcp.f32 v45;
	v48 =	vpop (erf);
	v7 =	vsel vm2, $0xCE6E6B28, v7;
	v8 =	vpsel !p0, $0xFF800000, v8;
	[tilespmem:s22+$0x2800] =	vst v6  }
0xa8: {  	vm7 =	vgt.f32 v44, v33;
	v0 =	vmul.f32 v48, v1;
	v7 =	vpsel !p0, $0xFF800000, v7;
	[tilespmem:s22+$0x2300] =	vst v8  }
0xa9: {  	v52 =	vmax.f32 v47, $0.0e+00;
	v50 =	vsel vm7, v44, v33;
	[tilespmem:s22+$0x2580] =	vst v7;
	v7 =	vmax.f32 v49, $0.0e+00  }
0xaa: {  	v3 =	vadd.f32 v25, v3;
	vm8 =	vgt.f32 v0, v50;
	v51 =	vld [tilespmem:s25+$0xA00];
	v6 =	vmul.f32 v7, v52  }
0xab: {  	v0 =	vsel vm8, v0, v50  }
0xac: {  	s28 =	sadd.s32 s3, s25;
	vm9 =	vge.f32 v0, $5.000000000e-01;
	v3 =	vsub.f32 v3, v6  }
0xad: {  	v53 =	vmul.f32 v41, v26;
	p4 =	slt.u32 s28, $0x4E20;
	v55 =	vsel vm7, v14, v31;
	v54 =	vnsel vm9, $0xBF800000, v0  }
0xae: {  	v57 =	vsel vm8, v24, v55;
	[tilespmem:s25+$0x2080] =	vst v0;
	v7 =	vpsel !p4, $0xFF800000, v54;
	v56 =	vmax.f32 v3, $9.999999710e-10  }
0xaf: {  	[tilespmem:s25+$0x2300] =	vst v7;
	v3 =	vnsel vm9, $0x50, v57;
	v2 =	vsel vm9, $0xCE6E6B28, v51;
	(erf) = vrcp.f32 v56  }
0xb0: {  	v58 =	vpop (erf);
	[tilespmem:s25+$0x2800] =	vst v3;
	v2 =	vpsel !p4, $0xFF800000, v2  }
0xb1: {  	vm10 =	vgt.f32 v53, v27;
	v0 =	vmul.f32 v58, v5;
	[tilespmem:s25+$0x2580] =	vst v2  }
0xb2: {  	v1 =	vsel vm10, v53, v27;
	v2 =	vld [tilespmem:s24+$0xA00]  }
0xb3: {  	vm11 =	vgt.f32 v0, v1  }
0xb4: {  	v59 =	vsel vm10, v14, v28;
	v0 =	vsel vm11, v0, v1  }
0xb5: {  	s26 =	sadd.s32 s3, s24;
	v3 =	vsel vm11, v24, v59;
	vm12 =	vge.f32 v0, $5.000000000e-01  }
0xb6: {  	p5 =	slt.u32 s26, $0x4E20;
	v1 =	vnsel vm12, $0xBF800000, v0;
	v3 =	vnsel vm12, $0x50, v3;
	[tilespmem:s24+$0x2080] =	vst v0  }
0xb7: {  	v60 =	vmul.f32 v4, v18;
	v1 =	vpsel !p5, $0xFF800000, v1;
	[tilespmem:s24+$0x2800] =	vst v3;
	v2 =	vsel vm12, $0xCE6E6B28, v2  }
0xb8: {  	[tilespmem:s24+$0x2300] =	vst v1;
	v2 =	vpsel !p5, $0xFF800000, v2;
	v61 =	vpop (erf)  }
0xb9: {  	vm13 =	vgt.f32 v60, v19;
	[tilespmem:s24+$0x2580] =	vst v2;
	v1 =	vmul.f32 v61, v6  }
0xba: {  	v0 =	vsel vm13, v60, v19;
	v2 =	vld [tilespmem:s23+$0xA00]  }
0xbb: {  	s21 =	sadd.s32 $0x1, s21;
	vm14 =	vgt.f32 v1, v0  }
0xbc: {  	v62 =	vsel vm13, v14, v20;
	p0 =	sne.s32 s21, $0xA;
	v0 =	vsel vm14, v1, v0  }
.Ltmp2:
0xbd: {  	s28 =	sadd.s32 s3, s23;
	v63 =	vsel vm14, v24, v62;
	vm15 =	vge.f32 v0, $5.000000000e-01;
	(pc) =	sbr.rel @p0 .LBB2_4-.Ltmp2, $4  }
0xbe: {  	p6 =	slt.u32 s28, $0x4E20;
	[tilespmem:s23+$0x2080] =	vst v0;
	v1 =	vnsel vm15, $0xBF800000, v0;
	v0 =	vnsel vm15, $0x50, v63  }
0xbf: {  	v1 =	vpsel !p6, $0xFF800000, v1;
	v2 =	vsel vm15, $0xCE6E6B28, v2;
	[tilespmem:s23+$0x2800] =	vst v0  }
0xc0: {  	v2 =	vpsel !p6, $0xFF800000, v2;
	[tilespmem:s23+$0x2300] =	vst v1  }
0xc1: {  	[tilespmem:s23+$0x2580] =	vst v2  }
0xc2: {  	[hbm4b:s14+s2] =	stream.linear.scatter [tilespmem:s30], [sflag:$0x1], $0x280, $0x38;
	[tilespmem:$0x2E80] =	vst v63  }
0xc3: {  	_ =	swait.ge [sflag:s19], $0x280  }
0xc4: {  	[sflag:s19] =	ssyncset.done $0x0  }
0xc5: {  	[sflag:s19] =	ssyncadd.s32 $0xFFFFFD80  }
0xc6: {  	[hbm4b:s15+s2] =	stream.linear.scatter [tilespmem:s31], [sflag:$0x1], $0x280, $0x38;
	[tilespmem:$0x2E80] =	vst v63  }
0xc7: {  	_ =	swait.ge [sflag:s19], $0x280  }
0xc8: {  	[sflag:s19] =	ssyncset.done $0x0  }
0xc9: {  	[sflag:s19] =	ssyncadd.s32 $0xFFFFFD80  }
0xca: {  	[hbm4b:s16+s2] =	stream.linear.scatter [tilespmem:s1], [sflag:$0x1], $0x280, $0x38;
	[tilespmem:$0x2E80] =	vst v63  }
0xcb: {  	s20 =	sadd.s32 $0x1, s20;
	_ =	swait.ge [sflag:s19], $0x280  }
0xcc: {  	p0 =	sne.s32 s20, s18;
	[sflag:s19] =	ssyncset.done $0x0  }
.Ltmp3:
0xcd: {  	[sflag:s19] =	ssyncadd.s32 $0xFFFFFD80;
	(pc) =	sbr.rel @p0 .LBB2_1-.Ltmp3, $4  }
0xce: {  	[hbm4b:s17+s2] =	stream.linear.scatter [tilespmem:s0], [sflag:$0x1], $0x280, $0x38;
	[tilespmem:$0x2E80] =	vst v63  }
0xcf: {  	_ =	swait.ge [sflag:s19], $0x280  }
0xd0: {  	[sflag:s19] =	ssyncset.done $0x0  }
0xd1: {  	[sflag:s19] =	ssyncadd.s32 $0xFFFFFD80  }
0xd2: {  	_ =	sfence.sel $0x180000  }
0xd3: {  	[bflag:$0x0] =	sbarrier.arrive $0xFFFF  }
0xd4: {  	_ =	strace $0x90000047  }
0xd5: {  	s0 =	stileid.u32;
	[bflag:$0x2] =	sbarrier.arrive $0xFFFF  }
0xd6: {  	p0 =	sne.s32 s0, $0x0;
	s0 =	rddreg [dreg:$0x2]  }
0xd7: {  	s0 =	sadd.s32 @!p0 $0x100000, s0  }
0xd8: {  	[sflag:s0] =	ssyncadd.tile.s32 @!p0 $0x1;
	_ =	shalt  }
.Lfunc_end2:
_tile_overlayer_lowered:
.L_overlay_start_2:
0xd9: {  	(tag) =	ssettag $0x2  }
0xda: {  	s0 =	rddreg [dreg:$0x0];
	s2 =	stileid.u32  }
0xdb: {  	s1 =	rddreg [dreg:$0x1];
	p0 =	sne.s32 s2, $0x0  }
0xdc: {  	s3 =	rddreg [dreg:$0x2];
	[bflag:$0x3] =	sbarrier.arrive $0xFFFF;
	s2 =	simm.s32 @!p0 $0x1C01  }
0xdd: {  	[timem:s3], [sflag:s2] =	dma.local @!p0 [hbm:s0], s1  }
0xde: {  	s0 =	simm.s32 @!p0 $0x1  }
0xdf: {  	_ =	swait.ge @!p0 [sflag:s0], s1  }
0xe0: {  	s1 =	ssub.s32 @!p0 $0x0, s1;
	[sflag:s0] =	ssyncset.done @!p0 $0x0  }
0xe1: {  	[sflag:s0] =	ssyncadd.s32 @!p0 s1  }
0xe2: {  	[bflag:$0x3] =	sbarrier.arrive $0xFFFF  }
0xe3: {  	_ =	shalt  }

// kernel: kernel.7.cloned.1.call-start
scs
__scs_entry_jumppad:
0x0: {  	(pc) =	sbr.rel $0x88, $3  }
0x1: {  	(tag) =	ssettag $0x0;
	lr =	simm.s32 $0x1  }
0x2: {  	[smem:$0x3F9D] =	sst lr;
	_ =	strace $0xD0000000  }
0x3: {  	_ = 	snop  }
0x4: {  	_ = 	snop  }
0x5: {  	_ = 	snop  }
0x6: {  	_ = 	snop  }
0x7: {  	_ = 	snop  }
__scs_overlays_trampoline_lowered:
0x8: {  	[smem:$0x3FAC] =	sst s0  }
0x9: {  	[smem:$0x3FAD] =	sst s1  }
0xa: {  	[smem:$0x3FAE] =	sst s2  }
0xb: {  	[smem:$0x3FAF] =	sst s3  }
0xc: {  	[smem:$0x3FB0] =	sst s4  }
0xd: {  	[smem:$0x3FB1] =	sst s5  }
0xe: {  	[smem:$0x3FB2] =	sst s6  }
0xf: {  	[smem:$0x3FB3] =	sst s7  }
0x10: {  	[smem:$0x3FB4] =	sst s8  }
0x11: {  	[smem:$0x3FB5] =	sst s9;
	s0 =	simm.s32 @!p0 $0x0  }
0x12: {  	s1 =	sld [smem:$0x3F9B];
	s0 =	simm.s32 @p0 $0x1  }
0x13: {  	[smem:$0x3FB6] =	sst s0;
	s0 =	simm.s32 @!p1 $0x0  }
0x14: {  	s2 =	sld [smem:$0x3F9A];
	s0 =	simm.s32 @p1 $0x1  }
0x15: {  	[smem:$0x3FB7] =	sst s0;
	s0 =	simm.s32 @!p2 $0x0  }
0x16: {  	s3 =	sld [smem:$0x3FDB];
	s0 =	simm.s32 @p2 $0x1  }
0x17: {  	s4 =	simm.s32 $0x1BF5;
	[smem:$0x3FB9] =	sst s0  }
0x18: {  	s0 =	sld [smem:$0x3F9C];
	_ =	swait.ge [sflag:s4], $0x0  }
0x19: {  	s7 =	sld [smem:$0x3F9D]  }
0x1a: {  	s8 =	sadd.s32 $0xFFFFE003, lr  }
0x1b: {  	s9 =	sadd.s32 $0xFFFFFEF7, lr;
	s5 =	simm.s32 $0xFFFFFFFF;
	p2 =	slt.u32 s8, $0xFFFFF086  }
0x1c: {  	p1 =	slt.u32 s9, $0xF7A;
	s5 =	simm.s32 @!p2 $0x0  }
0x1d: {  	s5 =	simm.s32 @p1 $0x1;
	p0 =	seq.s32 s7, s2  }
0x1e: {  	s7 =	smul.u32 @!p0 $0xF7A, s2;
	p2 =	seq.s32 @!p0 s5, $0x0  }
0x1f: {  	s9 =	smul.u32 $0xF7A, s1;
	s8 =	simm.s32 @!p0 $0x1BF5;
	p2 =	por !p2, p0  }
0x20: {  	[sflag:s8] =	ssyncset.s32 @!p0 $0xFFFFF086;
	s6 =	sadd.s32 @!p0 s3, s7;
	s7 =	simm.s32 @!p0 $0x108  }
0x21: {  	s3 =	sadd.s32 s3, s9;
	s6 =	sadd.s32 @!p0 $0x88, s6;
	s7 =	simm.s32 @p2 $0x1082  }
0x22: {  	[simem:s7], [sflag:s8] =	dma.local @!p0 [hbm:s6], $0xF7A  }
0x23: {  	s9 =	sor.u32 $0xD0000000, s2;
	s6 =	simm.s32 $0x108;
	_ =	swait.ge @!p0 [sflag:s8], $0x0  }
0x24: {  	s3 =	sadd.s32 $0x88, s3;
	s6 =	simm.s32 @!p1 $0x1082;
	[sflag:s4] =	ssyncset.s32 $0xFFFFF086  }
0x25: {  	[simem:s6], [sflag:s4] =	dma.local [hbm:s3], $0xF7A  }
0x26: {  	[smem:$0x3F9D] =	sst s1;
	(tag) =	ssettag s2;
	_ =	strace s9  }
0x27: {  	s1 =	sld [smem:$0x3FAD]  }
0x28: {  	s2 =	sld [smem:$0x3FAE]  }
0x29: {  	s4 =	sld [smem:$0x3FB0]  }
0x2a: {  	p0 =	seq.s32 s5, $0x0;
	s5 =	sld [smem:$0x3FB1]  }
0x2b: {  	s6 =	sld [smem:$0x3FB2]  }
0x2c: {  	s7 =	sld [smem:$0x3FB3]  }
0x2d: {  	s3 =	simm.s32 $0x108;
	s8 =	sld [smem:$0x3FB4]  }
0x2e: {  	s3 =	simm.s32 @!p0 $0x1082;
	s9 =	sld [smem:$0x3FB5]  }
0x2f: {  	lr =	sadd.s32 s0, s3;
	s0 =	sld [smem:$0x3FAC]  }
0x30: {  	s3 =	sld [smem:$0x3FAF]  }
0x31: {  	[smem:$0x3FB8] =	sst s10  }
0x32: {  	s10 =	sld [smem:$0x3FB6];
	_ =	sdelay $0x3  }
0x33: {  	p0 =	seq.s32 s10, $0x1;
	s10 =	sld [smem:$0x3FB8];
	_ =	sdelay $0x3  }
0x34: {  	[smem:$0x3FB8] =	sst s10  }
0x35: {  	s10 =	sld [smem:$0x3FB7];
	_ =	sdelay $0x3  }
0x36: {  	p1 =	seq.s32 s10, $0x1;
	s10 =	sld [smem:$0x3FB8];
	_ =	sdelay $0x3  }
0x37: {  	[smem:$0x3FB8] =	sst s10  }
0x38: {  	s10 =	sld [smem:$0x3FB9]  }
0x39: {  	_ = 	snop;
	(pc) =	sbr.ind lr, $3  }
0x3a: {  	_ = 	snop  }
0x3b: {  	_ = 	snop  }
0x3c: {  	p2 =	seq.s32 s10, $0x1;
	s10 =	sld [smem:$0x3FB8]  }
0x3d: {  	_ =	shalt  }
0x3e: {  	_ =	shalt  }
0x3f: {  	_ =	shalt  }
0x40: {  	_ =	shalt  }
0x41: {  	_ =	shalt  }
0x42: {  	_ =	shalt  }
0x43: {  	_ =	shalt  }
0x44: {  	_ =	shalt  }
0x45: {  	_ =	shalt  }
0x46: {  	_ =	shalt  }
0x47: {  	_ =	shalt  }
0x48: {  	_ =	shalt  }
0x49: {  	_ =	shalt  }
0x4a: {  	_ =	shalt  }
0x4b: {  	_ =	shalt  }
0x4c: {  	_ =	shalt  }
0x4d: {  	_ =	shalt  }
0x4e: {  	_ =	shalt  }
0x4f: {  	_ =	shalt  }
0x50: {  	_ =	shalt  }
0x51: {  	_ =	shalt  }
0x52: {  	_ =	shalt  }
0x53: {  	_ =	shalt  }
0x54: {  	_ =	shalt  }
0x55: {  	_ =	shalt  }
0x56: {  	_ =	shalt  }
0x57: {  	_ =	shalt  }
0x58: {  	_ =	shalt  }
0x59: {  	_ =	shalt  }
0x5a: {  	_ =	shalt  }
0x5b: {  	_ =	shalt  }
0x5c: {  	_ =	shalt  }
0x5d: {  	_ =	shalt  }
0x5e: {  	_ =	shalt  }
0x5f: {  	_ =	shalt  }
0x60: {  	_ =	shalt  }
0x61: {  	_ =	shalt  }
0x62: {  	_ =	shalt  }
0x63: {  	_ =	shalt  }
0x64: {  	_ =	shalt  }
0x65: {  	_ =	shalt  }
0x66: {  	_ =	shalt  }
0x67: {  	_ =	shalt  }
0x68: {  	_ =	shalt  }
0x69: {  	_ =	shalt  }
0x6a: {  	_ =	shalt  }
0x6b: {  	_ =	shalt  }
0x6c: {  	_ =	shalt  }
0x6d: {  	_ =	shalt  }
0x6e: {  	_ =	shalt  }
0x6f: {  	_ =	shalt  }
0x70: {  	_ =	shalt  }
0x71: {  	_ =	shalt  }
0x72: {  	_ =	shalt  }
0x73: {  	_ =	shalt  }
0x74: {  	_ =	shalt  }
0x75: {  	_ =	shalt  }
0x76: {  	_ =	shalt  }
0x77: {  	_ =	shalt  }
0x78: {  	_ =	shalt  }
0x79: {  	_ =	shalt  }
0x7a: {  	_ =	shalt  }
0x7b: {  	_ =	shalt  }
0x7c: {  	_ =	shalt  }
0x7d: {  	_ =	shalt  }
0x7e: {  	_ =	shalt  }
0x7f: {  	_ =	shalt  }
0x80: {  	_ =	shalt  }
0x81: {  	_ =	shalt  }
0x82: {  	_ =	shalt  }
0x83: {  	_ =	shalt  }
0x84: {  	_ =	shalt  }
0x85: {  	_ =	shalt  }
0x86: {  	_ =	shalt  }
0x87: {  	_ =	shalt  }
.Lfunc_end0:
.L_simem_size_0:
called_computation.1_lowered:
.L_overlay_start_0:
0x88: {  	s2 =	sld [smem:$0x3FD9]  }
0x89: {  	s3 =	sld [smem:$0x3FFE];
	_ =	sdelay $0x1  }
0x8a: {  	s1 =	srdreg.scid  }
0x8b: {  	s0 =	sand.u32 $0x1, s1  }
0x8c: {  	s14 =	sshll.u32 s0, $0xA;
	s2 =	sadd.s32 s3, s2  }
0x8d: {  	s2 =	sadd.s32 s2, s14  }
0x8e: {  	[smem:$0x3FC4] =	sst s2  }
0x8f: {  	_ = 	snop  }
0x90: {  	s2 =	sld [smem:$0x3FD0];
	_ =	sdelay $0x2  }
0x91: {  	s15 =	simm.s32 $0xA;
	s4 =	simm.s32 $0x10  }
0x92: {  	[smem:s4], [sflag:s15] =	dma.local [hbm:s2], $0x1  }
0x93: {  	_ =	swait.eq [sflag:s15], $0x1  }
0x94: {  	s16 =	sld [smem:$0x11];
	[sflag:s15] =	ssyncset.done $0x0  }
0x95: {  	s17 =	sld [smem:$0x12];
	[sflag:s15] =	ssyncadd.s32 $0xFFFFFFFF  }
0x96: {  	s18 =	sld [smem:$0x13];
	(tm) =	ssettm $0x1  }
0x97: {  	s5 =	sld [smem:$0x3FFB];
	_ =	sdelay $0x3  }
0x98: {  	_ =	strace s5  }
0x99: {  	s5 =	sld [smem:$0x3FFC];
	_ =	sdelay $0x3  }
0x9a: {  	_ =	strace s5  }
0x9b: {  	s5 =	sld [smem:$0x3FFD];
	_ =	sdelay $0x3  }
0x9c: {  	_ =	strace s5  }
0x9d: {  	_ =	strace $0x8FFFFFFF  }
0x9e: {  	s19 =	sld [smem:$0x3FDB];
	_ =	sdelay $0x1  }
0x9f: {  	s6 =	simm.s32 $_scs_section_size  }
0xa0: {  	s7 =	simm.s32 $_size__tile_overlayer_lowered;
	s8 =	simm.s32 $_tile_overlayer_lowered  }
0xa1: {  	s22 =	simm.s32 $0x1BFF;
	s21 =	sshll.u32 s8, $0x1;
	s5 =	sadd.s32 s6, s19  }
0xa2: {  	s9 =	simm.s32 $0x0;
	s20 =	sshll.u32 s7, $0x1;
	s7 =	sadd.s32 s21, s5  }
0xa3: {  	[timem:s9], [sflag:s22] =	dma.local [hbm:s7], s20  }
0xa4: {  	_ =	swait.ge [sflag:s22], s20  }
0xa5: {  	s6 =	ssub.s32 $0x0, s20;
	[sflag:s22] =	ssyncset.done $0x0  }
0xa6: {  	[sflag:s22] =	ssyncadd.s32 s6;
	_ =	sdelay $0x1  }
0xa7: {  	s23 =	simm.s32 $0x1B8B  }
0xa8: {  	_ =	swait.ge [sflag:s23], $0x1  }
0xa9: {  	[sflag:s23] =	ssyncset.done $0x0  }
0xaa: {  	s25 =	simm.s32 $0x1B8E;
	s24 =	sld [smem:$0x3FFE];
	[sflag:s23] =	ssyncadd.s32 $0xFFFFFFFF  }
0xab: {  	s26 =	simm.s32 $execute0_lowered;
	[smem:$0x3FD2] =	sst s25  }
0xac: {  	s7 =	sshll.u32 s26, $0x1;
	_ =	strace $0x80000049;
	[dreg:$0x1] =	wrdreg $0xFFFFFFFF  }
0xad: {  	s28 =	simm.s32 $_size_execute0_lowered;
	s5 =	sadd.s32 s5, s7;
	[dreg:$0x0] =	wrdreg $0x0  }
0xae: {  	s7 =	sshll.u32 s28, $0x1;
	[dreg:$0x2] =	wrdreg s5  }
0xaf: {  	[dreg:$0x3] =	wrdreg s7  }
0xb0: {  	[dreg:$0x4] =	wrdreg $0xC0  }
0xb1: {  	_ =	task [dreg:s9], $0x5FFFF  }
0xb2: {  	[dreg:$0x1] =	wrdreg $0xFFFFFFFF  }
0xb3: {  	[dreg:$0x0] =	wrdreg $0x60  }
0xb4: {  	[dreg:$0x2] =	wrdreg s24  }
0xb5: {  	[dreg:$0x3] =	wrdreg s18  }
0xb6: {  	[dreg:$0x4] =	wrdreg s16  }
0xb7: {  	[dreg:$0x5] =	wrdreg s17  }
0xb8: {  	[dreg:$0x6] =	wrdreg $0x3B800  }
0xb9: {  	[dreg:$0x7] =	wrdreg $0x3E800  }
0xba: {  	[dreg:$0x8] =	wrdreg $0x3EC00  }
0xbb: {  	[dreg:$0x9] =	wrdreg $0x3EF80  }
0xbc: {  	[dreg:$0xa] =	wrdreg $0x3F300  }
0xbd: {  	[dreg:$0xb] =	wrdreg $0x3F680  }
0xbe: {  	[dreg:$0xc] =	wrdreg $0x3FA00  }
0xbf: {  	[dreg:$0xd] =	wrdreg $0x3FD80  }
0xc0: {  	[dreg:$0xe] =	wrdreg $0x9  }
0xc1: {  	_ =	task.clear_ibuf [dreg:s9], $0xFFFFF;
	_ =	strace $0x90000049  }
0xc2: {  	s29 =	simm.s32 $0x9;
	_ =	strace $0x8000004B  }
0xc3: {  	_ =	swait.ge [sflag:s29], $0x1  }
0xc4: {  	[sflag:s29] =	ssyncadd.s32 $0xFFFFFFFF  }
0xc5: {  	_ =	strace $0x9000004B  }
0xc6: {  	_ =	sfence  }
0xc7: {  	s30 =	sld [smem:$0x0];
	_ =	sdelay $0x2  }
0xc8: {  	s31 =	sshll.u32 s1, $0xD;
	s1 =	sshrl.u32 s1, $0x2  }
0xc9: {  	s3 =	sand.u32 $0x4000, s31;
	s1 =	sadd.s32 s1, s30  }
0xca: {  	s0 =	sor.u32 s3, s0;
	s1 =	sshll.u32 s1, $0x11  }
0xcb: {  	s0 =	sor.u32 s1, s0  }
0xcc: {  	s0 =	sadd.s32 $0x8F2B, s0  }
0xcd: {  	[sflag:s0] =	ssyncadd.remote.s32 $0x1  }
0xce: {  	_ =	sfence.sel $0xFFFF  }
0xcf: {  	[dreg:$0x0] =	wrdreg $0xFFFFFFFF;
	(pc) =	sbr.abs _section_cstart, $3  }
0xd0: {  	[dreg:$0x1] =	wrdreg $0xFFFFFFFF  }
0xd1: {  	_ =	task.clear_ibuf [dreg:s9], $0x2FFFF;
	_ =	strace $0x9FFFFFFF  }
0xd2: {  	(tm) =	ssettm $0x7FFFFFFF  }
0xd3: {  	_ =	shalt  }
tec
execute0_lowered:
.L_overlay_start_1:
0x0: {  	(tag) =	ssettag $0x1  }
0x1: {  	s0 =	rddreg [dreg:$0x0]  }
0x2: {  	s12 =	rddreg [dreg:$0x1]  }
0x3: {  	s13 =	rddreg [dreg:$0x2]  }
0x4: {  	s15 =	rddreg [dreg:$0x3]  }
0x5: {  	s17 =	rddreg [dreg:$0x4]  }
0x6: {  	s2 =	rddreg [dreg:$0x5]  }
0x7: {  	s18 =	rddreg [dreg:$0x6]  }
0x8: {  	s19 =	rddreg [dreg:$0x7]  }
0x9: {  	s20 =	rddreg [dreg:$0x8]  }
0xa: {  	s8 =	rddreg [dreg:$0x9]  }
0xb: {  	s9 =	rddreg [dreg:$0xa]  }
0xc: {  	s10 =	rddreg [dreg:$0xb]  }
0xd: {  	s1 =	stileid.u32;
	s3 =	srdreg.scid  }
0xe: {  	s11 =	simm.s32 $0x0;
	s21 =	simm.s32 $0x80;
	s28 =	simm.s32 $0x2F00  }
0xf: {  	s25 =	smul.u32 $0x500, s1;
	s3 =	sand.u32 $0x1, s3;
	[smem:$0x7FF] =	sst s11  }
0x10: {  	s30 =	sor.u32 $0x180, s1;
	s22 =	smul.u32 $0x600, s1;
	p3 =	seq.s32 s1, $0x0  }
0x11: {  	s29 =	sshll.u32 s1, $0x5;
	p5 =	sgt.u32 s1, $0x8;
	s31 =	sshll.u32 s1, $0x4  }
0x12: {  	s4 =	ssub.s32 $0x2, s3;
	_ =	strace $0x8000004A;
	p0 =	seq.s32 s3, $0x0  }
0x13: {  	s14 =	smul.u32 $0x1800, s3;
	s24 =	sshll.u32 s3, $0x9;
	s26 =	sor.u32 s1, s3  }
0x14: {  	p2 =	sne.s32 s3, $0x0;
	s5 =	sshrl.u32 s25, $0x3;
	s2 =	sadd.s32 s24, s2  }
0x15: {  	s6 =	sshrl.u32 s4, $0x1;
	s24 =	sadd.s32 $0x1C0, s10;
	[dreg:$0x12] =	wrdreg s2  }
0x16: {  	p1 =	sne.s32 s26, $0x0;
	s26 =	sadd.s32 $0x10, s12;
	[dreg:$0x1f] =	wrdreg s24  }
0x17: {  	s21 =	simm.s32 @!p0 $0x180;
	s23 =	sshrl.u32 s22, $0x2;
	[smem:$0x7FB] =	sst s26  }
0x18: {  	s22 =	smul.u32 $0x190, s3;
	s7 =	sadd.s32 s14, s17;
	[dreg:$0xd] =	wrdreg s21  }
0x19: {  	s0 =	sadd.s32 s5, s0;
	s5 =	sadd.s32 $0x1000, s14;
	[dreg:$0x10] =	wrdreg s7  }
0x1a: {  	p0 =	seq.s32 s3, $0x1;
	s3 =	smul.u32 $0x1C0, s3;
	[dreg:$0x17] =	wrdreg s5  }
0x1b: {  	s4 =	ssub.s32 s4, s6;
	s16 =	sadd.s32 $0x5400, s0;
	[dreg:$0x13] =	wrdreg s22  }
0x1c: {  	p3 =	por !p3, !p0;
	s18 =	sadd.s32 s22, s18;
	[dreg:$0xe] =	wrdreg s16  }
0x1d: {  	s26 =	simm.s32 $0x2;
	s19 =	sadd.s32 s22, s19;
	[dreg:$0x1a] =	wrdreg s18  }
0x1e: {  	s6 =	sadd.s32 s30, s22;
	s20 =	sadd.s32 s22, s20;
	[dreg:$0x1b] =	wrdreg s19  }
0x1f: {  	p4 =	por !p3, !p3;
	s22 =	sadd.s32 $0x1C0, s8;
	[dreg:$0x1c] =	wrdreg s20  }
0x20: {  	s16 =	sadd.s32 $0x6800, s0;
	s0 =	sadd.s32 $0x5E00, s0;
	[dreg:$0x1d] =	wrdreg s22  }
0x21: {  	p3 =	sne.s32 s1, $0x0;
	[dreg:$0xf] =	wrdreg s0;
	s0 =	sadd.s32 s23, s7  }
0x22: {  	s7 =	sadd.s32 s30, s3;
	s30 =	smax.u32 s4, $0x1;
	[dreg:$0x11] =	wrdreg s0  }
0x23: {  	s19 =	simm.s32 $0x1;
	s23 =	sadd.s32 $0x1C0, s9;
	[dreg:$0x15] =	wrdreg s30  }
0x24: {  	s4 =	simm.s32 @!p5 $0x0;
	s0 =	sadd.s32 s29, s2;
	[dreg:$0x1e] =	wrdreg s23  }
0x25: {  	v0 =	vmov s6;
	s6 =	simm.s32 $0x2D00;
	s4 =	simm.s32 @p5 $0x1;
	[dreg:$0x14] =	wrdreg s0  }
0x26: {  	v2 =	vlaneseq.u32;
	v8 =	vimm.s32 $0x0;
	v11 =	vimm.s32 $0x1;
	s2 =	sadd.s32 $0x800, s14;
	s29 =	sadd.s32 $0x10, s13;
	[smem:$0x7FA] =	sst s4  }
.Ltmp0:
0x27: {  	v13 =	vimm.s32 $0x7FFFFFFF;
	v14 =	vimm.s32 $0x80000000;
	v16 =	vmov s1;
	s30 =	sadd.s32 $0x10, s15;
	[dreg:$0x16] =	wrdreg s2;
	(pc) =	sbr.rel .LBB2_1-.Ltmp0, $4  }
0x28: {  	v12 =	vmul.u32 $0xFFFFFFFF, v2;
	v10 =	vmul.u32 $0x21, v2;
	v1 =	vmov s7;
	s7 =	simm.s32 $0x10;
	s15 =	simm.s32 $0x3680;
	[smem:$0x7FC] =	sst s29  }
0x29: {  	v9 =	vadd.s32 $0x80000001, v2;
	v5 =	vor.u32 s31, v2;
	vm0 =	veq.s32 v16, v2;
	s0 =	sadd.s32 s2, s17;
	s17 =	sadd.s32 s5, s17;
	[smem:$0x7FD] =	sst s30  }
0x2a: {  	v12 =	vadd.s32 $0xF, v12;
	v15 =	vadd.s32 $0x10, v10;
	v4 =	vmov s21;
	s5 =	simm.s32 $0x3100;
	[dreg:$0x18] =	wrdreg s0;
	s0 =	sor.u32 $0x100, s31  }
0x2b: {  	v3 =	vmov s3;
	v6 =	vadd.s32 $0xFFFFFFFF, v4;
	s2 =	simm.s32 $0x190;
	[dreg:$0x19] =	wrdreg s17;
	s17 =	simm.s32 $0xF00;
	v7 =	vor.u32 s0, v2  }
.LBB2_43:
0x2c: {  	[bflag:$0x0] =	sbarrier.arrive $0xFFFF;
	s1 =	simm.s32 @!p1 $0x2700  }
0x2d: {  	[tilespmem:s1], [sflag:$0x1] =	stream.linear.gather @!p1 [spmem:s8], $0x80, $0x38;
	[tilespmem:$0x4010] =	vst v63  }
0x2e: {  	s3 =	simm.s32 @!p1 $0x2900  }
0x2f: {  	[tilespmem:s3], [sflag:$0x1] =	stream.linear.gather @!p1 [spmem:s9], $0x80, $0x38;
	[tilespmem:$0x4010] =	vst v63  }
0x30: {  	s4 =	simm.s32 @!p1 $0x2B00;
	s12 =	simm.s32 @!p1 $0x1  }
0x31: {  	[tilespmem:s4], [sflag:$0x1] =	stream.linear.gather @!p1 [spmem:s10], $0x80, $0x38;
	[tilespmem:$0x4010] =	vst v63  }
0x32: {  	_ =	swait.ge @!p1 [sflag:s12], $0x80  }
0x33: {  	[sflag:s12] =	ssyncset.done @!p1 $0x0  }
0x34: {  	[sflag:s12] =	ssyncadd.s32 @!p1 $0xFFFFFF80  }
0x35: {  	_ =	swait.ge @!p1 [sflag:s12], $0x80  }
0x36: {  	[sflag:s12] =	ssyncset.done @!p1 $0x0  }
0x37: {  	[sflag:s12] =	ssyncadd.s32 @!p1 $0xFFFFFF80  }
0x38: {  	_ =	swait.ge @!p1 [sflag:s12], $0x80  }
0x39: {  	[sflag:s12] =	ssyncset.done @!p1 $0x0  }
0x3a: {  	[sflag:s12] =	ssyncadd.s32 @!p1 $0xFFFFFF80  }
0x3b: {  	s13 =	simm.s32 @!p1 $0x0;
	s18 =	rddreg [dreg:$0x1]  }
0x3c: {  	[hbm4b:s18+s13] =	stream.linear.scatter @!p1 [tilespmem:s1], [sflag:$0x1], $0x80, $0x38;
	[tilespmem:$0x4010] =	vst v63  }
0x3d: {  	s1 =	rddreg [dreg:$0x2]  }
0x3e: {  	[hbm4b:s1+s13] =	stream.linear.scatter @!p1 [tilespmem:s3], [sflag:$0x1], $0x80, $0x38;
	[tilespmem:$0x4010] =	vst v63  }
0x3f: {  	s1 =	rddreg [dreg:$0x3]  }
0x40: {  	[hbm4b:s1+s13] =	stream.linear.scatter @!p1 [tilespmem:s4], [sflag:$0x1], $0x80, $0x38;
	[tilespmem:$0x4010] =	vst v63  }
0x41: {  	_ =	swait.ge @!p1 [sflag:s12], $0x80  }
0x42: {  	[sflag:s12] =	ssyncset.done @!p1 $0x0  }
0x43: {  	[sflag:s12] =	ssyncadd.s32 @!p1 $0xFFFFFF80  }
0x44: {  	_ =	swait.ge @!p1 [sflag:s12], $0x80  }
0x45: {  	[sflag:s12] =	ssyncset.done @!p1 $0x0  }
0x46: {  	[sflag:s12] =	ssyncadd.s32 @!p1 $0xFFFFFF80  }
0x47: {  	_ =	swait.ge @!p1 [sflag:s12], $0x80  }
0x48: {  	[sflag:s12] =	ssyncset.done @!p1 $0x0  }
0x49: {  	s1 =	simm.s32 @p4 $0x2700;
	s3 =	rddreg [dreg:$0x1d];
	[sflag:s12] =	ssyncadd.s32 @!p1 $0xFFFFFF80  }
0x4a: {  	[tilespmem:s1], [sflag:$0x1] =	stream.linear.gather @p4 [spmem:s3], $0x180, $0x38;
	[tilespmem:$0x4010] =	vst v63  }
0x4b: {  	s4 =	rddreg [dreg:$0x1e];
	s3 =	simm.s32 @p4 $0x2900  }
0x4c: {  	[tilespmem:s3], [sflag:$0x1] =	stream.linear.gather @p4 [spmem:s4], $0x180, $0x38;
	[tilespmem:$0x4010] =	vst v63  }
0x4d: {  	s12 =	rddreg [dreg:$0x1f];
	s4 =	simm.s32 @p4 $0x2B00  }
0x4e: {  	[tilespmem:s4], [sflag:$0x1] =	stream.linear.gather @p4 [spmem:s12], $0x180, $0x38;
	[tilespmem:$0x4010] =	vst v63  }
0x4f: {  	s12 =	simm.s32 @p4 $0x1  }
0x50: {  	_ =	swait.ge @p4 [sflag:s12], $0x180  }
0x51: {  	[sflag:s12] =	ssyncset.done @p4 $0x0  }
0x52: {  	[sflag:s12] =	ssyncadd.s32 @p4 $0xFFFFFE80  }
0x53: {  	_ =	swait.ge @p4 [sflag:s12], $0x180  }
0x54: {  	[sflag:s12] =	ssyncset.done @p4 $0x0  }
0x55: {  	[sflag:s12] =	ssyncadd.s32 @p4 $0xFFFFFE80  }
0x56: {  	_ =	swait.ge @p4 [sflag:s12], $0x180  }
0x57: {  	s18 =	sld [smem:$0x7FB]  }
0x58: {  	[sflag:s12] =	ssyncset.done @p4 $0x0  }
0x59: {  	s13 =	simm.s32 @p4 $0x0;
	[sflag:s12] =	ssyncadd.s32 @p4 $0xFFFFFE80  }
0x5a: {  	[hbm4b:s18+s13] =	stream.linear.scatter @p4 [tilespmem:s1], [sflag:$0x1], $0x180, $0x38;
	[tilespmem:$0x4010] =	vst v63  }
0x5b: {  	s1 =	sld [smem:$0x7FC];
	_ =	sdelay $0x2  }
0x5c: {  	[hbm4b:s1+s13] =	stream.linear.scatter @p4 [tilespmem:s3], [sflag:$0x1], $0x180, $0x38;
	[tilespmem:$0x4010] =	vst v63  }
0x5d: {  	s1 =	sld [smem:$0x7FD];
	_ =	sdelay $0x2  }
0x5e: {  	[hbm4b:s1+s13] =	stream.linear.scatter @p4 [tilespmem:s4], [sflag:$0x1], $0x180, $0x38;
	[tilespmem:$0x4010] =	vst v63  }
0x5f: {  	_ =	swait.ge @p4 [sflag:s12], $0x180  }
0x60: {  	[sflag:s12] =	ssyncset.done @p4 $0x0  }
0x61: {  	[sflag:s12] =	ssyncadd.s32 @p4 $0xFFFFFE80  }
0x62: {  	_ =	swait.ge @p4 [sflag:s12], $0x180  }
0x63: {  	[sflag:s12] =	ssyncset.done @p4 $0x0  }
0x64: {  	[sflag:s12] =	ssyncadd.s32 @p4 $0xFFFFFE80  }
0x65: {  	_ =	swait.ge @p4 [sflag:s12], $0x180  }
0x66: {  	s11 =	sadd.s32 $0x1, s11;
	s30 =	rddreg [dreg:$0x15]  }
0x67: {  	p5 =	sne.s32 s11, s30  }
.Ltmp1:
0x68: {  	_ = 	snop;
	(pc) =	sbr.rel @!p5 .LBB2_44-.Ltmp1, $3  }
0x69: {  	_ =	sdelay $0x1  }
0x6a: {  	[sflag:s12] =	ssyncset.done @p4 $0x0  }
0x6b: {  	[sflag:s12] =	ssyncadd.s32 @p4 $0xFFFFFE80  }
.LBB2_1:
0x6c: {  	s3 =	simm.s32 @!p2 $0x0;
	s1 =	rddreg [dreg:$0xe]  }
0x6d: {  	[tilespmem:s3], [sflag:$0x1] =	stream.linear.gather @!p2 [hbm4b:s1+s3], $0x500, $0x38;
	[tilespmem:$0x4010] =	vst v63  }
0x6e: {  	s12 =	simm.s32 @!p2 $0xA00  }
0x6f: {  	[tilespmem:s12], [sflag:$0x1] =	stream.linear.gather @!p2 [hbm4b:s16+s3], $0x500, $0x38;
	[tilespmem:$0x4010] =	vst v63  }
0x70: {  	s3 =	simm.s32 @!p2 $0x1  }
0x71: {  	_ =	swait.ge @!p2 [sflag:s3], $0x500  }
0x72: {  	[sflag:s3] =	ssyncset.done @!p2 $0x0  }
0x73: {  	[sflag:s3] =	ssyncadd.s32 @!p2 $0xFFFFFB00  }
0x74: {  	_ =	swait.ge @!p2 [sflag:s3], $0x500  }
0x75: {  	[sflag:s3] =	ssyncset.done @!p2 $0x0  }
0x76: {  	s1 =	rddreg [dreg:$0xf];
	[sflag:s3] =	ssyncadd.s32 @!p2 $0xFFFFFB00;
	s3 =	simm.s32 @p0 $0x0  }
0x77: {  	[tilespmem:s3], [sflag:$0x1] =	stream.linear.gather @p0 [hbm4b:s1+s3], $0x500, $0x38;
	[tilespmem:$0x4010] =	vst v63  }
0x78: {  	s12 =	simm.s32 @p0 $0xA00  }
0x79: {  	[tilespmem:s12], [sflag:$0x1] =	stream.linear.gather @p0 [hbm4b:s16+s3], $0x500, $0x38;
	[tilespmem:$0x4010] =	vst v63  }
0x7a: {  	s3 =	simm.s32 @p0 $0x1  }
0x7b: {  	_ =	swait.ge @p0 [sflag:s3], $0x500  }
0x7c: {  	[sflag:s3] =	ssyncset.done @p0 $0x0  }
0x7d: {  	[sflag:s3] =	ssyncadd.s32 @p0 $0xFFFFFB00  }
0x7e: {  	_ =	swait.ge @p0 [sflag:s3], $0x500  }
0x7f: {  	[sflag:s3] =	ssyncset.done @p0 $0x0  }
0x80: {  	s12 =	simm.s32 $0x0;
	[sflag:s3] =	ssyncadd.s32 @p0 $0xFFFFFB00;
	s3 =	simm.s32 $0x40  }
.LBB2_2:
0x81: {  	p5 =	sne.s32 s3, $0x1FC0;
	[tilespmem:s12+$0xF00] =	vst v8;
	s12 =	smov.u32 s3;
	s3 =	sadd.s32 $0x40, s3  }
.Ltmp2:
0x82: {  	(pc) =	sbr.rel @p5 .LBB2_2-.Ltmp2, $2  }
0x83: {  	_ =	sdelay $0x2  }
0x84: {  	s12 =	sshra.s32 s12, $0x2  }
0x85: {  	[tilespmem:s12+$0xF00] =	vst v8;
	s1 =	rddreg [dreg:$0x11];
	s3 =	simm.s32 $0x0  }
0x86: {  	[spmem:s1] =	stream.linear.scatter [tilespmem:s17], [sflag:$0x1], $0x180, $0x38;
	[tilespmem:$0x4010] =	vst v63  }
0x87: {  	s12 =	simm.s32 $0x40;
	v16 =	vld [tilespmem:s3+$0x0]  }
.LBB2_4:
0x88: {  	_ =	sdelay $0x1  }
0x89: {  	p5 =	sne.s32 s12, $0x13C0  }
.Ltmp3:
0x8a: {  	_ = 	snop;
	(pc) =	sbr.rel @p5 .LBB2_4-.Ltmp3, $4  }
0x8b: {  	v17 =	vshra.s32 v16, $0x1F  }
0x8c: {  	v18 =	vmov v16;
	v17 =	vor.u32 $0x80000000, v17  }
0x8d: {  	s13 =	sshra.s32 s12, $0x2;
	v17 =	vxor.u32 v18, v17  }
0x8e: {  	s12 =	sadd.s32 $0x40, s12;
	v16 =	vld [tilespmem:s13+$0x0];
	[tilespmem:s3+$0x500] =	vst v17;
	s3 =	smov.u32 s13  }
0x8f: {  	_ =	sdelay $0x3  }
0x90: {  	v17 =	vshra.s32 v16, $0x1F  }
0x91: {  	v17 =	vor.u32 $0x80000000, v17  }
0x92: {  	v16 =	vxor.u32 v16, v17  }
0x93: {  	[tilespmem:s3+$0x500] =	vst v16  }
0x94: {  	_ =	swait.ge [sflag:s19], $0x180  }
0x95: {  	[sflag:s19] =	ssyncset.done $0x0  }
0x96: {  	s13 =	simm.s32 $0x0;
	[sflag:s19] =	ssyncadd.s32 $0xFFFFFE80  }
0x97: {  	s12 =	smov.u32 s14;
	s3 =	simm.s32 $0x40;
	v16 =	vor.u32 s14, v2;
	[bflag:$0x0] =	sbarrier.arrive $0xFFFF  }
.LBB2_6:
0x98: {  	p5 =	sne.s32 s3, $0x1FC0  }
0x99: {  	[tilespmem:s13+$0x1700] =	vst v16;
	s12 =	sadd.s32 $0x10, s12;
	s13 =	smov.u32 s3;
	s3 =	sadd.s32 $0x40, s3  }
.Ltmp4:
0x9a: {  	(pc) =	sbr.rel @p5 .LBB2_6-.Ltmp4, $2  }
0x9b: {  	_ =	sdelay $0x2  }
0x9c: {  	v16 =	vor.u32 s12, v2;
	s13 =	sshra.s32 s13, $0x2  }
0x9d: {  	[tilespmem:s13+$0x1700] =	vst v16;
	s12 =	simm.s32 $0x0;
	s3 =	simm.s32 $0x40  }
.LBB2_8:
0x9e: {  	p5 =	sne.s32 s3, $0x13C0;
	v16 =	vld [tilespmem:s12+$0x500];
	_ =	sdelay $0x4  }
0x9f: {  	v16 =	vshrl.u32 v16, $0x15  }
.Ltmp5:
0xa0: {  	(pc) =	sbr.rel @p5 .LBB2_8-.Ltmp5, $2  }
0xa1: {  	_ =	sdelay $0x2  }
0xa2: {  	s12 =	sshra.s32 s3, $0x2;
	s3 =	sadd.s32 $0x40, s3;
	[tilespmem:v16+s17+$0x0] =	vst.idx.add.s32.msk $0xffff, v11  }
0xa3: {  	v16 =	vld [tilespmem:s12+$0x500];
	_ =	sdelay $0x4  }
0xa4: {  	v16 =	vshrl.u32 v16, $0x15;
	_ =	sdelay $0x4  }
0xa5: {  	s1 =	rddreg [dreg:$0x4];
	s3 =	simm.s32 $0x800;
	s4 =	simm.s32 $0x1700;
	[tilespmem:v16+s17+$0x0] =	vst.idx.add.s32.msk $0xffff, v11  }
0xa6: {  	[spmem:s1] =	stream.indirect.scatter.add.s32 [tilespmem:s17], [sflag:$0x2], $0x1, s4, s3, $0xb8;
	[tilespmem:$0x4010] =	vst v63  }
0xa7: {  	_ =	swait.ge [sflag:s26], $0x800  }
0xa8: {  	[sflag:s26] =	ssyncset.done $0x0  }
0xa9: {  	[sflag:s26] =	ssyncadd.s32 $0xFFFFF800  }
0xaa: {  	[bflag:$0x0] =	sbarrier.arrive $0xFFFF  }
0xab: {  	s30 =	rddreg [dreg:$0x10]  }
0xac: {  	[tilespmem:s17], [sflag:$0x2] =	stream.linear.gather [spmem:s30], $0x800, $0x38;
	[tilespmem:$0x4010] =	vst v63  }
0xad: {  	s12 =	simm.s32 $0x0;
	s13 =	simm.s32 $0x16F0;
	_ =	swait.ge [sflag:s26], $0x800  }
0xae: {  	s18 =	simm.s32 $0x0;
	s20 =	simm.s32 $0x0;
	[sflag:s26] =	ssyncset.done $0x0  }
0xaf: {  	s21 =	simm.s32 $0x0;
	s3 =	simm.s32 $0x800007EF;
	[sflag:s26] =	ssyncadd.s32 $0xFFFFF800  }
.LBB2_10:
0xb0: {  	v16 =	vld [tilespmem:s13+$0x0];
	_ =	sdelay $0x4  }
0xb1: {  	v17 =	vperm.xlane v16, v12;
	_ =	sdelay $0x1  }
0xb2: {  	(xrf0) =	vadd.scan.msk.s32 $0xffff, v17;
	_ =	sdelay $0x5  }
0xb3: {  	v17, _, _ =	vpop (xrf0)  }
0xb4: {  	v17 =	vperm.xlane v17, v12;
	_ =	sdelay $0x1  }
0xb5: {  	v17 =	vadd.s32 s20, v17  }
0xb6: {  	vm1 =	vlt.s32 v17, v4  }
0xb7: {  	v17 =	vsel vm1, $0x80000000, v9  }
0xb8: {  	(xrf0) =	vmax.scan.msk.u32 $0xffff, v17;
	_ =	sdelay $0x5  }
0xb9: {  	v17, _, _ =	vpop (xrf0)  }
0xba: {  	(v2sf) =	vpush v17, $0xF;
	_ =	sdelay $0xe  }
0xbb: {  	s22 =	spop (v2sf)  }
0xbc: {  	s24 =	sadd.s32 $0x7FFFFFFF, s22  }
0xbd: {  	v17 =	vmov s24  }
0xbe: {  	vm1 =	vlt.s32 v17, v2  }
0xbf: {  	v17 =	vnsel vm1, $0x0, v16  }
0xc0: {  	(xrf0) =	vadd.scan.msk.s32 $0xffff, v17;
	_ =	sdelay $0x5  }
0xc1: {  	(xrf0) =	vadd.scan.msk.s32 $0xffff, v16;
	v16, _, _ =	vpop (xrf0)  }
0xc2: {  	(v2sf) =	vpush v16, $0xF;
	_ =	sdelay $0x5  }
0xc3: {  	v16, _, _ =	vpop (xrf0)  }
0xc4: {  	(v2sf) =	vpush v16, $0xF;
	_ =	sdelay $0x6  }
0xc5: {  	s29 =	smov.u32 s12;
	s30 =	smov.u32 s18  }
0xc6: {  	p5 =	sgt.u32 s21, $0x7E;
	s23 =	sxor.u32 $0x80000000, s22;
	s4 =	spop (v2sf)  }
0xc7: {  	s18 =	sadd.s32 s3, s22;
	p6 =	slt.s32 s23, $0x1;
	s12 =	sadd.s32 s20, s4  }
0xc8: {  	s18 =	smov.u32 @p6 s30;
	s12 =	smov.u32 @p6 s29;
	p6 =	slt.s32 @!p5 s23, $0x1  }
0xc9: {  	p6 =	por p5, !p6  }
.Ltmp6:
0xca: {  	_ = 	snop;
	(pc) =	sbr.rel @!p6 .LBB2_10-.Ltmp6, $3  }
0xcb: {  	_ =	sdelay $0x1  }
0xcc: {  	s21 =	sadd.s32 $0x1, s21;
	s30 =	spop (v2sf)  }
0xcd: {  	s13 =	sadd.s32 $0xFFFFFFF0, s13;
	s3 =	sadd.s32 $0xFFFFFFF0, s3;
	s20 =	sadd.s32 s20, s30  }
0xce: {  	s20 =	simm.s32 $0x0  }
0xcf: {  	s3 =	rddreg [dreg:$0x16];
	s20 =	simm.s32 @p5 $0x0  }
0xd0: {  	s3 =	smov.u32 @p5 s3;
	p5 =	sne.s32 s20, $0x1FC0  }
.Ltmp7:
0xd1: {  	_ = 	snop;
	(pc) =	sbr.rel @!p5 .LBB2_13-.Ltmp7, $2  }
0xd2: {  	_ =	sdelay $0x2  }
0xd3: {  	s13 =	sadd.s32 $0x40, s20;
	v16 =	vor.u32 s3, v2;
	s20 =	sshra.s32 s20, $0x2  }
.LBB2_12:
0xd4: {  	p5 =	sne.s32 s13, $0x1FC0  }
0xd5: {  	[tilespmem:s20+$0x1700] =	vst v16;
	s3 =	sadd.s32 $0x10, s3;
	s21 =	smov.u32 s13;
	s13 =	sadd.s32 $0x40, s13  }
.Ltmp8:
0xd6: {  	[tilespmem:s20+$0xF00] =	vst v8;
	(pc) =	sbr.rel @p5 .LBB2_12-.Ltmp8, $2  }
0xd7: {  	_ =	sdelay $0x2  }
0xd8: {  	v16 =	vor.u32 s3, v2;
	s20 =	sshra.s32 s21, $0x2  }
.LBB2_13:
0xd9: {  	[tilespmem:s20+$0x1700] =	vst v16;
	s3 =	sand.u32 $0x7FF, s18  }
0xda: {  	[tilespmem:s20+$0xF00] =	vst v8;
	s13 =	simm.s32 $0x0;
	v16 =	vmov s3;
	s3 =	simm.s32 $0x40  }
.LBB2_14:
0xdb: {  	p5 =	sne.s32 s3, $0x13C0;
	v17 =	vld [tilespmem:s13+$0x500];
	_ =	sdelay $0x4  }
0xdc: {  	v18 =	vshrl.u32 v17, $0xA  }
0xdd: {  	v18 =	vand.u32 $0x7FF, v18  }
.Ltmp9:
0xde: {  	(pc) =	sbr.rel @p5 .LBB2_14-.Ltmp9, $4  }
0xdf: {  	v17 =	vshrl.u32 v17, $0x15  }
0xe0: {  	vm1 =	veq.s32 v17, v16  }
0xe1: {  	v17 =	vsel vm1, $0x1, v8  }
0xe2: {  	s13 =	sshra.s32 s3, $0x2;
	s3 =	sadd.s32 $0x40, s3;
	[tilespmem:v18+s17+$0x0] =	vst.idx.add.s32.msk $0xffff, v17  }
0xe3: {  	v17 =	vld [tilespmem:s13+$0x500];
	_ =	sdelay $0x4  }
0xe4: {  	v18 =	vshrl.u32 v17, $0xA  }
0xe5: {  	v18 =	vand.u32 $0x7FF, v18;
	_ =	sdelay $0x1  }
0xe6: {  	v17 =	vshrl.u32 v17, $0x15  }
0xe7: {  	vm1 =	veq.s32 v17, v16  }
0xe8: {  	v16 =	vsel vm1, $0x1, v8  }
0xe9: {  	s1 =	rddreg [dreg:$0x4];
	s3 =	simm.s32 $0x800;
	s4 =	simm.s32 $0x1700;
	[tilespmem:v18+s17+$0x0] =	vst.idx.add.s32.msk $0xffff, v16  }
0xea: {  	[spmem:s1] =	stream.indirect.scatter.add.s32 [tilespmem:s17], [sflag:$0x2], $0x1, s4, s3, $0xb8;
	[tilespmem:$0x4010] =	vst v63  }
0xeb: {  	_ =	swait.ge [sflag:s26], $0x800  }
0xec: {  	[sflag:s26] =	ssyncset.done $0x0  }
0xed: {  	[sflag:s26] =	ssyncadd.s32 $0xFFFFF800  }
0xee: {  	[bflag:$0x0] =	sbarrier.arrive $0xFFFF  }
0xef: {  	s29 =	rddreg [dreg:$0x18]  }
0xf0: {  	[tilespmem:s17], [sflag:$0x2] =	stream.linear.gather [spmem:s29], $0x800, $0x38;
	[tilespmem:$0x4010] =	vst v63  }
0xf1: {  	s13 =	simm.s32 $0x0;
	_ =	swait.ge [sflag:s26], $0x800  }
0xf2: {  	s21 =	simm.s32 $0x16F0;
	s20 =	simm.s32 $0x0;
	s30 =	rddreg [dreg:$0xd]  }
0xf3: {  	s24 =	simm.s32 $0x0;
	[sflag:s26] =	ssyncset.done $0x0;
	s12 =	ssub.s32 s30, s12  }
0xf4: {  	s22 =	simm.s32 $0x0;
	s3 =	simm.s32 $0x800007EF;
	[sflag:s26] =	ssyncadd.s32 $0xFFFFF800;
	v16 =	vmov s12  }
.LBB2_16:
0xf5: {  	v17 =	vld [tilespmem:s21+$0x0];
	_ =	sdelay $0x4  }
0xf6: {  	v18 =	vperm.xlane v17, v12;
	_ =	sdelay $0x1  }
0xf7: {  	(xrf0) =	vadd.scan.msk.s32 $0xffff, v18;
	_ =	sdelay $0x5  }
0xf8: {  	v18, _, _ =	vpop (xrf0)  }
0xf9: {  	v18 =	vperm.xlane v18, v12;
	_ =	sdelay $0x1  }
0xfa: {  	v18 =	vadd.s32 s24, v18  }
0xfb: {  	vm1 =	vlt.s32 v18, v16  }
0xfc: {  	v18 =	vsel vm1, $0x80000000, v9  }
0xfd: {  	(xrf0) =	vmax.scan.msk.u32 $0xffff, v18;
	_ =	sdelay $0x5  }
0xfe: {  	v18, _, _ =	vpop (xrf0)  }
0xff: {  	(v2sf) =	vpush v18, $0xF;
	_ =	sdelay $0xe  }
0x100: {  	s23 =	spop (v2sf)  }
0x101: {  	s29 =	sadd.s32 $0x7FFFFFFF, s23  }
0x102: {  	v18 =	vmov s29  }
0x103: {  	vm1 =	vlt.s32 v18, v2  }
0x104: {  	v18 =	vnsel vm1, $0x0, v17  }
0x105: {  	(xrf0) =	vadd.scan.msk.s32 $0xffff, v18;
	_ =	sdelay $0x5  }
0x106: {  	(xrf0) =	vadd.scan.msk.s32 $0xffff, v17;
	v17, _, _ =	vpop (xrf0)  }
0x107: {  	(v2sf) =	vpush v17, $0xF;
	_ =	sdelay $0x5  }
0x108: {  	v17, _, _ =	vpop (xrf0)  }
0x109: {  	(v2sf) =	vpush v17, $0xF;
	_ =	sdelay $0x6  }
0x10a: {  	s30 =	smov.u32 s13;
	s1 =	smov.u32 s20  }
0x10b: {  	p5 =	sgt.u32 s22, $0x7E;
	s4 =	sxor.u32 $0x80000000, s23;
	s29 =	spop (v2sf)  }
0x10c: {  	s20 =	sadd.s32 s3, s23;
	p6 =	slt.s32 s4, $0x1;
	s13 =	sadd.s32 s24, s29  }
0x10d: {  	s20 =	smov.u32 @p6 s1;
	s13 =	smov.u32 @p6 s30;
	p6 =	slt.s32 @!p5 s4, $0x1  }
0x10e: {  	p6 =	por p5, !p6  }
.Ltmp10:
0x10f: {  	_ = 	snop;
	(pc) =	sbr.rel @!p6 .LBB2_16-.Ltmp10, $3  }
0x110: {  	_ =	sdelay $0x1  }
0x111: {  	s22 =	sadd.s32 $0x1, s22;
	s30 =	spop (v2sf)  }
0x112: {  	s21 =	sadd.s32 $0xFFFFFFF0, s21;
	s3 =	sadd.s32 $0xFFFFFFF0, s3;
	s24 =	sadd.s32 s24, s30  }
0x113: {  	s1 =	simm.s32 $0x0  }
0x114: {  	s3 =	rddreg [dreg:$0x17];
	s1 =	simm.s32 @p5 $0x0  }
0x115: {  	s3 =	smov.u32 @p5 s3;
	p5 =	sne.s32 s1, $0x1FC0  }
.Ltmp11:
0x116: {  	_ = 	snop;
	(pc) =	sbr.rel @!p5 .LBB2_19-.Ltmp11, $2  }
0x117: {  	_ =	sdelay $0x2  }
0x118: {  	s21 =	sadd.s32 $0x40, s1;
	v16 =	vor.u32 s3, v2;
	s22 =	sshra.s32 s1, $0x2  }
.LBB2_18:
0x119: {  	p5 =	sne.s32 s21, $0x1FC0  }
0x11a: {  	[tilespmem:s22+$0x1700] =	vst v16;
	s3 =	sadd.s32 $0x10, s3;
	s1 =	smov.u32 s21;
	s21 =	sadd.s32 $0x40, s21  }
.Ltmp12:
0x11b: {  	[tilespmem:s22+$0xF00] =	vst v8;
	(pc) =	sbr.rel @p5 .LBB2_18-.Ltmp12, $2  }
0x11c: {  	_ =	sdelay $0x2  }
0x11d: {  	v16 =	vor.u32 s3, v2;
	s22 =	sshra.s32 s1, $0x2  }
.LBB2_19:
0x11e: {  	s1 =	sshll.u32 s18, $0x15;
	s3 =	sshll.u32 s20, $0xA  }
0x11f: {  	s18 =	sor.u32 s1, s3  }
0x120: {  	[tilespmem:s22+$0x1700] =	vst v16;
	s1 =	sshrl.u32 s18, $0xA  }
0x121: {  	[tilespmem:s22+$0xF00] =	vst v8;
	s20 =	simm.s32 $0x0;
	s3 =	simm.s32 $0x40;
	v16 =	vmov s1  }
.LBB2_20:
0x122: {  	p5 =	sne.s32 s3, $0x13C0;
	v17 =	vld [tilespmem:s20+$0x500];
	_ =	sdelay $0x4  }
0x123: {  	v18 =	vand.u32 $0x3FF, v17  }
.Ltmp13:
0x124: {  	(pc) =	sbr.rel @p5 .LBB2_20-.Ltmp13, $4  }
0x125: {  	v17 =	vshrl.u32 v17, $0xA  }
0x126: {  	vm1 =	veq.s32 v17, v16  }
0x127: {  	v17 =	vsel vm1, $0x1, v8  }
0x128: {  	s20 =	sshra.s32 s3, $0x2;
	s3 =	sadd.s32 $0x40, s3;
	[tilespmem:v18+s17+$0x0] =	vst.idx.add.s32.msk $0xffff, v17  }
0x129: {  	v17 =	vld [tilespmem:s20+$0x500];
	_ =	sdelay $0x4  }
0x12a: {  	v18 =	vand.u32 $0x3FF, v17;
	_ =	sdelay $0x1  }
0x12b: {  	v17 =	vshrl.u32 v17, $0xA  }
0x12c: {  	vm1 =	veq.s32 v17, v16  }
0x12d: {  	v16 =	vsel vm1, $0x1, v8  }
0x12e: {  	s1 =	rddreg [dreg:$0x4];
	s3 =	simm.s32 $0x800;
	s4 =	simm.s32 $0x1700;
	[tilespmem:v18+s17+$0x0] =	vst.idx.add.s32.msk $0xffff, v16  }
0x12f: {  	[spmem:s1] =	stream.indirect.scatter.add.s32 [tilespmem:s17], [sflag:$0x2], $0x1, s4, s3, $0xb8;
	[tilespmem:$0x4010] =	vst v63  }
0x130: {  	_ =	swait.ge [sflag:s26], $0x800  }
0x131: {  	[sflag:s26] =	ssyncset.done $0x0  }
0x132: {  	[sflag:s26] =	ssyncadd.s32 $0xFFFFF800  }
0x133: {  	[bflag:$0x0] =	sbarrier.arrive $0xFFFF  }
0x134: {  	s29 =	rddreg [dreg:$0x19]  }
0x135: {  	[tilespmem:s17], [sflag:$0x2] =	stream.linear.gather [spmem:s29], $0x800, $0x38;
	[tilespmem:$0x4010] =	vst v63  }
0x136: {  	s30 =	ssub.s32 s12, s13;
	s12 =	simm.s32 $0x800003EF;
	_ =	swait.ge [sflag:s26], $0x800  }
0x137: {  	s13 =	simm.s32 $0x12F0;
	s20 =	simm.s32 $0x0;
	[sflag:s26] =	ssyncset.done $0x0  }
0x138: {  	s21 =	simm.s32 $0x0;
	v16 =	vmov s30;
	s3 =	simm.s32 $0x0;
	[sflag:s26] =	ssyncadd.s32 $0xFFFFF800  }
.LBB2_22:
0x139: {  	v17 =	vld [tilespmem:s13+$0x0];
	_ =	sdelay $0x4  }
0x13a: {  	v18 =	vperm.xlane v17, v12;
	_ =	sdelay $0x1  }
0x13b: {  	(xrf0) =	vadd.scan.msk.s32 $0xffff, v18;
	_ =	sdelay $0x5  }
0x13c: {  	v18, _, _ =	vpop (xrf0)  }
0x13d: {  	v18 =	vperm.xlane v18, v12;
	_ =	sdelay $0x1  }
0x13e: {  	v18 =	vadd.s32 s20, v18  }
0x13f: {  	vm1 =	vlt.s32 v18, v16  }
0x140: {  	v18 =	vsel vm1, $0x80000000, v9  }
0x141: {  	(xrf0) =	vmax.scan.msk.u32 $0xffff, v18;
	_ =	sdelay $0x5  }
0x142: {  	(xrf0) =	vadd.scan.msk.s32 $0xffff, v17;
	v17, _, _ =	vpop (xrf0)  }
0x143: {  	(v2sf) =	vpush v17, $0xF;
	_ =	sdelay $0x6  }
0x144: {  	v17, _, _ =	vpop (xrf0)  }
0x145: {  	(v2sf) =	vpush v17, $0xF;
	_ =	sdelay $0x6  }
0x146: {  	s1 =	spop (v2sf)  }
0x147: {  	s4 =	smov.u32 s3;
	s22 =	sxor.u32 $0x80000000, s1  }
0x148: {  	p6 =	sgt.u32 s21, $0x3E;
	s3 =	sadd.s32 s12, s1;
	p5 =	slt.s32 s22, $0x1  }
0x149: {  	s3 =	smov.u32 @p5 s4;
	p5 =	slt.s32 @!p6 s22, $0x1  }
0x14a: {  	p5 =	por p6, !p5  }
.Ltmp14:
0x14b: {  	_ = 	snop;
	(pc) =	sbr.rel @!p5 .LBB2_22-.Ltmp14, $3  }
0x14c: {  	_ =	sdelay $0x1  }
0x14d: {  	s21 =	sadd.s32 $0x1, s21;
	s30 =	spop (v2sf)  }
0x14e: {  	s13 =	sadd.s32 $0xFFFFFFF0, s13;
	s12 =	sadd.s32 $0xFFFFFFF0, s12;
	s20 =	sadd.s32 s20, s30  }
0x14f: {  	s1 =	simm.s32 $0x0  }
0x150: {  	v17 =	vld [tilespmem:s1+$0x500]  }
0x151: {  	s22 =	simm.s32 $0x10  }
0x152: {  	v18 =	vld [tilespmem:s22+$0x500]  }
0x153: {  	s23 =	sor.u32 s18, s3;
	s24 =	simm.s32 $0x20  }
0x154: {  	v16 =	vmov s23;
	v19 =	vld [tilespmem:s24+$0x500]  }
0x155: {  	vm1 =	veq.s32 v17, v16  }
0x156: {  	vm2 =	vgt.u32 v17, v16;
	v17 =	vsel vm1, $0x1, v8  }
0x157: {  	vm1 =	veq.s32 v18, v16;
	(xrf0) =	vadd.scan.msk.s32 $0xffff, v17;
	v17 =	vsel vm2, $0x1, v8  }
0x158: {  	vm2 =	vgt.u32 v18, v16;
	(xrf0) =	vadd.scan.msk.s32 $0xffff, v17;
	v17 =	vsel vm1, $0x1, v8  }
0x159: {  	v18 =	vsel vm2, $0x1, v8;
	vm1 =	veq.s32 v19, v16;
	(xrf0) =	vadd.scan.msk.s32 $0xffff, v17  }
0x15a: {  	vm2 =	vgt.u32 v19, v16;
	v17 =	vsel vm1, $0x1, v8;
	(xrf0) =	vadd.scan.msk.s32 $0xffff, v18  }
0x15b: {  	s29 =	simm.s32 $0x30;
	v19 =	vsel vm2, $0x1, v8;
	(xrf0) =	vadd.scan.msk.s32 $0xffff, v17  }
0x15c: {  	v18 =	vld [tilespmem:s29+$0x500];
	(xrf0) =	vadd.scan.msk.s32 $0xffff, v19  }
0x15d: {  	v17, _, _ =	vpop (xrf0)  }
0x15e: {  	v19, _, _ =	vpop (xrf0);
	(v2sf) =	vpush v17, $0xF  }
0x15f: {  	v17, _, _ =	vpop (xrf0);
	(v2sf) =	vpush v19, $0xF  }
0x160: {  	v19, _, _ =	vpop (xrf0);
	(v2sf) =	vpush v17, $0xF  }
0x161: {  	vm1 =	veq.s32 v18, v16;
	vm2 =	vgt.u32 v18, v16;
	(v2sf) =	vpush v19, $0xF;
	v18, _, _ =	vpop (xrf0)  }
0x162: {  	v20, _, _ =	vpop (xrf0);
	(v2sf) =	vpush v18, $0xF  }
0x163: {  	(v2sf) =	vpush v20, $0xF;
	_ =	sdelay $0x4  }
0x164: {  	s30 =	simm.s32 $0x40;
	v17 =	vsel vm1, $0x1, v8  }
0x165: {  	(xrf0) =	vadd.scan.msk.s32 $0xffff, v17;
	v17 =	vld [tilespmem:s30+$0x500]  }
0x166: {  	v19 =	vsel vm2, $0x1, v8  }
0x167: {  	(xrf0) =	vadd.scan.msk.s32 $0xffff, v19  }
0x168: {  	s12 =	simm.s32 $0x0;
	s3 =	simm.s32 $0x140;
	s13 =	simm.s32 $0x0  }
.LBB2_24:
0x169: {  	s1 =	sshra.s32 s3, $0x2;
	p5 =	sne.s32 s3, $0x13C0  }
.Ltmp15:
0x16a: {  	s3 =	sadd.s32 $0x40, s3;
	vm1 =	vgt.u32 v17, v16;
	vm2 =	veq.s32 v17, v16;
	s4 =	spop (v2sf);
	(pc) =	sbr.rel @p5 .LBB2_24-.Ltmp15, $4  }
0x16b: {  	v17 =	vld [tilespmem:s1+$0x500];
	v21 =	vsel vm1, $0x1, v8;
	v20 =	vsel vm2, $0x1, v8;
	s12 =	sadd.s32 s12, s4;
	s1 =	spop (v2sf)  }
0x16c: {  	(xrf0) =	vadd.scan.msk.s32 $0xffff, v20;
	v19, _, _ =	vpop (xrf0);
	s13 =	sadd.s32 s13, s1  }
0x16d: {  	(xrf0) =	vadd.scan.msk.s32 $0xffff, v21;
	v18, _, _ =	vpop (xrf0);
	(v2sf) =	vpush v19, $0xF  }
0x16e: {  	(v2sf) =	vpush v18, $0xF  }
0x16f: {  	_ = 	snop  }
0x170: {  	vm1 =	veq.s32 v17, v16  }
0x171: {  	vm2 =	vgt.u32 v17, v16;
	v17 =	vsel vm1, $0x1, v8  }
0x172: {  	v18 =	vsel vm2, $0x1, v8;
	(xrf0) =	vadd.scan.msk.s32 $0xffff, v17  }
0x173: {  	(xrf0) =	vadd.scan.msk.s32 $0xffff, v18;
	_ =	sdelay $0x2  }
0x174: {  	v17, _, _ =	vpop (xrf0)  }
0x175: {  	v18, _, _ =	vpop (xrf0);
	(v2sf) =	vpush v17, $0xF  }
0x176: {  	(v2sf) =	vpush v18, $0xF;
	v17, _, _ =	vpop (xrf0)  }
0x177: {  	v18, _, _ =	vpop (xrf0);
	(v2sf) =	vpush v17, $0xF  }
0x178: {  	(v2sf) =	vpush v18, $0xF;
	_ =	sdelay $0x5  }
0x179: {  	s1 =	spop (v2sf)  }
0x17a: {  	s3 =	spop (v2sf)  }
0x17b: {  	s4 =	spop (v2sf)  }
0x17c: {  	s18 =	spop (v2sf)  }
0x17d: {  	s20 =	spop (v2sf)  }
0x17e: {  	s21 =	spop (v2sf)  }
0x17f: {  	s3 =	sadd.s32 s13, s3;
	s30 =	spop (v2sf)  }
0x180: {  	s1 =	sadd.s32 s12, s1;
	s3 =	sadd.s32 s3, s18;
	s22 =	spop (v2sf)  }
0x181: {  	s1 =	sadd.s32 s1, s4;
	s3 =	sadd.s32 s3, s21;
	s23 =	spop (v2sf)  }
0x182: {  	s1 =	sadd.s32 s1, s20;
	s3 =	sadd.s32 s3, s22;
	s24 =	spop (v2sf)  }
.Ltmp16:
0x183: {  	s1 =	sadd.s32 s1, s30;
	s3 =	sadd.s32 s3, s24;
	(pc) =	sbr.rel @p3 .LBB2_29-.Ltmp16, $4  }
0x184: {  	s1 =	sadd.s32 s1, s23;
	v17 =	vmov s3  }
0x185: {  	[tilespmem:$0x3900] =	vst v17;
	v17 =	vmov s1  }
0x186: {  	s29 =	rddreg [dreg:$0x14];
	s30 =	simm.s32 $0x3900;
	[tilespmem:$0x3910] =	vst v17  }
0x187: {  	[spmem:s29] =	stream.linear.scatter [tilespmem:s30], [sflag:$0x1], $0x20, $0x38;
	[tilespmem:$0x4010] =	vst v63  }
0x188: {  	s3 =	simm.s32 $0x40;
	s12 =	simm.s32 $0x0  }
.LBB2_27:
0x189: {  	p5 =	sne.s32 s3, $0x600;
	[tilespmem:s12+$0x2F00] =	vst v14;
	s1 =	smov.u32 s3;
	s3 =	sadd.s32 $0x40, s3  }
.Ltmp17:
0x18a: {  	[tilespmem:s12+$0x3100] =	vst v13;
	(pc) =	sbr.rel @p5 .LBB2_27-.Ltmp17, $2  }
0x18b: {  	_ =	sdelay $0x2  }
0x18c: {  	s12 =	sshra.s32 s1, $0x2  }
0x18d: {  	[tilespmem:s12+$0x2F00] =	vst v14  }
0x18e: {  	[tilespmem:s12+$0x3100] =	vst v13;
	s1 =	rddreg [dreg:$0x1a]  }
0x18f: {  	[spmem:s1] =	stream.linear.scatter [tilespmem:s28], [sflag:$0x1], $0x190, $0x38;
	[tilespmem:$0x4010] =	vst v63  }
0x190: {  	s30 =	rddreg [dreg:$0x1b]  }
0x191: {  	[spmem:s30] =	stream.linear.scatter [tilespmem:s5], [sflag:$0x1], $0x190, $0x38;
	[tilespmem:$0x4010] =	vst v63  }
0x192: {  	_ =	swait.ge [sflag:s19], $0x190  }
0x193: {  	[sflag:s19] =	ssyncset.done $0x0  }
0x194: {  	[sflag:s19] =	ssyncadd.s32 $0xFFFFFE70  }
0x195: {  	_ =	swait.ge [sflag:s19], $0x190  }
0x196: {  	[sflag:s19] =	ssyncset.done $0x0  }
0x197: {  	[sflag:s19] =	ssyncadd.s32 $0xFFFFFE70  }
.LBB2_29:
0x198: {  	_ =	swait.ge [sflag:s19], $0x20  }
0x199: {  	[sflag:s19] =	ssyncset.done $0x0  }
0x19a: {  	[sflag:s19] =	ssyncadd.s32 $0xFFFFFFE0  }
0x19b: {  	[bflag:$0x0] =	sbarrier.arrive $0xFFFF  }
0x19c: {  	s3 =	simm.s32 $0x3980;
	s1 =	rddreg [dreg:$0x12]  }
0x19d: {  	[tilespmem:s3], [sflag:$0x2] =	stream.linear.gather [spmem:s1], $0x200, $0x38;
	[tilespmem:$0x4010] =	vst v63  }
0x19e: {  	_ =	swait.ge [sflag:s26], $0x200  }
0x19f: {  	[sflag:s26] =	ssyncset.done $0x0  }
0x1a0: {  	[sflag:s26] =	ssyncadd.s32 $0xFFFFFE00  }
0x1a1: {  	v19 =	vld.idx.msk [tilespmem:v10+s3+$0x0], $0xffff  }
0x1a2: {  	s12 =	simm.s32 $0x0;
	v18 =	vld.idx.msk [tilespmem:v15+s3+$0x0], $0xffff;
	s3 =	simm.s32 $0x40  }
.LBB2_30:
0x1a3: {  	p5 =	seq.s32 s3, $0x600;
	[tilespmem:s12+$0x2500] =	vst v0;
	s1 =	smov.u32 s3;
	s3 =	sadd.s32 $0x40, s3  }
.Ltmp18:
0x1a4: {  	[tilespmem:s12+$0x2D00] =	vst v1;
	(pc) =	sbr.rel @!p5 .LBB2_30-.Ltmp18, $2  }
0x1a5: {  	_ =	sdelay $0x2  }
0x1a6: {  	s12 =	sshra.s32 s1, $0x2  }
0x1a7: {  	(xrf0) =	vadd.scan.msk.s32 $0xffff, v19;
	_ =	sdelay $0x5  }
0x1a8: {  	v17, _, _ =	vpop (xrf0);
	(xrf0) =	vadd.scan.msk.s32 $0xffff, v18  }
0x1a9: {  	v19 =	vsub.s32 v17, v19  }
0x1aa: {  	v19 =	vnsel vm0, $0x0, v19  }
0x1ab: {  	(xrf0) =	vadd.scan.msk.s32 $0xffff, v19;
	_ =	sdelay $0x2  }
0x1ac: {  	[tilespmem:s12+$0x2500] =	vst v0;
	v19, _, _ =	vpop (xrf0)  }
0x1ad: {  	[tilespmem:s12+$0x2D00] =	vst v1;
	s23 =	simm.s32 $0x0;
	v18 =	vsub.s32 v19, v18  }
0x1ae: {  	v19 =	vld [tilespmem:s23+$0x500];
	v18 =	vnsel vm0, $0x0, v18  }
0x1af: {  	v20, _, _ =	vpop (xrf0);
	(xrf0) =	vadd.scan.msk.s32 $0xffff, v18;
	_ =	sdelay $0x3  }
0x1b0: {  	vm1 =	vge.u32 v19, v16  }
0x1b1: {  	(v2sf) =	vpush v20, $0xF;
	v20 =	vsel vm1, $0x1, v8  }
0x1b2: {  	v18, _, _ =	vpop (xrf0);
	(xrf0) =	vadd.scan.msk.s32 $0xffff, v20;
	_ =	sdelay $0x5  }
0x1b3: {  	v20, _, _ =	vpop (xrf0)  }
0x1b4: {  	(v2sf) =	vpush v20, $0xF;
	_ =	sdelay $0xd  }
0x1b5: {  	s1 =	spop (v2sf)  }
0x1b6: {  	s24 =	spop (v2sf)  }
0x1b7: {  	p6 =	slt.s32 s24, $0x1  }
0x1b8: {  	v20 =	vimm.s32 @!p6 $0x0;
	vm1 =	veq.s32 @!p6 v19, v16  }
0x1b9: {  	v21 =	vsel @!p6 vm1, $0x1, v20  }
0x1ba: {  	(xrf0) =	vadd.scan.msk.s32 @!p6 $0xffff, v21;
	_ =	sdelay $0x1  }
0x1bb: {  	v18 =	vadd.s32 v18, v17  }
0x1bc: {  	v18 =	vadd.s32 $0xFFFFFFFF, v18  }
0x1bd: {  	v18 =	vbroadcast v18, $0xF;
	vm2 =	vgt.u32 @!p6 v19, v16  }
0x1be: {  	s18 =	simm.s32 $0x0;
	v21 =	vsel @!p6 vm2, $0x1, v20  }
0x1bf: {  	s3 =	rddreg [dreg:$0x13];
	v22 =	vadd.s32 @!p6 s18, v18;
	v23, _, _ =	vpop @!p6 (xrf0);
	(xrf0) =	vadd.scan.msk.s32 @!p6 $0xffff, v21  }
0x1c0: {  	s20 =	sadd.s32 s3, s1;
	s1 =	simm.s32 @!p6 $0x0;
	v21 =	vadd.s32 @!p6 v23, v22  }
0x1c1: {  	s3 =	sadd.s32 @!p6 $0x0, s20;
	v22 =	vld @!p6 [tilespmem:s1+$0xA00];
	vm3 =	vlt.s32 @!p6 v21, v4  }
0x1c2: {  	v19 =	vxor.u32 @!p6 $0x80000000, v19;
	v24 =	vmov @!p6 s3;
	vm1 =	vmand @!p6 vm1, vm3  }
0x1c3: {  	v25 =	vlaneseq.u32 @!p6;
	v26 =	vld @!p6 [tilespmem:s1+$0x0];
	v24 =	vadd.s32 @!p6 $0xFFFFFFFF, v24;
	v20 =	vsel @!p6 vm1, $0x1, v20  }
0x1c4: {  	[tilespmem:s18+$0x1F00] =	vst.msk @!p6 vm2, v19;
	(xrf0) =	vadd.scan.msk.s32 @!p6 $0xffff, v20;
	v20 =	vbroadcast @!p6 v24, $0x0;
	v24 =	vor.u32 @!p6 s25, v25  }
0x1c5: {  	[tilespmem:s18+$0x2100] =	vst.msk @!p6 vm2, v24;
	v19, _, _ =	vpop @!p6 (xrf0)  }
0x1c6: {  	v20 =	vadd.s32 @!p6 v19, v20;
	[tilespmem:s18+$0x2300] =	vst.msk @!p6 vm2, v22  }
0x1c7: {  	[tilespmem:s18+$0x2500] =	vst.msk @!p6 vm2, v20  }
0x1c8: {  	[tilespmem:s18+$0x2700] =	vst.msk @!p6 vm1, v26  }
0x1c9: {  	[tilespmem:s18+$0x2900] =	vst.msk @!p6 vm1, v24  }
0x1ca: {  	(v2sf) =	vpush @!p6 v23, $0xF;
	v20 =	vadd.s32 @!p6 v3, v21;
	[tilespmem:s18+$0x2B00] =	vst.msk @!p6 vm1, v22  }
0x1cb: {  	s30 =	simm.s32 $0x10;
	(v2sf) =	vpush @!p6 v19, $0xF;
	v19, _, _ =	vpop @!p6 (xrf0);
	[tilespmem:s18+$0x2D00] =	vst.msk @!p6 vm1, v20  }
0x1cc: {  	(v2sf) =	vpush @!p6 v19, $0xF;
	v19 =	vld [tilespmem:s30+$0x500];
	_ =	sdelay $0x4  }
0x1cd: {  	vm1 =	vge.u32 v19, v16  }
0x1ce: {  	v20 =	vsel vm1, $0x1, v8  }
0x1cf: {  	(xrf0) =	vadd.scan.msk.s32 $0xffff, v20;
	_ =	sdelay $0x5  }
0x1d0: {  	v20, _, _ =	vpop (xrf0)  }
0x1d1: {  	s1 =	spop @!p6 (v2sf);
	(v2sf) =	vpush v20, $0xF  }
0x1d2: {  	s13 =	simm.s32 $0x80  }
0x1d3: {  	s12 =	smov.u32 s25;
	s24 =	simm.s32 $0x40;
	s3 =	spop @!p6 (v2sf)  }
0x1d4: {  	s29 =	sadd.s32 @!p6 $0x0, s1;
	s21 =	sadd.s32 @!p6 $0x0, s3;
	s1 =	spop @!p6 (v2sf)  }
0x1d5: {  	s29 =	smov.u32 @p6 s18;
	s21 =	smov.u32 @p6 s18;
	s3 =	sadd.s32 @!p6 $0x0, s1  }
.LBB2_32:
0x1d6: {  	s22 =	smov.u32 s29;
	s30 =	smov.u32 s21  }
0x1d7: {  	s1 =	smov.u32 s18;
	s18 =	smov.u32 s3;
	s12 =	sadd.s32 $0x10, s12  }
0x1d8: {  	s18 =	smov.u32 @p6 s1;
	s1 =	smov.u32 s13;
	s13 =	sadd.s32 $0x40, s13  }
0x1d9: {  	p5 =	sne.s32 s13, $0x1400;
	_ =	sdelay $0x6  }
0x1da: {  	s3 =	spop (v2sf)  }
0x1db: {  	p6 =	slt.s32 s3, $0x1  }
0x1dc: {  	s3 =	sshra.s32 @!p6 s24, $0x2;
	vm1 =	vgt.u32 @!p6 v19, v16;
	s4 =	sadd.s32 @!p6 s21, s20;
	v20 =	vimm.s32 @!p6 $0x0;
	vm2 =	veq.s32 @!p6 v19, v16;
	s24 =	smov.u32 s1  }
0x1dd: {  	v21 =	vsel @!p6 vm1, $0x1, v20;
	v22 =	vmov @!p6 s4;
	v23 =	vsel @!p6 vm2, $0x1, v20  }
0x1de: {  	v24 =	vlaneseq.u32 @!p6;
	v19 =	vxor.u32 @!p6 $0x80000000, v19;
	v22 =	vadd.s32 @!p6 $0xFFFFFFFF, v22;
	(xrf0) =	vadd.scan.msk.s32 @!p6 $0xffff, v23  }
0x1df: {  	v22 =	vbroadcast @!p6 v22, $0x0;
	(xrf0) =	vadd.scan.msk.s32 @!p6 $0xffff, v21;
	_ =	sdelay $0x1  }
0x1e0: {  	v21 =	vld @!p6 [tilespmem:s3+$0xA00];
	_ =	sdelay $0x1  }
0x1e1: {  	v23 =	vld @!p6 [tilespmem:s3+$0x0]  }
0x1e2: {  	v24 =	vor.u32 @!p6 s12, v24;
	[tilespmem:s21+$0x1F00] =	vst.msk @!p6 vm1, v19;
	v19 =	vadd.s32 @!p6 s29, v18;
	v25, _, _ =	vpop @!p6 (xrf0)  }
0x1e3: {  	[tilespmem:s21+$0x2100] =	vst.msk @!p6 vm1, v24;
	v19 =	vadd.s32 @!p6 v25, v19;
	v26, _, _ =	vpop @!p6 (xrf0);
	(v2sf) =	vpush @!p6 v25, $0xF  }
0x1e4: {  	v22 =	vadd.s32 @!p6 v26, v22;
	[tilespmem:s21+$0x2300] =	vst.msk @!p6 vm1, v21;
	vm3 =	vlt.s32 @!p6 v19, v4;
	v19 =	vadd.s32 @!p6 v3, v19  }
0x1e5: {  	[tilespmem:s21+$0x2500] =	vst.msk @!p6 vm1, v22;
	vm1 =	vmand @!p6 vm2, vm3;
	(v2sf) =	vpush @!p6 v26, $0xF  }
0x1e6: {  	[tilespmem:s18+$0x2700] =	vst.msk @!p6 vm1, v23;
	v20 =	vsel @!p6 vm1, $0x1, v20  }
0x1e7: {  	[tilespmem:s18+$0x2900] =	vst.msk @!p6 vm1, v24;
	(xrf0) =	vadd.scan.msk.s32 @!p6 $0xffff, v20  }
0x1e8: {  	[tilespmem:s18+$0x2B00] =	vst.msk @!p6 vm1, v21  }
0x1e9: {  	s1 =	sshra.s32 s24, $0x2;
	[tilespmem:s18+$0x2D00] =	vst.msk @!p6 vm1, v19  }
0x1ea: {  	v19 =	vld [tilespmem:s1+$0x500];
	_ =	sdelay $0x2  }
0x1eb: {  	v20, _, _ =	vpop @!p6 (xrf0)  }
0x1ec: {  	(v2sf) =	vpush @!p6 v20, $0xF  }
0x1ed: {  	vm1 =	vge.u32 v19, v16  }
0x1ee: {  	v20 =	vsel vm1, $0x1, v8  }
0x1ef: {  	(xrf0) =	vadd.scan.msk.s32 $0xffff, v20  }
0x1f0: {  	s1 =	spop @!p6 (v2sf)  }
0x1f1: {  	s29 =	sadd.s32 @!p6 s29, s1  }
0x1f2: {  	s29 =	smov.u32 @p6 s22;
	s1 =	spop @!p6 (v2sf)  }
0x1f3: {  	s21 =	sadd.s32 @!p6 s21, s1  }
0x1f4: {  	s21 =	smov.u32 @p6 s30  }
0x1f5: {  	v20, _, _ =	vpop (xrf0)  }
0x1f6: {  	(v2sf) =	vpush v20, $0xF;
	_ =	sdelay $0x1  }
.Ltmp19:
0x1f7: {  	(pc) =	sbr.rel @p5 .LBB2_32-.Ltmp19, $3  }
0x1f8: {  	_ =	sdelay $0x1  }
0x1f9: {  	s1 =	spop @!p6 (v2sf)  }
0x1fa: {  	s3 =	sadd.s32 @!p6 s18, s1  }
0x1fb: {  	_ =	sdelay $0x7  }
0x1fc: {  	s1 =	spop (v2sf)  }
0x1fd: {  	p5 =	slt.s32 s1, $0x1  }
0x1fe: {  	v20 =	vimm.s32 @!p5 $0x0;
	vm1 =	veq.s32 @!p5 v19, v16  }
0x1ff: {  	v21 =	vsel @!p5 vm1, $0x1, v20  }
0x200: {  	(xrf0) =	vadd.scan.msk.s32 @!p5 $0xffff, v21;
	_ =	sdelay $0x5  }
0x201: {  	v18 =	vadd.s32 @!p5 s29, v18;
	vm2 =	vgt.u32 @!p5 v19, v16;
	v21, _, _ =	vpop @!p5 (xrf0)  }
0x202: {  	v16 =	vadd.s32 @!p5 v21, v18;
	v18 =	vsel @!p5 vm2, $0x1, v20  }
0x203: {  	vm3 =	vlt.s32 @!p5 v16, v4;
	(xrf0) =	vadd.scan.msk.s32 @!p5 $0xffff, v18  }
0x204: {  	vm1 =	vmand @!p5 vm1, vm3  }
0x205: {  	v18 =	vsel @!p5 vm1, $0x1, v20  }
0x206: {  	s1 =	sshra.s32 @!p5 s24, $0x2;
	(v2sf) =	vpush @!p5 v21, $0xF;
	(xrf0) =	vadd.scan.msk.s32 @!p5 $0xffff, v18  }
0x207: {  	s4 =	sadd.s32 @!p5 s21, s20;
	v18 =	vld @!p5 [tilespmem:s1+$0xA00]  }
0x208: {  	v20 =	vmov @!p5 s4  }
0x209: {  	v22 =	vlaneseq.u32 @!p5;
	v19 =	vxor.u32 @!p5 $0x80000000, v19;
	v21 =	vld @!p5 [tilespmem:s1+$0x0];
	s1 =	sadd.s32 $0x10, s12;
	v20 =	vadd.s32 @!p5 $0xFFFFFFFF, v20;
	v23, _, _ =	vpop @!p5 (xrf0)  }
0x20a: {  	[tilespmem:s21+$0x1F00] =	vst.msk @!p5 vm2, v19;
	v22 =	vor.u32 @!p5 s1, v22;
	v20 =	vbroadcast @!p5 v20, $0x0;
	(v2sf) =	vpush @!p5 v23, $0xF  }
0x20b: {  	[tilespmem:s21+$0x2100] =	vst.msk @!p5 vm2, v22  }
0x20c: {  	v20 =	vadd.s32 @!p5 v23, v20;
	[tilespmem:s21+$0x2300] =	vst.msk @!p5 vm2, v18;
	v19, _, _ =	vpop @!p5 (xrf0)  }
0x20d: {  	s3 =	smov.u32 @p6 s18;
	[tilespmem:s21+$0x2500] =	vst.msk @!p5 vm2, v20;
	(v2sf) =	vpush @!p5 v19, $0xF  }
0x20e: {  	[tilespmem:s3+$0x2700] =	vst.msk @!p5 vm1, v21  }
0x20f: {  	[tilespmem:s3+$0x2900] =	vst.msk @!p5 vm1, v22  }
0x210: {  	v16 =	vadd.s32 @!p5 v3, v16;
	[tilespmem:s3+$0x2B00] =	vst.msk @!p5 vm1, v18  }
0x211: {  	s13 =	simm.s32 $0x1F00;
	s4 =	rddreg [dreg:$0x6];
	s12 =	simm.s32 $0x2500;
	[tilespmem:s3+$0x2D00] =	vst.msk @!p5 vm1, v16  }
0x212: {  	[spmem:s4] =	stream.indirect.scatter [tilespmem:s13], [sflag:$0x1], $0x1, s12, s2, $0xb8;
	[tilespmem:$0x4010] =	vst v63  }
0x213: {  	s18 =	rddreg [dreg:$0x7];
	s20 =	simm.s32 $0x2100  }
0x214: {  	[spmem:s18] =	stream.indirect.scatter [tilespmem:s20], [sflag:$0x1], $0x1, s12, s2, $0xb8;
	[tilespmem:$0x4010] =	vst v63  }
0x215: {  	s22 =	simm.s32 $0x2300;
	s21 =	rddreg [dreg:$0x8];
	s1 =	spop @!p5 (v2sf)  }
0x216: {  	[spmem:s21] =	stream.indirect.scatter [tilespmem:s22], [sflag:$0x1], $0x1, s12, s2, $0xb8;
	[tilespmem:$0x4010] =	vst v63  }
0x217: {  	s1 =	simm.s32 $0x2700  }
0x218: {  	[spmem:s8] =	stream.indirect.scatter [tilespmem:s1], [sflag:$0x1], $0x1, s6, s2, $0xb8;
	[tilespmem:$0x4010] =	vst v63  }
0x219: {  	s1 =	spop @!p5 (v2sf)  }
0x21a: {  	s1 =	simm.s32 $0x2900  }
0x21b: {  	[spmem:s9] =	stream.indirect.scatter [tilespmem:s1], [sflag:$0x1], $0x1, s6, s2, $0xb8;
	[tilespmem:$0x4010] =	vst v63  }
0x21c: {  	s1 =	spop @!p5 (v2sf)  }
0x21d: {  	s1 =	simm.s32 $0x2B00  }
0x21e: {  	[spmem:s10] =	stream.indirect.scatter [tilespmem:s1], [sflag:$0x1], $0x1, s6, s2, $0xb8;
	[tilespmem:$0x4010] =	vst v63  }
0x21f: {  	_ =	swait.ge [sflag:s19], $0x190  }
0x220: {  	[sflag:s19] =	ssyncset.done $0x0  }
0x221: {  	[sflag:s19] =	ssyncadd.s32 $0xFFFFFE70  }
0x222: {  	_ =	swait.ge [sflag:s19], $0x190  }
0x223: {  	[sflag:s19] =	ssyncset.done $0x0  }
0x224: {  	[sflag:s19] =	ssyncadd.s32 $0xFFFFFE70  }
0x225: {  	_ =	swait.ge [sflag:s19], $0x190  }
0x226: {  	[sflag:s19] =	ssyncset.done $0x0  }
0x227: {  	[sflag:s19] =	ssyncadd.s32 $0xFFFFFE70  }
0x228: {  	_ =	swait.ge [sflag:s19], $0x190  }
0x229: {  	[sflag:s19] =	ssyncset.done $0x0  }
0x22a: {  	[sflag:s19] =	ssyncadd.s32 $0xFFFFFE70  }
0x22b: {  	_ =	swait.ge [sflag:s19], $0x190  }
0x22c: {  	[sflag:s19] =	ssyncset.done $0x0  }
0x22d: {  	[sflag:s19] =	ssyncadd.s32 $0xFFFFFE70  }
0x22e: {  	_ =	swait.ge [sflag:s19], $0x190  }
0x22f: {  	[sflag:s19] =	ssyncset.done $0x0  }
0x230: {  	[sflag:s19] =	ssyncadd.s32 $0xFFFFFE70  }
0x231: {  	[bflag:$0x0] =	sbarrier.arrive $0xFFFF  }
0x232: {  	s23 =	rddreg [dreg:$0x1a]  }
0x233: {  	[tilespmem:s28], [sflag:$0x1] =	stream.linear.gather [spmem:s23], $0x190, $0x38;
	[tilespmem:$0x4010] =	vst v63  }
0x234: {  	s24 =	rddreg [dreg:$0x1b]  }
0x235: {  	[tilespmem:s5], [sflag:$0x1] =	stream.linear.gather [spmem:s24], $0x190, $0x38;
	[tilespmem:$0x4010] =	vst v63  }
0x236: {  	s30 =	simm.s32 $0x3300;
	s29 =	rddreg [dreg:$0x1c]  }
0x237: {  	[tilespmem:s30], [sflag:$0x1] =	stream.linear.gather [spmem:s29], $0x190, $0x38;
	[tilespmem:$0x4010] =	vst v63  }
0x238: {  	_ =	swait.ge [sflag:s19], $0x190  }
0x239: {  	[sflag:s19] =	ssyncset.done $0x0  }
0x23a: {  	[sflag:s19] =	ssyncadd.s32 $0xFFFFFE70  }
0x23b: {  	_ =	swait.ge [sflag:s19], $0x190  }
0x23c: {  	[sflag:s19] =	ssyncset.done $0x0  }
0x23d: {  	[sflag:s19] =	ssyncadd.s32 $0xFFFFFE70  }
0x23e: {  	_ =	swait.ge [sflag:s19], $0x190  }
0x23f: {  	[sflag:s19] =	ssyncset.done $0x0  }
0x240: {  	[sflag:s19] =	ssyncadd.s32 $0xFFFFFE70  }
0x241: {  	[tilespmem:$0x3280] =	vst v13  }
0x242: {  	[tilespmem:$0x3080] =	vst v14;
	v20 =	vld [tilespmem:s31+$0x2F00]  }
0x243: {  	v19 =	vld [tilespmem:s31+$0x3100];
	_ =	sdelay $0x1  }
0x244: {  	v21 =	vimm.s32 $0x0;
	s13 =	simm.s32 $0x0;
	s12 =	simm.s32 $0x0;
	v18 =	vld [tilespmem:s31+$0x3300]  }
.LBB2_34:
0x245: {  	s1 =	sshll.u32 s13, $0x4  }
0x246: {  	v16 =	vmov s1  }
0x247: {  	v22 =	vadd.s32 s12, v2;
	v16 =	vbroadcast v16, $0x0  }
0x248: {  	v22 =	vand.u32 $0xF, v22  }
0x249: {  	v22 =	vor.u32 v16, v22;
	_ =	sdelay $0x4  }
0x24a: {  	s29 =	simm.s32 $0x1;
	v23 =	vld.idx.msk [tilespmem:v22+s28+$0x0], $0xffff  }
0x24b: {  	v24 =	vadd.s32 s29, v2;
	v22 =	vld.idx.msk [tilespmem:v22+s5+$0x0], $0xffff  }
0x24c: {  	v24 =	vand.u32 $0xF, v24  }
0x24d: {  	v24 =	vor.u32 v16, v24;
	_ =	sdelay $0x1  }
0x24e: {  	s30 =	simm.s32 $0x2  }
0x24f: {  	vm1 =	vlt.s32 v22, v19;
	v22 =	vadd.s32 s30, v2  }
0x250: {  	vm2 =	veq.s32 v23, v20;
	vm3 =	vgt.s32 v23, v20;
	v23 =	vand.u32 $0xF, v22  }
0x251: {  	v22 =	vld.idx.msk [tilespmem:v24+s28+$0x0], $0xffff;
	v23 =	vor.u32 v16, v23  }
0x252: {  	vm1 =	vmand vm2, vm1;
	v24 =	vld.idx.msk [tilespmem:v24+s5+$0x0], $0xffff  }
0x253: {  	vm1 =	vmor vm3, vm1  }
0x254: {  	s3 =	simm.s32 $0x3;
	v25 =	vsel vm1, $0x1, v8  }
.LBB2_35:
0x255: {  	v27 =	vadd.s32 s3, v2;
	v21 =	vadd.s32 v25, v21;
	p5 =	sne.s32 s3, $0xF  }
.Ltmp20:
0x256: {  	s3 =	sadd.s32 $0x1, s3;
	v26 =	vmov v22;
	v25 =	vand.u32 $0xF, v27;
	v22 =	vld.idx.msk [tilespmem:v23+s28+$0x0], $0xffff;
	(pc) =	sbr.rel @p5 .LBB2_35-.Ltmp20, $4  }
0x257: {  	vm1 =	vlt.s32 v24, v19;
	vm2 =	veq.s32 v26, v20;
	v24 =	vld.idx.msk [tilespmem:v23+s5+$0x0], $0xffff;
	v23 =	vor.u32 v16, v25  }
0x258: {  	vm3 =	vgt.s32 v26, v20;
	vm1 =	vmand vm2, vm1  }
0x259: {  	vm1 =	vmor vm3, vm1  }
0x25a: {  	v25 =	vsel vm1, $0x1, v8  }
0x25b: {  	_ =	sdelay $0x3  }
0x25c: {  	v16 =	vld.idx.msk [tilespmem:v23+s28+$0x0], $0xffff  }
0x25d: {  	v23 =	vld.idx.msk [tilespmem:v23+s5+$0x0], $0xffff;
	_ =	sdelay $0x2  }
0x25e: {  	s13 =	sadd.s32 $0x1, s13  }
0x25f: {  	vm2 =	veq.s32 v22, v20;
	vm3 =	vgt.s32 v22, v20;
	vm1 =	vlt.s32 v24, v19;
	p5 =	sne.s32 s13, $0x19  }
.Ltmp21:
0x260: {  	vm1 =	vmand vm2, vm1;
	vm2 =	vlt.s32 v23, v19;
	vm4 =	veq.s32 v16, v20;
	(pc) =	sbr.rel @p5 .LBB2_34-.Ltmp21, $4  }
0x261: {  	vm1 =	vmor vm3, vm1;
	vm3 =	vgt.s32 v16, v20;
	vm2 =	vmand vm4, vm2  }
0x262: {  	v16 =	vadd.s32 v25, v21;
	v21 =	vsel vm1, $0x1, v8;
	vm1 =	vmor vm3, vm2  }
0x263: {  	v16 =	vadd.s32 v21, v16;
	v21 =	vsel vm1, $0x1, v8  }
0x264: {  	v21 =	vadd.s32 v21, v16  }
0x265: {  	v16 =	vbroadcast v17, $0xF;
	vm1 =	vlt.s32 v21, v6  }
0x266: {  	v22 =	vxor.u32 $0x7FFFFFFF, v20;
	v17 =	vsel vm1, v21, v6;
	vm1 =	vlt.s32 v20, $0x0  }
0x267: {  	v20 =	vsel vm1, v22, v20;
	vm1 =	vgt.s32 v17, $0x0  }
0x268: {  	[tilespmem:$0x3580] =	vst v19;
	vm2 =	vlt.s32 v5, v16;
	v17 =	vnsel vm1, $0x0, v17;
	vm1 =	vlt.s32 v21, v4  }
0x269: {  	[tilespmem:$0x3600] =	vst v18;
	vm1 =	vmand vm2, vm1;
	v17 =	vadd.s32 v3, v17  }
0x26a: {  	[tilespmem:$0x3500] =	vst v20;
	v17 =	vsel vm1, v17, v1  }
0x26b: {  	s1 =	simm.s32 $0x3500;
	[tilespmem:$0x3680] =	vst v17  }
0x26c: {  	[spmem:s8] =	stream.indirect.scatter [tilespmem:s1], [sflag:$0x1], $0x1, s15, s7, $0xb8;
	[tilespmem:$0x4010] =	vst v63  }
0x26d: {  	s24 =	simm.s32 $0x3580  }
0x26e: {  	[spmem:s9] =	stream.indirect.scatter [tilespmem:s24], [sflag:$0x1], $0x1, s15, s7, $0xb8;
	[tilespmem:$0x4010] =	vst v63  }
0x26f: {  	s29 =	simm.s32 $0x3600  }
0x270: {  	[spmem:s10] =	stream.indirect.scatter [tilespmem:s29], [sflag:$0x1], $0x1, s15, s7, $0xb8;
	[tilespmem:$0x4010] =	vst v63  }
0x271: {  	_ =	swait.ge [sflag:s19], $0x10  }
0x272: {  	[sflag:s19] =	ssyncset.done $0x0  }
0x273: {  	[sflag:s19] =	ssyncadd.s32 $0xFFFFFFF0  }
0x274: {  	_ =	swait.ge [sflag:s19], $0x10  }
0x275: {  	[sflag:s19] =	ssyncset.done $0x0  }
0x276: {  	[sflag:s19] =	ssyncadd.s32 $0xFFFFFFF0  }
0x277: {  	_ =	swait.ge [sflag:s19], $0x10  }
0x278: {  	s30 =	sld [smem:$0x7FA];
	_ =	sdelay $0x2  }
0x279: {  	p5 =	seq.s32 s30, $0x1  }
.Ltmp22:
0x27a: {  	_ = 	snop;
	(pc) =	sbr.rel @p5 .LBB2_43-.Ltmp22, $3  }
0x27b: {  	_ =	sdelay $0x1  }
0x27c: {  	[sflag:s19] =	ssyncset.done $0x0  }
0x27d: {  	[sflag:s19] =	ssyncadd.s32 $0xFFFFFFF0  }
0x27e: {  	v19 =	vld [tilespmem:s0+$0x2F00]  }
0x27f: {  	v18 =	vld [tilespmem:s0+$0x3100];
	_ =	sdelay $0x1  }
0x280: {  	v17 =	vld [tilespmem:s0+$0x3300];
	s12 =	simm.s32 $0x0;
	v20 =	vimm.s32 $0x0;
	s13 =	simm.s32 $0x0  }
.LBB2_39:
0x281: {  	s1 =	sshll.u32 s13, $0x4  }
0x282: {  	v21 =	vmov s1  }
0x283: {  	v22 =	vadd.s32 s12, v2;
	v21 =	vbroadcast v21, $0x0  }
0x284: {  	v22 =	vand.u32 $0xF, v22  }
0x285: {  	v22 =	vor.u32 v21, v22;
	_ =	sdelay $0x4  }
0x286: {  	s29 =	simm.s32 $0x1;
	v23 =	vld.idx.msk [tilespmem:v22+s28+$0x0], $0xffff  }
0x287: {  	v24 =	vadd.s32 s29, v2;
	v22 =	vld.idx.msk [tilespmem:v22+s5+$0x0], $0xffff  }
0x288: {  	v24 =	vand.u32 $0xF, v24  }
0x289: {  	v24 =	vor.u32 v21, v24;
	_ =	sdelay $0x1  }
0x28a: {  	s30 =	simm.s32 $0x2  }
0x28b: {  	vm1 =	vlt.s32 v22, v18;
	v22 =	vadd.s32 s30, v2  }
0x28c: {  	vm2 =	veq.s32 v23, v19;
	vm3 =	vgt.s32 v23, v19;
	v23 =	vand.u32 $0xF, v22  }
0x28d: {  	v22 =	vld.idx.msk [tilespmem:v24+s28+$0x0], $0xffff;
	v23 =	vor.u32 v21, v23  }
0x28e: {  	vm1 =	vmand vm2, vm1;
	v24 =	vld.idx.msk [tilespmem:v24+s5+$0x0], $0xffff  }
0x28f: {  	vm1 =	vmor vm3, vm1  }
0x290: {  	s3 =	simm.s32 $0x3;
	v25 =	vsel vm1, $0x1, v8  }
.LBB2_40:
0x291: {  	v27 =	vadd.s32 s3, v2;
	v20 =	vadd.s32 v25, v20;
	p5 =	sne.s32 s3, $0xF  }
.Ltmp23:
0x292: {  	s3 =	sadd.s32 $0x1, s3;
	v26 =	vmov v22;
	v25 =	vand.u32 $0xF, v27;
	v22 =	vld.idx.msk [tilespmem:v23+s28+$0x0], $0xffff;
	(pc) =	sbr.rel @p5 .LBB2_40-.Ltmp23, $4  }
0x293: {  	vm1 =	vlt.s32 v24, v18;
	vm2 =	veq.s32 v26, v19;
	v24 =	vld.idx.msk [tilespmem:v23+s5+$0x0], $0xffff;
	v23 =	vor.u32 v21, v25  }
0x294: {  	vm3 =	vgt.s32 v26, v19;
	vm1 =	vmand vm2, vm1  }
0x295: {  	vm1 =	vmor vm3, vm1  }
0x296: {  	v25 =	vsel vm1, $0x1, v8  }
0x297: {  	_ =	sdelay $0x3  }
0x298: {  	v21 =	vld.idx.msk [tilespmem:v23+s28+$0x0], $0xffff  }
0x299: {  	v23 =	vld.idx.msk [tilespmem:v23+s5+$0x0], $0xffff;
	_ =	sdelay $0x2  }
0x29a: {  	s13 =	sadd.s32 $0x1, s13  }
0x29b: {  	vm2 =	veq.s32 v22, v19;
	vm3 =	vgt.s32 v22, v19;
	vm1 =	vlt.s32 v24, v18;
	p5 =	sne.s32 s13, $0x19  }
.Ltmp24:
0x29c: {  	vm1 =	vmand vm2, vm1;
	vm2 =	vlt.s32 v23, v18;
	vm4 =	veq.s32 v21, v19;
	(pc) =	sbr.rel @p5 .LBB2_39-.Ltmp24, $4  }
0x29d: {  	vm1 =	vmor vm3, vm1;
	vm3 =	vgt.s32 v21, v19;
	vm2 =	vmand vm4, vm2  }
0x29e: {  	v20 =	vadd.s32 v25, v20;
	v21 =	vsel vm1, $0x1, v8;
	vm1 =	vmor vm3, vm2  }
0x29f: {  	v20 =	vadd.s32 v21, v20;
	v21 =	vsel vm1, $0x1, v8  }
0x2a0: {  	v20 =	vadd.s32 v21, v20  }
0x2a1: {  	vm1 =	vlt.s32 v20, v6  }
0x2a2: {  	v22 =	vxor.u32 $0x7FFFFFFF, v19;
	v21 =	vsel vm1, v20, v6;
	vm1 =	vlt.s32 v19, $0x0  }
0x2a3: {  	v19 =	vsel vm1, v22, v19;
	vm1 =	vgt.s32 v21, $0x0  }
0x2a4: {  	vm2 =	vlt.s32 v7, v16;
	[tilespmem:$0x3780] =	vst v18;
	v16 =	vnsel vm1, $0x0, v21;
	vm1 =	vlt.s32 v20, v4  }
0x2a5: {  	[tilespmem:$0x3800] =	vst v17;
	vm1 =	vmand vm2, vm1;
	v16 =	vadd.s32 v3, v16  }
0x2a6: {  	[tilespmem:$0x3700] =	vst v19;
	v16 =	vsel vm1, v16, v1  }
0x2a7: {  	s1 =	simm.s32 $0x3880;
	s3 =	simm.s32 $0x3700;
	[tilespmem:$0x3880] =	vst v16  }
0x2a8: {  	[spmem:s8] =	stream.indirect.scatter [tilespmem:s3], [sflag:$0x1], $0x1, s1, s7, $0xb8;
	[tilespmem:$0x4010] =	vst v63  }
0x2a9: {  	s29 =	simm.s32 $0x3780  }
0x2aa: {  	[spmem:s9] =	stream.indirect.scatter [tilespmem:s29], [sflag:$0x1], $0x1, s1, s7, $0xb8;
	[tilespmem:$0x4010] =	vst v63  }
0x2ab: {  	s30 =	simm.s32 $0x3800  }
0x2ac: {  	[spmem:s10] =	stream.indirect.scatter [tilespmem:s30], [sflag:$0x1], $0x1, s1, s7, $0xb8;
	[tilespmem:$0x4010] =	vst v63  }
0x2ad: {  	_ =	swait.ge [sflag:s19], $0x10  }
0x2ae: {  	[sflag:s19] =	ssyncset.done $0x0  }
0x2af: {  	[sflag:s19] =	ssyncadd.s32 $0xFFFFFFF0  }
0x2b0: {  	_ =	swait.ge [sflag:s19], $0x10  }
.Ltmp25:
0x2b1: {  	[sflag:s19] =	ssyncset.done $0x0;
	(pc) =	sbr.rel .LBB2_43-.Ltmp25, $4  }
0x2b2: {  	[sflag:s19] =	ssyncadd.s32 $0xFFFFFFF0  }
0x2b3: {  	_ =	swait.ge [sflag:s19], $0x10  }
0x2b4: {  	[sflag:s19] =	ssyncset.done $0x0  }
0x2b5: {  	[sflag:s19] =	ssyncadd.s32 $0xFFFFFFF0  }
.LBB2_44:
0x2b6: {  	_ =	sfence.sel $0x180000  }
0x2b7: {  	[bflag:$0x0] =	sbarrier.arrive $0xFFFF  }
0x2b8: {  	_ =	strace $0x9000004A  }
0x2b9: {  	[bflag:$0x2] =	sbarrier.arrive $0xFFFF  }
0x2ba: {  	s0 =	rddreg [dreg:$0xc]  }
0x2bb: {  	s0 =	sadd.s32 @!p3 $0x100000, s0  }
0x2bc: {  	[sflag:s0] =	ssyncadd.tile.s32 @!p3 $0x1;
	_ =	shalt  }
.Lfunc_end2:
_tile_overlayer_lowered:
.L_overlay_start_2:
0x2bd: {  	(tag) =	ssettag $0x2  }
0x2be: {  	s0 =	rddreg [dreg:$0x0];
	s2 =	stileid.u32  }
0x2bf: {  	s1 =	rddreg [dreg:$0x1];
	p0 =	sne.s32 s2, $0x0  }
0x2c0: {  	s3 =	rddreg [dreg:$0x2];
	[bflag:$0x3] =	sbarrier.arrive $0xFFFF;
	s2 =	simm.s32 @!p0 $0x1C02  }
0x2c1: {  	[timem:s3], [sflag:s2] =	dma.local @!p0 [hbm:s0], s1  }
0x2c2: {  	s0 =	simm.s32 @!p0 $0x2  }
0x2c3: {  	_ =	swait.ge @!p0 [sflag:s0], s1  }
0x2c4: {  	s1 =	ssub.s32 @!p0 $0x0, s1;
	[sflag:s0] =	ssyncset.done @!p0 $0x0  }
0x2c5: {  	[sflag:s0] =	ssyncadd.s32 @!p0 s1  }
0x2c6: {  	[bflag:$0x3] =	sbarrier.arrive $0xFFFF  }
0x2c7: {  	_ =	shalt  }

</sc_bundles>
